<compile_context>
chip_gen: v7x
topology: tpu7x:2x2x1
jax: 0.10.2.dev20260603
libtpu: 0.0.44.dev20260713+nightly
codegen_flags: <defaults>
</compile_context>

<pallas_src>
import jax
import jax.numpy as jnp
from jax import lax
from jax.experimental import pallas as pl
from jax.experimental.pallas import tpu as pltpu
from jax.experimental.pallas import tpu_sc as plsc

_N = 10000
_E = 320000
_F = 128
_NC = 2
_NS = 16
_NW = _NC * _NS
_C = 48
_CH = -2 * (-(_E // (_NS * _C) + 1) // 2)
_K = _CH * _C
_EP = _K * _NS
_RH = 5008
_RPS = 320
_RPL = _RH - 15 * _RPS
_DR = 80
_BLK = 2000


def _sc_body(h_hbm, asrc_hbm, adst_hbm, edge_hbm,
             out_hbm, outden_hbm,
             asrc_v, adst_v, edgeb0, edgeb1, srcb0, srcb1, dstb0, dstb1,
             wb0, wb1, rin0, rin1, rows_out, denom_v, zb, dstb3, acc,
             sem0, sem1, esem0, esem1, ssem):
    edgeb = [edgeb0, edgeb1]
    srcb2 = [srcb0, srcb1]
    dstb2 = [dstb0, dstb1]
    wb = [wb0, wb1]
    rows_in = [rin0, rin1]
    sem = [sem0, sem1]
    esem = [esem0, esem1]
    c = lax.axis_index("c")
    s = lax.axis_index("s")
    lo = c * _RH

    pltpu.sync_copy(asrc_hbm, asrc_v)
    pltpu.sync_copy(adst_hbm, adst_v)

    def _zden(j, carry):
        for k in range(8):
            denom_v[j, 16 * k:16 * (k + 1)] = jnp.zeros((16,), jnp.float32)
        return carry
    lax.fori_loop(0, _DR, _zden, 0)
    lanes = lax.broadcasted_iota(jnp.int32, (16,), 0)

    def _zrow(j, carry):
        for k in range(_F // 16):
            zb[j, 16 * k:16 * (k + 1)] = jnp.zeros((16,), jnp.float32)
        return carry
    lax.fori_loop(0, _RPS, _zrow, 0)

    @pl.when(s < _NS - 1)
    def _():
        pltpu.sync_copy(zb, acc.at[pl.ds(s * _RPS, _RPS)])

    @pl.when(s == _NS - 1)
    def _():
        pltpu.sync_copy(zb.at[pl.ds(0, _RPL)],
                        acc.at[pl.ds((_NS - 1) * _RPS, _RPL)])

    plsc.subcore_barrier()

    neg1 = jnp.full((16,), -1, jnp.int32)

    def _weights(t, b):
        base = s * _K + t * _C
        for i in range(_C // 16):
            srcb2[b][16 * i:16 * (i + 1)] = neg1
            dstb2[b][16 * i:16 * (i + 1)] = neg1
        cnt = jnp.int32(0)
        for i in range(_C // 16):
            pv = edgeb[b][16 * i:16 * (i + 1)]
            sv = lax.shift_right_logical(pv, 14)
            dv = lax.bitwise_and(pv, 16383)
            e = plsc.load_gather(asrc_v, [sv]) + plsc.load_gather(adst_v, [dv])
            e = jnp.maximum(e, 0.0) + 0.2 * jnp.minimum(e, 0.0)
            w = jnp.exp(e)
            local = dv - lo
            idv = base + 16 * i + lanes
            keep = jnp.logical_and(
                jnp.logical_and(local >= 0, local < _RH),
                jnp.logical_and(idv < _E, idv < s * _K + _K))
            plsc.addupdate_scatter(
                denom_v, [lax.shift_right_logical(dv, 7),
                          lax.bitwise_and(dv, 127)], w, mask=keep)
            plsc.store_compressed(srcb2[b].at[pl.ds(cnt, 16)], sv, mask=keep)
            plsc.store_compressed(dstb2[b].at[pl.ds(cnt, 16)], local, mask=keep)
            plsc.store_compressed(wb[b].at[pl.ds(cnt, 16)], w, mask=keep)
            cnt = cnt + jnp.sum(keep.astype(jnp.int32))
        return cnt

    def _issue_gather(b):
        return pltpu.async_copy(
            h_hbm.at[plsc.Indices(srcb2[b], ignored_value=-1)],
            rows_in[b], sem[b])

    def _issue_scatter():
        return pltpu.async_copy(
            rows_out, acc.at[plsc.Indices(dstb3, ignored_value=-1)],
            ssem, add=True)

    pltpu.sync_copy(edge_hbm.at[pl.ds(s * _K, _C)], edgeb[0])
    cnt0 = _weights(0, 0)
    _issue_gather(0)

    def _pair(q, carry):
        cnts = list(carry)
        for b in range(2):
            t = 2 * q + b
            nb = 1 - b
            pltpu.async_copy(
                edge_hbm.at[pl.ds(s * _K + (t + 1) * _C, _C)],
                edgeb[nb], esem[nb])
            pltpu.make_async_copy(
                h_hbm.at[plsc.Indices(srcb2[b], ignored_value=-1)],
                rows_in[b], sem[b]).wait()
            pltpu.make_async_copy(
                edge_hbm.at[pl.ds(s * _K + (t + 1) * _C, _C)],
                edgeb[nb], esem[nb]).wait()
            cnts[nb] = _weights(t + 1, nb)

            @pl.when(t + 1 < _CH)
            def _():
                _issue_gather(nb)

            @pl.when(t > 0)
            def _():
                pltpu.make_async_copy(
                    rows_out,
                    acc.at[plsc.Indices(dstb3, ignored_value=-1)],
                    ssem).wait()

            cnt8 = lax.bitwise_and(cnts[b] + 7, -8)

            @plsc.parallel_loop(0, cnt8, 1, unroll=8)
            def _row(j):
                w = plsc.load_gather(wb[b], [jnp.full((16,), j, jnp.int32)])
                for k in range(_F // 16):
                    rows_out[j, 16 * k:16 * (k + 1)] = (
                        rows_in[b][j, 16 * k:16 * (k + 1)] * w)

            for i in range(_C // 16):
                dstb3[16 * i:16 * (i + 1)] = dstb2[b][16 * i:16 * (i + 1)]
            _issue_scatter()
        return tuple(cnts)
    lax.fori_loop(0, _CH // 2, _pair, (cnt0, jnp.int32(0)))
    pltpu.make_async_copy(
        rows_out, acc.at[plsc.Indices(dstb3, ignored_value=-1)],
        ssem).wait()

    plsc.subcore_barrier()

    @pl.when(s < _NS - 1)
    def _():
        pltpu.sync_copy(acc.at[pl.ds(s * _RPS, _RPS)],
                        out_hbm.at[c, pl.ds(s * _RPS, _RPS)])

    @pl.when(s == _NS - 1)
    def _():
        pltpu.sync_copy(acc.at[pl.ds((_NS - 1) * _RPS, _RPL)],
                        out_hbm.at[c, pl.ds((_NS - 1) * _RPS, _RPL)])

    pltpu.sync_copy(denom_v, outden_hbm.at[s * _NC + c])


import functools


@functools.cache
def _make_sc_call():
  return pl.kernel(
    _sc_body,
    out_type=[
        jax.ShapeDtypeStruct((_NC, _RH, _F), jnp.float32),
        jax.ShapeDtypeStruct((_NW, _DR, 128), jnp.float32),
    ],
    mesh=plsc.VectorSubcoreMesh(core_axis_name="c", subcore_axis_name="s",
                                num_cores=_NC, num_subcores=_NS),
    scratch_types=[
        pltpu.VMEM((_N,), jnp.float32),
        pltpu.VMEM((_N,), jnp.float32),
        pltpu.VMEM((_C,), jnp.int32),
        pltpu.VMEM((_C,), jnp.int32),
        pltpu.VMEM((_C,), jnp.int32),
        pltpu.VMEM((_C,), jnp.int32),
        pltpu.VMEM((_C,), jnp.int32),
        pltpu.VMEM((_C,), jnp.int32),
        pltpu.VMEM((_C,), jnp.float32),
        pltpu.VMEM((_C,), jnp.float32),
        pltpu.VMEM((_C, _F), jnp.float32),
        pltpu.VMEM((_C, _F), jnp.float32),
        pltpu.VMEM((_C, _F), jnp.float32),
        pltpu.VMEM((_DR, 128), jnp.float32),
        pltpu.VMEM((_RPS, _F), jnp.float32),
        pltpu.VMEM((_C,), jnp.int32),
        pltpu.VMEM_SHARED((_RH, _F), jnp.float32),
        pltpu.SemaphoreType.DMA,
        pltpu.SemaphoreType.DMA,
        pltpu.SemaphoreType.DMA,
        pltpu.SemaphoreType.DMA,
        pltpu.SemaphoreType.DMA,
    ],
    compiler_params=pltpu.CompilerParams(needs_layout_passes=False),
  )


def _dense_body(x_ref, w_ref, as_ref, ad_ref, h_ref, a1_ref, a2_ref):
    h = jnp.dot(x_ref[...], w_ref[...], preferred_element_type=jnp.float32)
    h_ref[...] = h
    a1_ref[...] = jnp.sum(h * as_ref[...], axis=1, keepdims=True)
    a2_ref[...] = jnp.sum(h * ad_ref[...], axis=1, keepdims=True)


_dense_part = pl.pallas_call(
    _dense_body,
    grid=(_N // _BLK,),
    in_specs=[
        pl.BlockSpec((_BLK, _F), lambda i: (i, 0)),
        pl.BlockSpec((_F, _F), lambda i: (0, 0)),
        pl.BlockSpec((1, _F), lambda i: (0, 0)),
        pl.BlockSpec((1, _F), lambda i: (0, 0)),
    ],
    out_specs=[
        pl.BlockSpec((_BLK, _F), lambda i: (i, 0)),
        pl.BlockSpec((_BLK, 1), lambda i: (i, 0)),
        pl.BlockSpec((_BLK, 1), lambda i: (i, 0)),
    ],
    out_shape=[
        jax.ShapeDtypeStruct((_N, _F), jnp.float32),
        jax.ShapeDtypeStruct((_N, 1), jnp.float32),
        jax.ShapeDtypeStruct((_N, 1), jnp.float32),
    ],
)


def _densum_body(d_ref, o_ref):
    o_ref[...] = jnp.sum(d_ref[...], axis=0)


_densum = pl.pallas_call(
    _densum_body,
    grid=(1,),
    in_specs=[pl.BlockSpec((_NW, _DR, 128), lambda i: (0, 0, 0))],
    out_specs=pl.BlockSpec((_DR, 128), lambda i: (0, 0)),
    out_shape=jax.ShapeDtypeStruct((_DR, 128), jnp.float32),
)


def _head_body(n_ref, d_ref, h_ref, a1_ref, a2_ref,
               b_ref, fw_ref, fb_ref, o_ref):
    e = a1_ref[...] + a2_ref[...]
    w = jnp.exp(jnp.maximum(e, 0.0) + 0.2 * jnp.minimum(e, 0.0))
    num = n_ref[...] + w * h_ref[...]
    den = d_ref[...] + w + 1e-16
    out = num / den + b_ref[...]
    logits = jnp.dot(out, fw_ref[...], preferred_element_type=jnp.float32)
    logits = logits + fb_ref[...]
    m = jnp.max(logits, axis=1, keepdims=True)
    lse = m + jnp.log(jnp.sum(jnp.exp(logits - m), axis=1, keepdims=True))
    o_ref[...] = logits - lse


def _make_head(n_class):
    return pl.pallas_call(
        _head_body,
        grid=(_N // _BLK,),
        in_specs=[
            pl.BlockSpec((_BLK, _F), lambda i: (i, 0)),
            pl.BlockSpec((_BLK, 1), lambda i: (i, 0)),
            pl.BlockSpec((_BLK, _F), lambda i: (i, 0)),
            pl.BlockSpec((_BLK, 1), lambda i: (i, 0)),
            pl.BlockSpec((_BLK, 1), lambda i: (i, 0)),
            pl.BlockSpec((1, _F), lambda i: (0, 0)),
            pl.BlockSpec((_F, n_class), lambda i: (0, 0)),
            pl.BlockSpec((1, n_class), lambda i: (0, 0)),
        ],
        out_specs=pl.BlockSpec((_BLK, n_class), lambda i: (i, 0)),
        out_shape=jax.ShapeDtypeStruct((_N, n_class), jnp.float32),
    )


def kernel(x, edge_index, W, att_src, att_dst, bias, fc_W, fc_b):
    n_class = fc_W.shape[0]
    h, asrc, adst = _dense_part(x, W, att_src.reshape(1, _F),
                                att_dst.reshape(1, _F))

    src = edge_index[0].astype(jnp.int32)
    dst = edge_index[1].astype(jnp.int32)
    pad = _EP - _E + _C
    packed = jnp.concatenate(
        [lax.shift_left(src, 14) | dst, jnp.zeros((pad,), jnp.int32)])

    accs, dens = _make_sc_call()(h, asrc.reshape(_N), adst.reshape(_N),
                                 packed)

    num = accs.reshape(_NC * _RH, _F)[:_N]
    den = _densum(dens).reshape(_DR * 128, 1)[:_N]

    return _make_head(n_class)(
        num, den, h, asrc, adst,
        bias.reshape(1, _F), fc_W.T, fc_b.reshape(1, n_class))

# --- scband reference (transcript-rebuilt; emitter-appended) ---
"""Pipeline reference for scband-gat-41472204210772 (READ-ONLY COPY).

The authoritative reference and input builder live on the scoring server;
editing this copy changes nothing except your own understanding.
"""

import jax, jax.numpy as jnp
import numpy as np

N = 10000
E = 320000
F_IN = 128
F_HID = 128
N_CLASS = 2


def setup_inputs(seed: int = 0) -> dict:
    key = jax.random.key(seed)
    ks = jax.random.split(key, 8)
    x = jax.random.normal(ks[0], (N, F_IN), dtype=jnp.float32)
    edge_index = jax.random.randint(ks[1], (2, E), 0, N)
    # GATConv parameters (heads=1): linear weight, attention vectors, bias
    W = jax.random.normal(ks[2], (F_IN, F_HID), dtype=jnp.float32) * np.sqrt(2.0 / (F_IN + F_HID))
    att_src = jax.random.normal(ks[3], (F_HID,), dtype=jnp.float32) * np.sqrt(2.0 / (F_HID + 1))
    att_dst = jax.random.normal(ks[4], (F_HID,), dtype=jnp.float32) * np.sqrt(2.0 / (F_HID + 1))
    bias = jnp.zeros((F_HID,), dtype=jnp.float32)
    # Final fc layer (xavier init, zero bias per weights_init)
    fc_W = jax.random.normal(ks[5], (N_CLASS, F_HID), dtype=jnp.float32) * np.sqrt(2.0 / (F_HID + N_CLASS))
    fc_b = jnp.zeros((N_CLASS,), dtype=jnp.float32)
    return {"x": x, "edge_index": edge_index, "W": W, "att_src": att_src,
            "att_dst": att_dst, "bias": bias, "fc_W": fc_W, "fc_b": fc_b}


def reference(x, edge_index, W, att_src, att_dst, bias, fc_W, fc_b):
    n = x.shape[0]
    # GATConv (heads=1, concat=True, negative_slope=0.2, add_self_loops=True)
    loops = jnp.arange(n, dtype=edge_index.dtype)
    src = jnp.concatenate([edge_index[0], loops])
    dst = jnp.concatenate([edge_index[1], loops])
    h = x @ W  # [N, F_HID]
    a_src = jnp.sum(h * att_src, axis=-1)  # [N]
    a_dst = jnp.sum(h * att_dst, axis=-1)  # [N]
    e = a_src[src] + a_dst[dst]  # [E+N]
    e = jax.nn.leaky_relu(e, negative_slope=0.2)
    # softmax over incoming edges of each dst node
    m = jax.ops.segment_max(e, dst, num_segments=n)
    m = jnp.where(jnp.isfinite(m), m, 0.0)
    ex = jnp.exp(e - m[dst])
    denom = jax.ops.segment_sum(ex, dst, num_segments=n)
    alpha = ex / (denom[dst] + 1e-16)
    out = jax.ops.segment_sum(alpha[:, None] * h[src], dst, num_segments=n) + bias
    # fc + log_softmax
    logits = out @ fc_W.T + fc_b
    return jax.nn.log_softmax(logits, axis=1)

if __name__ == "__main__":
    import jax
    _d = setup_inputs()
    print(jax.jit(kernel)(*tuple(_d.values())))

</pallas_src>

<mosaic_0001>
#map = affine_map<(d0, d1) -> (0, 0)>
#map1 = affine_map<(d0, d1) -> (0)>
#map2 = affine_map<(d0, d1) -> (0, 0, 0)>
module attributes {stable_mosaic.version = 14 : i64} {
  func.func @_sc_body(%arg0: i32, %arg1: i32, %arg2: memref<10000x128xf32, #tpu.memory_space<hbm>>, %arg3: memref<10000xf32, #tpu.memory_space<hbm>>, %arg4: memref<10000xf32, #tpu.memory_space<hbm>>, %arg5: memref<321072xi32, #tpu.memory_space<hbm>>, %arg6: memref<2x5008x128xf32, #tpu.memory_space<hbm>>, %arg7: memref<32x80x128xf32, #tpu.memory_space<hbm>>, %arg8: memref<10000xf32, #tpu.memory_space<vmem>>, %arg9: memref<10000xf32, #tpu.memory_space<vmem>>, %arg10: memref<48xi32, #tpu.memory_space<vmem>>, %arg11: memref<48xi32, #tpu.memory_space<vmem>>, %arg12: memref<48xi32, #tpu.memory_space<vmem>>, %arg13: memref<48xi32, #tpu.memory_space<vmem>>, %arg14: memref<48xi32, #tpu.memory_space<vmem>>, %arg15: memref<48xi32, #tpu.memory_space<vmem>>, %arg16: memref<48xf32, #tpu.memory_space<vmem>>, %arg17: memref<48xf32, #tpu.memory_space<vmem>>, %arg18: memref<48x128xf32, #tpu.memory_space<vmem>>, %arg19: memref<48x128xf32, #tpu.memory_space<vmem>>, %arg20: memref<48x128xf32, #tpu.memory_space<vmem>>, %arg21: memref<80x128xf32, #tpu.memory_space<vmem>>, %arg22: memref<320x128xf32, #tpu.memory_space<vmem>>, %arg23: memref<48xi32, #tpu.memory_space<vmem>>, %arg24: memref<5008x128xf32, #tpu.memory_space<vmem_shared>>, %arg25: memref<!tpu.dma_semaphore, #tpu.memory_space<semaphore_mem>>, %arg26: memref<!tpu.dma_semaphore, #tpu.memory_space<semaphore_mem>>, %arg27: memref<!tpu.dma_semaphore, #tpu.memory_space<semaphore_mem>>, %arg28: memref<!tpu.dma_semaphore, #tpu.memory_space<semaphore_mem>>, %arg29: memref<!tpu.dma_semaphore, #tpu.memory_space<semaphore_mem>>) attributes {dimension_semantics = [#tpu.dimension_semantics<core_parallel>, #tpu.dimension_semantics<subcore_parallel>], iteration_bounds = array<i64: 2, 16>, scalar_prefetch = 0 : i64, scratch_operands = 22 : i64, tpu.core_type = #tpu.core_type<sc_vector_subcore>, window_params = [{transform_indices = #map}, {transform_indices = #map1}, {transform_indices = #map1}, {transform_indices = #map1}, {transform_indices = #map2}, {transform_indices = #map2}]} {
    %mul3A = arith.constant 5008 : i32
    %mul3A_0 = arith.muli %arg0, %mul3A : i32
    "tpu.region"() ({
      %run_scoped3A = tpu.sem_alloc : memref<!tpu.dma_semaphore, #tpu.memory_space<semaphore_mem>>
      tpu.enqueue_dma source(%arg3 : memref<10000xf32, #tpu.memory_space<hbm>>) target(%arg8 : memref<10000xf32, #tpu.memory_space<vmem>>) target_semaphore(%run_scoped3A : memref<!tpu.dma_semaphore, #tpu.memory_space<semaphore_mem>>)
      tpu.wait_dma2 semaphore(%run_scoped3A : memref<!tpu.dma_semaphore, #tpu.memory_space<semaphore_mem>>) src(%arg3 : memref<10000xf32, #tpu.memory_space<hbm>>) dst(%arg8 : memref<10000xf32, #tpu.memory_space<vmem>>)
      tpu.yield
    }) : () -> ()
    "tpu.region"() ({
      %run_scoped3A = tpu.sem_alloc : memref<!tpu.dma_semaphore, #tpu.memory_space<semaphore_mem>>
      tpu.enqueue_dma source(%arg4 : memref<10000xf32, #tpu.memory_space<hbm>>) target(%arg9 : memref<10000xf32, #tpu.memory_space<vmem>>) target_semaphore(%run_scoped3A : memref<!tpu.dma_semaphore, #tpu.memory_space<semaphore_mem>>)
      tpu.wait_dma2 semaphore(%run_scoped3A : memref<!tpu.dma_semaphore, #tpu.memory_space<semaphore_mem>>) src(%arg4 : memref<10000xf32, #tpu.memory_space<hbm>>) dst(%arg9 : memref<10000xf32, #tpu.memory_space<vmem>>)
      tpu.yield
    }) : () -> ()
    %scan3A = arith.constant 0 : i32
    %scan3A_1 = arith.constant 0 : i32
    %scan3A_2 = arith.constant 80 : i32
    %scan3A_3 = arith.addi %scan3A_1, %scan3A_2 : i32
    %scan3A_4 = arith.constant 1 : i32
    scf.for %scan3A_247 = %scan3A_1 to %scan3A_3 step %scan3A_4  : i32 {
      %broadcast_in_dim3A_248 = arith.constant 0.000000e+00 : f32
      %broadcast_in_dim3A_249 = vector.broadcast %broadcast_in_dim3A_248 : f32 to vector<16xf32>
      %swap3A_250 = arith.index_cast %scan3A_247 : i32 to index
      %swap3A_251 = arith.constant 0 : index
      %swap3A_252 = tpu.vector_load %arg21[%swap3A_250, %swap3A_251] {strides = array<i32>} : memref<80x128xf32, #tpu.memory_space<vmem>>, vector<16xf32>,
      tpu.vector_store %arg21[%swap3A_250, %swap3A_251], %broadcast_in_dim3A_249 {strides = array<i32>} : memref<80x128xf32, #tpu.memory_space<vmem>>, vector<16xf32>,
      %broadcast_in_dim3A_253 = arith.constant 0.000000e+00 : f32
      %broadcast_in_dim3A_254 = vector.broadcast %broadcast_in_dim3A_253 : f32 to vector<16xf32>
      %swap3A_255 = arith.index_cast %scan3A_247 : i32 to index
      %swap3A_256 = arith.constant 16 : index
      %swap3A_257 = tpu.vector_load %arg21[%swap3A_255, %swap3A_256] {strides = array<i32>} : memref<80x128xf32, #tpu.memory_space<vmem>>, vector<16xf32>,
      tpu.vector_store %arg21[%swap3A_255, %swap3A_256], %broadcast_in_dim3A_254 {strides = array<i32>} : memref<80x128xf32, #tpu.memory_space<vmem>>, vector<16xf32>,
      %broadcast_in_dim3A_258 = arith.constant 0.000000e+00 : f32
      %broadcast_in_dim3A_259 = vector.broadcast %broadcast_in_dim3A_258 : f32 to vector<16xf32>
      %swap3A_260 = arith.index_cast %scan3A_247 : i32 to index
      %swap3A_261 = arith.constant 32 : index
      %swap3A_262 = tpu.vector_load %arg21[%swap3A_260, %swap3A_261] {strides = array<i32>} : memref<80x128xf32, #tpu.memory_space<vmem>>, vector<16xf32>,
      tpu.vector_store %arg21[%swap3A_260, %swap3A_261], %broadcast_in_dim3A_259 {strides = array<i32>} : memref<80x128xf32, #tpu.memory_space<vmem>>, vector<16xf32>,
      %broadcast_in_dim3A_263 = arith.constant 0.000000e+00 : f32
      %broadcast_in_dim3A_264 = vector.broadcast %broadcast_in_dim3A_263 : f32 to vector<16xf32>
      %swap3A_265 = arith.index_cast %scan3A_247 : i32 to index
      %swap3A_266 = arith.constant 48 : index
      %swap3A_267 = tpu.vector_load %arg21[%swap3A_265, %swap3A_266] {strides = array<i32>} : memref<80x128xf32, #tpu.memory_space<vmem>>, vector<16xf32>,
      tpu.vector_store %arg21[%swap3A_265, %swap3A_266], %broadcast_in_dim3A_264 {strides = array<i32>} : memref<80x128xf32, #tpu.memory_space<vmem>>, vector<16xf32>,
      %broadcast_in_dim3A_268 = arith.constant 0.000000e+00 : f32
      %broadcast_in_dim3A_269 = vector.broadcast %broadcast_in_dim3A_268 : f32 to vector<16xf32>
      %swap3A_270 = arith.index_cast %scan3A_247 : i32 to index
      %swap3A_271 = arith.constant 64 : index
      %swap3A_272 = tpu.vector_load %arg21[%swap3A_270, %swap3A_271] {strides = array<i32>} : memref<80x128xf32, #tpu.memory_space<vmem>>, vector<16xf32>,
      tpu.vector_store %arg21[%swap3A_270, %swap3A_271], %broadcast_in_dim3A_269 {strides = array<i32>} : memref<80x128xf32, #tpu.memory_space<vmem>>, vector<16xf32>,
      %broadcast_in_dim3A_273 = arith.constant 0.000000e+00 : f32
      %broadcast_in_dim3A_274 = vector.broadcast %broadcast_in_dim3A_273 : f32 to vector<16xf32>
      %swap3A_275 = arith.index_cast %scan3A_247 : i32 to index
      %swap3A_276 = arith.constant 80 : index
      %swap3A_277 = tpu.vector_load %arg21[%swap3A_275, %swap3A_276] {strides = array<i32>} : memref<80x128xf32, #tpu.memory_space<vmem>>, vector<16xf32>,
      tpu.vector_store %arg21[%swap3A_275, %swap3A_276], %broadcast_in_dim3A_274 {strides = array<i32>} : memref<80x128xf32, #tpu.memory_space<vmem>>, vector<16xf32>,
      %broadcast_in_dim3A_278 = arith.constant 0.000000e+00 : f32
      %broadcast_in_dim3A_279 = vector.broadcast %broadcast_in_dim3A_278 : f32 to vector<16xf32>
      %swap3A_280 = arith.index_cast %scan3A_247 : i32 to index
      %swap3A_281 = arith.constant 96 : index
      %swap3A_282 = tpu.vector_load %arg21[%swap3A_280, %swap3A_281] {strides = array<i32>} : memref<80x128xf32, #tpu.memory_space<vmem>>, vector<16xf32>,
      tpu.vector_store %arg21[%swap3A_280, %swap3A_281], %broadcast_in_dim3A_279 {strides = array<i32>} : memref<80x128xf32, #tpu.memory_space<vmem>>, vector<16xf32>,
      %broadcast_in_dim3A_283 = arith.constant 0.000000e+00 : f32
      %broadcast_in_dim3A_284 = vector.broadcast %broadcast_in_dim3A_283 : f32 to vector<16xf32>
      %swap3A_285 = arith.index_cast %scan3A_247 : i32 to index
      %swap3A_286 = arith.constant 112 : index
      %swap3A_287 = tpu.vector_load %arg21[%swap3A_285, %swap3A_286] {strides = array<i32>} : memref<80x128xf32, #tpu.memory_space<vmem>>, vector<16xf32>,
      tpu.vector_store %arg21[%swap3A_285, %swap3A_286], %broadcast_in_dim3A_284 {strides = array<i32>} : memref<80x128xf32, #tpu.memory_space<vmem>>, vector<16xf32>,
    }
    %scan3A_5 = arith.constant 80 : i32
    %iota3A = tpu.iota {dimensions = array<i32: 0>} : vector<16xi32>
    %scan3A_6 = arith.constant 0 : i32
    %scan3A_7 = arith.constant 0 : i32
    %scan3A_8 = arith.constant 320 : i32
    %scan3A_9 = arith.addi %scan3A_7, %scan3A_8 : i32
    %scan3A_10 = arith.constant 1 : i32
    scf.for %scan3A_247 = %scan3A_7 to %scan3A_9 step %scan3A_10  : i32 {
      %broadcast_in_dim3A_248 = arith.constant 0.000000e+00 : f32
      %broadcast_in_dim3A_249 = vector.broadcast %broadcast_in_dim3A_248 : f32 to vector<16xf32>
      %swap3A_250 = arith.index_cast %scan3A_247 : i32 to index
      %swap3A_251 = arith.constant 0 : index
      %swap3A_252 = tpu.vector_load %arg22[%swap3A_250, %swap3A_251] {strides = array<i32>} : memref<320x128xf32, #tpu.memory_space<vmem>>, vector<16xf32>,
      tpu.vector_store %arg22[%swap3A_250, %swap3A_251], %broadcast_in_dim3A_249 {strides = array<i32>} : memref<320x128xf32, #tpu.memory_space<vmem>>, vector<16xf32>,
      %broadcast_in_dim3A_253 = arith.constant 0.000000e+00 : f32
      %broadcast_in_dim3A_254 = vector.broadcast %broadcast_in_dim3A_253 : f32 to vector<16xf32>
      %swap3A_255 = arith.index_cast %scan3A_247 : i32 to index
      %swap3A_256 = arith.constant 16 : index
      %swap3A_257 = tpu.vector_load %arg22[%swap3A_255, %swap3A_256] {strides = array<i32>} : memref<320x128xf32, #tpu.memory_space<vmem>>, vector<16xf32>,
      tpu.vector_store %arg22[%swap3A_255, %swap3A_256], %broadcast_in_dim3A_254 {strides = array<i32>} : memref<320x128xf32, #tpu.memory_space<vmem>>, vector<16xf32>,
      %broadcast_in_dim3A_258 = arith.constant 0.000000e+00 : f32
      %broadcast_in_dim3A_259 = vector.broadcast %broadcast_in_dim3A_258 : f32 to vector<16xf32>
      %swap3A_260 = arith.index_cast %scan3A_247 : i32 to index
      %swap3A_261 = arith.constant 32 : index
      %swap3A_262 = tpu.vector_load %arg22[%swap3A_260, %swap3A_261] {strides = array<i32>} : memref<320x128xf32, #tpu.memory_space<vmem>>, vector<16xf32>,
      tpu.vector_store %arg22[%swap3A_260, %swap3A_261], %broadcast_in_dim3A_259 {strides = array<i32>} : memref<320x128xf32, #tpu.memory_space<vmem>>, vector<16xf32>,
      %broadcast_in_dim3A_263 = arith.constant 0.000000e+00 : f32
      %broadcast_in_dim3A_264 = vector.broadcast %broadcast_in_dim3A_263 : f32 to vector<16xf32>
      %swap3A_265 = arith.index_cast %scan3A_247 : i32 to index
      %swap3A_266 = arith.constant 48 : index
      %swap3A_267 = tpu.vector_load %arg22[%swap3A_265, %swap3A_266] {strides = array<i32>} : memref<320x128xf32, #tpu.memory_space<vmem>>, vector<16xf32>,
      tpu.vector_store %arg22[%swap3A_265, %swap3A_266], %broadcast_in_dim3A_264 {strides = array<i32>} : memref<320x128xf32, #tpu.memory_space<vmem>>, vector<16xf32>,
      %broadcast_in_dim3A_268 = arith.constant 0.000000e+00 : f32
      %broadcast_in_dim3A_269 = vector.broadcast %broadcast_in_dim3A_268 : f32 to vector<16xf32>
      %swap3A_270 = arith.index_cast %scan3A_247 : i32 to index
      %swap3A_271 = arith.constant 64 : index
      %swap3A_272 = tpu.vector_load %arg22[%swap3A_270, %swap3A_271] {strides = array<i32>} : memref<320x128xf32, #tpu.memory_space<vmem>>, vector<16xf32>,
      tpu.vector_store %arg22[%swap3A_270, %swap3A_271], %broadcast_in_dim3A_269 {strides = array<i32>} : memref<320x128xf32, #tpu.memory_space<vmem>>, vector<16xf32>,
      %broadcast_in_dim3A_273 = arith.constant 0.000000e+00 : f32
      %broadcast_in_dim3A_274 = vector.broadcast %broadcast_in_dim3A_273 : f32 to vector<16xf32>
      %swap3A_275 = arith.index_cast %scan3A_247 : i32 to index
      %swap3A_276 = arith.constant 80 : index
      %swap3A_277 = tpu.vector_load %arg22[%swap3A_275, %swap3A_276] {strides = array<i32>} : memref<320x128xf32, #tpu.memory_space<vmem>>, vector<16xf32>,
      tpu.vector_store %arg22[%swap3A_275, %swap3A_276], %broadcast_in_dim3A_274 {strides = array<i32>} : memref<320x128xf32, #tpu.memory_space<vmem>>, vector<16xf32>,
      %broadcast_in_dim3A_278 = arith.constant 0.000000e+00 : f32
      %broadcast_in_dim3A_279 = vector.broadcast %broadcast_in_dim3A_278 : f32 to vector<16xf32>
      %swap3A_280 = arith.index_cast %scan3A_247 : i32 to index
      %swap3A_281 = arith.constant 96 : index
      %swap3A_282 = tpu.vector_load %arg22[%swap3A_280, %swap3A_281] {strides = array<i32>} : memref<320x128xf32, #tpu.memory_space<vmem>>, vector<16xf32>,
      tpu.vector_store %arg22[%swap3A_280, %swap3A_281], %broadcast_in_dim3A_279 {strides = array<i32>} : memref<320x128xf32, #tpu.memory_space<vmem>>, vector<16xf32>,
      %broadcast_in_dim3A_283 = arith.constant 0.000000e+00 : f32
      %broadcast_in_dim3A_284 = vector.broadcast %broadcast_in_dim3A_283 : f32 to vector<16xf32>
      %swap3A_285 = arith.index_cast %scan3A_247 : i32 to index
      %swap3A_286 = arith.constant 112 : index
      %swap3A_287 = tpu.vector_load %arg22[%swap3A_285, %swap3A_286] {strides = array<i32>} : memref<320x128xf32, #tpu.memory_space<vmem>>, vector<16xf32>,
      tpu.vector_store %arg22[%swap3A_285, %swap3A_286], %broadcast_in_dim3A_284 {strides = array<i32>} : memref<320x128xf32, #tpu.memory_space<vmem>>, vector<16xf32>,
    }
    %scan3A_11 = arith.constant 320 : i32
    %lt3A = arith.constant 15 : i32
    %lt3A_12 = arith.cmpi slt, %arg1, %lt3A : i32
    %convert_element_type3A = arith.extui %lt3A_12 : i1 to i32
    %cond3A = arith.constant 0 : i32
    %cond3A_13 = arith.cmpi ne, %convert_element_type3A, %cond3A : i32
    scf.if %cond3A_13 {
      %mul3A_247 = arith.constant 320 : i32
      %mul3A_248 = arith.muli %arg1, %mul3A_247 : i32
      "tpu.region"() ({
        %run_scoped3A = tpu.sem_alloc : memref<!tpu.dma_semaphore, #tpu.memory_space<semaphore_mem>>
        %dma_start3A_249 = arith.constant 0 : i32
        %dma_start3A_250 = tpu.memref_slice %arg24[%mul3A_248, %dma_start3A_249] : memref<5008x128xf32, #tpu.memory_space<vmem_shared>> -> memref<320x128xf32, #tpu.memory_space<vmem_shared>>
        %dma_start3A_251 = arith.constant 0 : i32
        %dma_start3A_252 = tpu.memref_slice %arg24[%mul3A_248, %dma_start3A_251] : memref<5008x128xf32, #tpu.memory_space<vmem_shared>> -> memref<320x128xf32, #tpu.memory_space<vmem_shared>>
        tpu.enqueue_dma source(%arg22 : memref<320x128xf32, #tpu.memory_space<vmem>>) target(%dma_start3A_252 : memref<320x128xf32, #tpu.memory_space<vmem_shared>>) target_semaphore(%run_scoped3A : memref<!tpu.dma_semaphore, #tpu.memory_space<semaphore_mem>>)
        %dma_wait3A_253 = arith.constant 0 : i32
        %dma_wait3A_254 = tpu.memref_slice %arg24[%mul3A_248, %dma_wait3A_253] : memref<5008x128xf32, #tpu.memory_space<vmem_shared>> -> memref<320x128xf32, #tpu.memory_space<vmem_shared>>
        %dma_wait3A_255 = arith.constant 0 : i32
        %dma_wait3A_256 = tpu.memref_slice %arg24[%mul3A_248, %dma_wait3A_255] : memref<5008x128xf32, #tpu.memory_space<vmem_shared>> -> memref<320x128xf32, #tpu.memory_space<vmem_shared>>
        tpu.wait_dma2 semaphore(%run_scoped3A : memref<!tpu.dma_semaphore, #tpu.memory_space<semaphore_mem>>) src(%arg22 : memref<320x128xf32, #tpu.memory_space<vmem>>) dst(%dma_wait3A_256 : memref<320x128xf32, #tpu.memory_space<vmem_shared>>)
        tpu.yield
      }) : () -> ()
    } else {
    }
    %eq3A = arith.constant 15 : i32
    %eq3A_14 = arith.cmpi eq, %arg1, %eq3A : i32
    %convert_element_type3A_15 = arith.extui %eq3A_14 : i1 to i32
    %cond3A_16 = arith.constant 0 : i32
    %cond3A_17 = arith.cmpi ne, %convert_element_type3A_15, %cond3A_16 : i32
    scf.if %cond3A_17 {
      "tpu.region"() ({
        %run_scoped3A = tpu.sem_alloc : memref<!tpu.dma_semaphore, #tpu.memory_space<semaphore_mem>>
        %dma_start3A_247 = arith.constant 0 : i32
        %dma_start3A_248 = arith.constant 0 : i32
        %dma_start3A_249 = tpu.memref_slice %arg22[%dma_start3A_247, %dma_start3A_248] : memref<320x128xf32, #tpu.memory_space<vmem>> -> memref<208x128xf32, #tpu.memory_space<vmem>>
        %dma_start3A_250 = arith.constant 4800 : i32
        %dma_start3A_251 = arith.constant 0 : i32
        %dma_start3A_252 = tpu.memref_slice %arg24[%dma_start3A_250, %dma_start3A_251] : memref<5008x128xf32, #tpu.memory_space<vmem_shared>> -> memref<208x128xf32, #tpu.memory_space<vmem_shared>>
        %dma_start3A_253 = arith.constant 4800 : i32
        %dma_start3A_254 = arith.constant 0 : i32
        %dma_start3A_255 = tpu.memref_slice %arg24[%dma_start3A_253, %dma_start3A_254] : memref<5008x128xf32, #tpu.memory_space<vmem_shared>> -> memref<208x128xf32, #tpu.memory_space<vmem_shared>>
        %dma_start3A_256 = arith.constant 0 : i32
        %dma_start3A_257 = arith.constant 0 : i32
        %dma_start3A_258 = tpu.memref_slice %arg22[%dma_start3A_256, %dma_start3A_257] : memref<320x128xf32, #tpu.memory_space<vmem>> -> memref<208x128xf32, #tpu.memory_space<vmem>>
        tpu.enqueue_dma source(%dma_start3A_258 : memref<208x128xf32, #tpu.memory_space<vmem>>) target(%dma_start3A_255 : memref<208x128xf32, #tpu.memory_space<vmem_shared>>) target_semaphore(%run_scoped3A : memref<!tpu.dma_semaphore, #tpu.memory_space<semaphore_mem>>)
        %dma_wait3A_259 = arith.constant 0 : i32
        %dma_wait3A_260 = arith.constant 0 : i32
        %dma_wait3A_261 = tpu.memref_slice %arg22[%dma_wait3A_259, %dma_wait3A_260] : memref<320x128xf32, #tpu.memory_space<vmem>> -> memref<208x128xf32, #tpu.memory_space<vmem>>
        %dma_wait3A_262 = arith.constant 4800 : i32
        %dma_wait3A_263 = arith.constant 0 : i32
        %dma_wait3A_264 = tpu.memref_slice %arg24[%dma_wait3A_262, %dma_wait3A_263] : memref<5008x128xf32, #tpu.memory_space<vmem_shared>> -> memref<208x128xf32, #tpu.memory_space<vmem_shared>>
        %dma_wait3A_265 = arith.constant 4800 : i32
        %dma_wait3A_266 = arith.constant 0 : i32
        %dma_wait3A_267 = tpu.memref_slice %arg24[%dma_wait3A_265, %dma_wait3A_266] : memref<5008x128xf32, #tpu.memory_space<vmem_shared>> -> memref<208x128xf32, #tpu.memory_space<vmem_shared>>
        %dma_wait3A_268 = arith.constant 0 : i32
        %dma_wait3A_269 = arith.constant 0 : i32
        %dma_wait3A_270 = tpu.memref_slice %arg22[%dma_wait3A_268, %dma_wait3A_269] : memref<320x128xf32, #tpu.memory_space<vmem>> -> memref<208x128xf32, #tpu.memory_space<vmem>>
        tpu.wait_dma2 semaphore(%run_scoped3A : memref<!tpu.dma_semaphore, #tpu.memory_space<semaphore_mem>>) src(%dma_wait3A_270 : memref<208x128xf32, #tpu.memory_space<vmem>>) dst(%dma_wait3A_267 : memref<208x128xf32, #tpu.memory_space<vmem_shared>>)
        tpu.yield
      }) : () -> ()
    } else {
    }
    %barrier3A = arith.constant 0 : index
    tpu.barrier barrier_id(%barrier3A)
    %broadcast_in_dim3A = arith.constant -1 : i32
    %broadcast_in_dim3A_18 = vector.broadcast %broadcast_in_dim3A : i32 to vector<16xi32>
    %mul3A_19 = arith.constant 20064 : i32
    %mul3A_20 = arith.muli %arg1, %mul3A_19 : i32
    "tpu.region"() ({
      %run_scoped3A = tpu.sem_alloc : memref<!tpu.dma_semaphore, #tpu.memory_space<semaphore_mem>>
      %dma_start3A_247 = tpu.memref_slice %arg5[%mul3A_20] : memref<321072xi32, #tpu.memory_space<hbm>> -> memref<48xi32, #tpu.memory_space<hbm>>
      %dma_start3A_248 = tpu.memref_slice %arg5[%mul3A_20] : memref<321072xi32, #tpu.memory_space<hbm>> -> memref<48xi32, #tpu.memory_space<hbm>>
      tpu.enqueue_dma source(%dma_start3A_248 : memref<48xi32, #tpu.memory_space<hbm>>) target(%arg10 : memref<48xi32, #tpu.memory_space<vmem>>) target_semaphore(%run_scoped3A : memref<!tpu.dma_semaphore, #tpu.memory_space<semaphore_mem>>)
      %dma_wait3A_249 = tpu.memref_slice %arg5[%mul3A_20] : memref<321072xi32, #tpu.memory_space<hbm>> -> memref<48xi32, #tpu.memory_space<hbm>>
      %dma_wait3A_250 = tpu.memref_slice %arg5[%mul3A_20] : memref<321072xi32, #tpu.memory_space<hbm>> -> memref<48xi32, #tpu.memory_space<hbm>>
      tpu.wait_dma2 semaphore(%run_scoped3A : memref<!tpu.dma_semaphore, #tpu.memory_space<semaphore_mem>>) src(%dma_wait3A_250 : memref<48xi32, #tpu.memory_space<hbm>>) dst(%arg10 : memref<48xi32, #tpu.memory_space<vmem>>)
      tpu.yield
    }) : () -> ()
    %mul3A_21 = arith.constant 20064 : i32
    %mul3A_22 = arith.muli %arg1, %mul3A_21 : i32
    %add3A = arith.constant 0 : i32
    %add3A_23 = arith.addi %mul3A_22, %add3A : i32
    %swap3A = arith.constant 0 : index
    %swap3A_24 = tpu.vector_load %arg12[%swap3A] {strides = array<i32>} : memref<48xi32, #tpu.memory_space<vmem>>, vector<16xi32>,
    tpu.vector_store %arg12[%swap3A], %broadcast_in_dim3A_18 {strides = array<i32>} : memref<48xi32, #tpu.memory_space<vmem>>, vector<16xi32>,
    %swap3A_25 = arith.constant 0 : index
    %swap3A_26 = tpu.vector_load %arg14[%swap3A_25] {strides = array<i32>} : memref<48xi32, #tpu.memory_space<vmem>>, vector<16xi32>,
    tpu.vector_store %arg14[%swap3A_25], %broadcast_in_dim3A_18 {strides = array<i32>} : memref<48xi32, #tpu.memory_space<vmem>>, vector<16xi32>,
    %swap3A_27 = arith.constant 16 : index
    %swap3A_28 = tpu.vector_load %arg12[%swap3A_27] {strides = array<i32>} : memref<48xi32, #tpu.memory_space<vmem>>, vector<16xi32>,
    tpu.vector_store %arg12[%swap3A_27], %broadcast_in_dim3A_18 {strides = array<i32>} : memref<48xi32, #tpu.memory_space<vmem>>, vector<16xi32>,
    %swap3A_29 = arith.constant 16 : index
    %swap3A_30 = tpu.vector_load %arg14[%swap3A_29] {strides = array<i32>} : memref<48xi32, #tpu.memory_space<vmem>>, vector<16xi32>,
    tpu.vector_store %arg14[%swap3A_29], %broadcast_in_dim3A_18 {strides = array<i32>} : memref<48xi32, #tpu.memory_space<vmem>>, vector<16xi32>,
    %swap3A_31 = arith.constant 32 : index
    %swap3A_32 = tpu.vector_load %arg12[%swap3A_31] {strides = array<i32>} : memref<48xi32, #tpu.memory_space<vmem>>, vector<16xi32>,
    tpu.vector_store %arg12[%swap3A_31], %broadcast_in_dim3A_18 {strides = array<i32>} : memref<48xi32, #tpu.memory_space<vmem>>, vector<16xi32>,
    %swap3A_33 = arith.constant 32 : index
    %swap3A_34 = tpu.vector_load %arg14[%swap3A_33] {strides = array<i32>} : memref<48xi32, #tpu.memory_space<vmem>>, vector<16xi32>,
    tpu.vector_store %arg14[%swap3A_33], %broadcast_in_dim3A_18 {strides = array<i32>} : memref<48xi32, #tpu.memory_space<vmem>>, vector<16xi32>,
    %get3A = arith.constant 0 : index
    %get3A_35 = tpu.vector_load %arg10[%get3A] {strides = array<i32>} : memref<48xi32, #tpu.memory_space<vmem>>, vector<16xi32>,
    %shift_right_logical3A = arith.constant 14 : i32
    %shift_right_logical3A_36 = vector.broadcast %shift_right_logical3A : i32 to vector<16xi32>
    %shift_right_logical3A_37 = arith.shrui %get3A_35, %shift_right_logical3A_36 : vector<16xi32>
    %and3A = arith.constant 16383 : i32
    %and3A_38 = vector.broadcast %and3A : i32 to vector<16xi32>
    %and3A_39 = arith.andi %get3A_35, %and3A_38 : vector<16xi32>
    %gather3A = tpu.vector_load_idx %arg8[%shift_right_logical3A_37] : memref<10000xf32, #tpu.memory_space<vmem>>[vector<16xi32>], vector<16xf32>,
    %gather3A_40 = tpu.vector_load_idx %arg9[%and3A_39] : memref<10000xf32, #tpu.memory_space<vmem>>[vector<16xi32>], vector<16xf32>,
    %add3A_41 = arith.addf %gather3A, %gather3A_40 : vector<16xf32>
    %max3A = arith.constant 0.000000e+00 : f32
    %max3A_42 = vector.broadcast %max3A : f32 to vector<16xf32>
    %max3A_43 = arith.maximumf %add3A_41, %max3A_42 : vector<16xf32>
    %min3A = arith.constant 0.000000e+00 : f32
    %min3A_44 = vector.broadcast %min3A : f32 to vector<16xf32>
    %min3A_45 = arith.minimumf %add3A_41, %min3A_44 : vector<16xf32>
    %mul3A_46 = arith.constant 2.000000e-01 : f32
    %mul3A_47 = vector.broadcast %mul3A_46 : f32 to vector<16xf32>
    %mul3A_48 = arith.mulf %mul3A_47, %min3A_45 : vector<16xf32>
    %add3A_49 = arith.addf %max3A_43, %mul3A_48 : vector<16xf32>
    %exp3A = math.exp %add3A_49 : vector<16xf32>
    %sub3A = vector.broadcast %mul3A_0 : i32 to vector<16xi32>
    %sub3A_50 = arith.subi %and3A_39, %sub3A : vector<16xi32>
    %add3A_51 = arith.constant 0 : i32
    %add3A_52 = arith.addi %add3A_23, %add3A_51 : i32
    %add3A_53 = vector.broadcast %add3A_52 : i32 to vector<16xi32>
    %add3A_54 = arith.addi %add3A_53, %iota3A : vector<16xi32>
    %ge3A = arith.constant 0 : i32
    %ge3A_55 = vector.broadcast %ge3A : i32 to vector<16xi32>
    %ge3A_56 = arith.cmpi sge, %sub3A_50, %ge3A_55 : vector<16xi32>
    %lt3A_57 = arith.constant 5008 : i32
    %lt3A_58 = vector.broadcast %lt3A_57 : i32 to vector<16xi32>
    %lt3A_59 = arith.cmpi slt, %sub3A_50, %lt3A_58 : vector<16xi32>
    %and3A_60 = arith.andi %ge3A_56, %lt3A_59 : vector<16xi1>
    %lt3A_61 = arith.constant 320000 : i32
    %lt3A_62 = vector.broadcast %lt3A_61 : i32 to vector<16xi32>
    %lt3A_63 = arith.cmpi slt, %add3A_54, %lt3A_62 : vector<16xi32>
    %mul3A_64 = arith.constant 20064 : i32
    %mul3A_65 = arith.muli %arg1, %mul3A_64 : i32
    %add3A_66 = arith.constant 20064 : i32
    %add3A_67 = arith.addi %mul3A_65, %add3A_66 : i32
    %lt3A_68 = vector.broadcast %add3A_67 : i32 to vector<16xi32>
    %lt3A_69 = arith.cmpi slt, %add3A_54, %lt3A_68 : vector<16xi32>
    %and3A_70 = arith.andi %lt3A_63, %lt3A_69 : vector<16xi1>
    %and3A_71 = arith.andi %and3A_60, %and3A_70 : vector<16xi1>
    %shift_right_logical3A_72 = arith.constant 7 : i32
    %shift_right_logical3A_73 = vector.broadcast %shift_right_logical3A_72 : i32 to vector<16xi32>
    %shift_right_logical3A_74 = arith.shrui %and3A_39, %shift_right_logical3A_73 : vector<16xi32>
    %and3A_75 = arith.constant 127 : i32
    %and3A_76 = vector.broadcast %and3A_75 : i32 to vector<16xi32>
    %and3A_77 = arith.andi %and3A_39, %and3A_76 : vector<16xi32>
    tpu.vector_store_idx %arg21[%shift_right_logical3A_74, %and3A_77], %exp3A masked %and3A_71 {add = true} : memref<80x128xf32, #tpu.memory_space<vmem>>[vector<16xi32>, vector<16xi32>], vector<16xf32>, vector<16xi1>
    %swap3A_78 = arith.constant 0 : i32
    %swap3A_79 = arith.index_cast %swap3A_78 : i32 to index
    %swap3A_80 = tpu.vector_load %arg12[%swap3A_79] masked %and3A_71 {strides = array<i32>} : memref<48xi32, #tpu.memory_space<vmem>>, vector<16xi32>, vector<16xi1>
    tpu.vector_store %arg12[%swap3A_79], %shift_right_logical3A_37 masked %and3A_71 {strides = array<i32>} : memref<48xi32, #tpu.memory_space<vmem>>, vector<16xi32>, vector<16xi1>
    %swap3A_81 = arith.constant 0 : i32
    %swap3A_82 = arith.index_cast %swap3A_81 : i32 to index
    %swap3A_83 = tpu.vector_load %arg14[%swap3A_82] masked %and3A_71 {strides = array<i32>} : memref<48xi32, #tpu.memory_space<vmem>>, vector<16xi32>, vector<16xi1>
    tpu.vector_store %arg14[%swap3A_82], %sub3A_50 masked %and3A_71 {strides = array<i32>} : memref<48xi32, #tpu.memory_space<vmem>>, vector<16xi32>, vector<16xi1>
    %swap3A_84 = arith.constant 0 : i32
    %swap3A_85 = arith.index_cast %swap3A_84 : i32 to index
    %swap3A_86 = tpu.vector_load %arg16[%swap3A_85] masked %and3A_71 {strides = array<i32>} : memref<48xf32, #tpu.memory_space<vmem>>, vector<16xf32>, vector<16xi1>
    tpu.vector_store %arg16[%swap3A_85], %exp3A masked %and3A_71 {strides = array<i32>} : memref<48xf32, #tpu.memory_space<vmem>>, vector<16xf32>, vector<16xi1>
    %convert_element_type3A_87 = arith.extui %and3A_71 : vector<16xi1> to vector<16xi32>
    %reduce_sum3A = arith.constant true
    %reduce_sum3A_88 = vector.broadcast %reduce_sum3A : i1 to vector<16xi1>
    %reduce_sum3A_89 = tpu.scan <sum>, %convert_element_type3A_87 masked %reduce_sum3A_88 : vector<16xi32>, vector<16xi1> -> vector<16xi32>
    %reduce_sum3A_90 = vector.extract %reduce_sum3A_89[15] : i32 from vector<16xi32>
    %add3A_91 = arith.constant 0 : i32
    %add3A_92 = arith.addi %add3A_91, %reduce_sum3A_90 : i32
    %get3A_93 = arith.constant 16 : index
    %get3A_94 = tpu.vector_load %arg10[%get3A_93] {strides = array<i32>} : memref<48xi32, #tpu.memory_space<vmem>>, vector<16xi32>,
    %shift_right_logical3A_95 = arith.constant 14 : i32
    %shift_right_logical3A_96 = vector.broadcast %shift_right_logical3A_95 : i32 to vector<16xi32>
    %shift_right_logical3A_97 = arith.shrui %get3A_94, %shift_right_logical3A_96 : vector<16xi32>
    %and3A_98 = arith.constant 16383 : i32
    %and3A_99 = vector.broadcast %and3A_98 : i32 to vector<16xi32>
    %and3A_100 = arith.andi %get3A_94, %and3A_99 : vector<16xi32>
    %gather3A_101 = tpu.vector_load_idx %arg8[%shift_right_logical3A_97] : memref<10000xf32, #tpu.memory_space<vmem>>[vector<16xi32>], vector<16xf32>,
    %gather3A_102 = tpu.vector_load_idx %arg9[%and3A_100] : memref<10000xf32, #tpu.memory_space<vmem>>[vector<16xi32>], vector<16xf32>,
    %add3A_103 = arith.addf %gather3A_101, %gather3A_102 : vector<16xf32>
    %max3A_104 = arith.constant 0.000000e+00 : f32
    %max3A_105 = vector.broadcast %max3A_104 : f32 to vector<16xf32>
    %max3A_106 = arith.maximumf %add3A_103, %max3A_105 : vector<16xf32>
    %min3A_107 = arith.constant 0.000000e+00 : f32
    %min3A_108 = vector.broadcast %min3A_107 : f32 to vector<16xf32>
    %min3A_109 = arith.minimumf %add3A_103, %min3A_108 : vector<16xf32>
    %mul3A_110 = arith.constant 2.000000e-01 : f32
    %mul3A_111 = vector.broadcast %mul3A_110 : f32 to vector<16xf32>
    %mul3A_112 = arith.mulf %mul3A_111, %min3A_109 : vector<16xf32>
    %add3A_113 = arith.addf %max3A_106, %mul3A_112 : vector<16xf32>
    %exp3A_114 = math.exp %add3A_113 : vector<16xf32>
    %sub3A_115 = vector.broadcast %mul3A_0 : i32 to vector<16xi32>
    %sub3A_116 = arith.subi %and3A_100, %sub3A_115 : vector<16xi32>
    %add3A_117 = arith.constant 16 : i32
    %add3A_118 = arith.addi %add3A_23, %add3A_117 : i32
    %add3A_119 = vector.broadcast %add3A_118 : i32 to vector<16xi32>
    %add3A_120 = arith.addi %add3A_119, %iota3A : vector<16xi32>
    %ge3A_121 = arith.constant 0 : i32
    %ge3A_122 = vector.broadcast %ge3A_121 : i32 to vector<16xi32>
    %ge3A_123 = arith.cmpi sge, %sub3A_116, %ge3A_122 : vector<16xi32>
    %lt3A_124 = arith.constant 5008 : i32
    %lt3A_125 = vector.broadcast %lt3A_124 : i32 to vector<16xi32>
    %lt3A_126 = arith.cmpi slt, %sub3A_116, %lt3A_125 : vector<16xi32>
    %and3A_127 = arith.andi %ge3A_123, %lt3A_126 : vector<16xi1>
    %lt3A_128 = arith.constant 320000 : i32
    %lt3A_129 = vector.broadcast %lt3A_128 : i32 to vector<16xi32>
    %lt3A_130 = arith.cmpi slt, %add3A_120, %lt3A_129 : vector<16xi32>
    %mul3A_131 = arith.constant 20064 : i32
    %mul3A_132 = arith.muli %arg1, %mul3A_131 : i32
    %add3A_133 = arith.constant 20064 : i32
    %add3A_134 = arith.addi %mul3A_132, %add3A_133 : i32
    %lt3A_135 = vector.broadcast %add3A_134 : i32 to vector<16xi32>
    %lt3A_136 = arith.cmpi slt, %add3A_120, %lt3A_135 : vector<16xi32>
    %and3A_137 = arith.andi %lt3A_130, %lt3A_136 : vector<16xi1>
    %and3A_138 = arith.andi %and3A_127, %and3A_137 : vector<16xi1>
    %shift_right_logical3A_139 = arith.constant 7 : i32
    %shift_right_logical3A_140 = vector.broadcast %shift_right_logical3A_139 : i32 to vector<16xi32>
    %shift_right_logical3A_141 = arith.shrui %and3A_100, %shift_right_logical3A_140 : vector<16xi32>
    %and3A_142 = arith.constant 127 : i32
    %and3A_143 = vector.broadcast %and3A_142 : i32 to vector<16xi32>
    %and3A_144 = arith.andi %and3A_100, %and3A_143 : vector<16xi32>
    tpu.vector_store_idx %arg21[%shift_right_logical3A_141, %and3A_144], %exp3A_114 masked %and3A_138 {add = true} : memref<80x128xf32, #tpu.memory_space<vmem>>[vector<16xi32>, vector<16xi32>], vector<16xf32>, vector<16xi1>
    %swap3A_145 = arith.index_cast %add3A_92 : i32 to index
    %swap3A_146 = tpu.vector_load %arg12[%swap3A_145] masked %and3A_138 {strides = array<i32>} : memref<48xi32, #tpu.memory_space<vmem>>, vector<16xi32>, vector<16xi1>
    tpu.vector_store %arg12[%swap3A_145], %shift_right_logical3A_97 masked %and3A_138 {strides = array<i32>} : memref<48xi32, #tpu.memory_space<vmem>>, vector<16xi32>, vector<16xi1>
    %swap3A_147 = arith.index_cast %add3A_92 : i32 to index
    %swap3A_148 = tpu.vector_load %arg14[%swap3A_147] masked %and3A_138 {strides = array<i32>} : memref<48xi32, #tpu.memory_space<vmem>>, vector<16xi32>, vector<16xi1>
    tpu.vector_store %arg14[%swap3A_147], %sub3A_116 masked %and3A_138 {strides = array<i32>} : memref<48xi32, #tpu.memory_space<vmem>>, vector<16xi32>, vector<16xi1>
    %swap3A_149 = arith.index_cast %add3A_92 : i32 to index
    %swap3A_150 = tpu.vector_load %arg16[%swap3A_149] masked %and3A_138 {strides = array<i32>} : memref<48xf32, #tpu.memory_space<vmem>>, vector<16xf32>, vector<16xi1>
    tpu.vector_store %arg16[%swap3A_149], %exp3A_114 masked %and3A_138 {strides = array<i32>} : memref<48xf32, #tpu.memory_space<vmem>>, vector<16xf32>, vector<16xi1>
    %convert_element_type3A_151 = arith.extui %and3A_138 : vector<16xi1> to vector<16xi32>
    %reduce_sum3A_152 = arith.constant true
    %reduce_sum3A_153 = vector.broadcast %reduce_sum3A_152 : i1 to vector<16xi1>
    %reduce_sum3A_154 = tpu.scan <sum>, %convert_element_type3A_151 masked %reduce_sum3A_153 : vector<16xi32>, vector<16xi1> -> vector<16xi32>
    %reduce_sum3A_155 = vector.extract %reduce_sum3A_154[15] : i32 from vector<16xi32>
    %add3A_156 = arith.addi %add3A_92, %reduce_sum3A_155 : i32
    %get3A_157 = arith.constant 32 : index
    %get3A_158 = tpu.vector_load %arg10[%get3A_157] {strides = array<i32>} : memref<48xi32, #tpu.memory_space<vmem>>, vector<16xi32>,
    %shift_right_logical3A_159 = arith.constant 14 : i32
    %shift_right_logical3A_160 = vector.broadcast %shift_right_logical3A_159 : i32 to vector<16xi32>
    %shift_right_logical3A_161 = arith.shrui %get3A_158, %shift_right_logical3A_160 : vector<16xi32>
    %and3A_162 = arith.constant 16383 : i32
    %and3A_163 = vector.broadcast %and3A_162 : i32 to vector<16xi32>
    %and3A_164 = arith.andi %get3A_158, %and3A_163 : vector<16xi32>
    %gather3A_165 = tpu.vector_load_idx %arg8[%shift_right_logical3A_161] : memref<10000xf32, #tpu.memory_space<vmem>>[vector<16xi32>], vector<16xf32>,
    %gather3A_166 = tpu.vector_load_idx %arg9[%and3A_164] : memref<10000xf32, #tpu.memory_space<vmem>>[vector<16xi32>], vector<16xf32>,
    %add3A_167 = arith.addf %gather3A_165, %gather3A_166 : vector<16xf32>
    %max3A_168 = arith.constant 0.000000e+00 : f32
    %max3A_169 = vector.broadcast %max3A_168 : f32 to vector<16xf32>
    %max3A_170 = arith.maximumf %add3A_167, %max3A_169 : vector<16xf32>
    %min3A_171 = arith.constant 0.000000e+00 : f32
    %min3A_172 = vector.broadcast %min3A_171 : f32 to vector<16xf32>
    %min3A_173 = arith.minimumf %add3A_167, %min3A_172 : vector<16xf32>
    %mul3A_174 = arith.constant 2.000000e-01 : f32
    %mul3A_175 = vector.broadcast %mul3A_174 : f32 to vector<16xf32>
    %mul3A_176 = arith.mulf %mul3A_175, %min3A_173 : vector<16xf32>
    %add3A_177 = arith.addf %max3A_170, %mul3A_176 : vector<16xf32>
    %exp3A_178 = math.exp %add3A_177 : vector<16xf32>
    %sub3A_179 = vector.broadcast %mul3A_0 : i32 to vector<16xi32>
    %sub3A_180 = arith.subi %and3A_164, %sub3A_179 : vector<16xi32>
    %add3A_181 = arith.constant 32 : i32
    %add3A_182 = arith.addi %add3A_23, %add3A_181 : i32
    %add3A_183 = vector.broadcast %add3A_182 : i32 to vector<16xi32>
    %add3A_184 = arith.addi %add3A_183, %iota3A : vector<16xi32>
    %ge3A_185 = arith.constant 0 : i32
    %ge3A_186 = vector.broadcast %ge3A_185 : i32 to vector<16xi32>
    %ge3A_187 = arith.cmpi sge, %sub3A_180, %ge3A_186 : vector<16xi32>
    %lt3A_188 = arith.constant 5008 : i32
    %lt3A_189 = vector.broadcast %lt3A_188 : i32 to vector<16xi32>
    %lt3A_190 = arith.cmpi slt, %sub3A_180, %lt3A_189 : vector<16xi32>
    %and3A_191 = arith.andi %ge3A_187, %lt3A_190 : vector<16xi1>
    %lt3A_192 = arith.constant 320000 : i32
    %lt3A_193 = vector.broadcast %lt3A_192 : i32 to vector<16xi32>
    %lt3A_194 = arith.cmpi slt, %add3A_184, %lt3A_193 : vector<16xi32>
    %mul3A_195 = arith.constant 20064 : i32
    %mul3A_196 = arith.muli %arg1, %mul3A_195 : i32
    %add3A_197 = arith.constant 20064 : i32
    %add3A_198 = arith.addi %mul3A_196, %add3A_197 : i32
    %lt3A_199 = vector.broadcast %add3A_198 : i32 to vector<16xi32>
    %lt3A_200 = arith.cmpi slt, %add3A_184, %lt3A_199 : vector<16xi32>
    %and3A_201 = arith.andi %lt3A_194, %lt3A_200 : vector<16xi1>
    %and3A_202 = arith.andi %and3A_191, %and3A_201 : vector<16xi1>
    %shift_right_logical3A_203 = arith.constant 7 : i32
    %shift_right_logical3A_204 = vector.broadcast %shift_right_logical3A_203 : i32 to vector<16xi32>
    %shift_right_logical3A_205 = arith.shrui %and3A_164, %shift_right_logical3A_204 : vector<16xi32>
    %and3A_206 = arith.constant 127 : i32
    %and3A_207 = vector.broadcast %and3A_206 : i32 to vector<16xi32>
    %and3A_208 = arith.andi %and3A_164, %and3A_207 : vector<16xi32>
    tpu.vector_store_idx %arg21[%shift_right_logical3A_205, %and3A_208], %exp3A_178 masked %and3A_202 {add = true} : memref<80x128xf32, #tpu.memory_space<vmem>>[vector<16xi32>, vector<16xi32>], vector<16xf32>, vector<16xi1>
    %swap3A_209 = arith.index_cast %add3A_156 : i32 to index
    %swap3A_210 = tpu.vector_load %arg12[%swap3A_209] masked %and3A_202 {strides = array<i32>} : memref<48xi32, #tpu.memory_space<vmem>>, vector<16xi32>, vector<16xi1>
    tpu.vector_store %arg12[%swap3A_209], %shift_right_logical3A_161 masked %and3A_202 {strides = array<i32>} : memref<48xi32, #tpu.memory_space<vmem>>, vector<16xi32>, vector<16xi1>
    %swap3A_211 = arith.index_cast %add3A_156 : i32 to index
    %swap3A_212 = tpu.vector_load %arg14[%swap3A_211] masked %and3A_202 {strides = array<i32>} : memref<48xi32, #tpu.memory_space<vmem>>, vector<16xi32>, vector<16xi1>
    tpu.vector_store %arg14[%swap3A_211], %sub3A_180 masked %and3A_202 {strides = array<i32>} : memref<48xi32, #tpu.memory_space<vmem>>, vector<16xi32>, vector<16xi1>
    %swap3A_213 = arith.index_cast %add3A_156 : i32 to index
    %swap3A_214 = tpu.vector_load %arg16[%swap3A_213] masked %and3A_202 {strides = array<i32>} : memref<48xf32, #tpu.memory_space<vmem>>, vector<16xf32>, vector<16xi1>
    tpu.vector_store %arg16[%swap3A_213], %exp3A_178 masked %and3A_202 {strides = array<i32>} : memref<48xf32, #tpu.memory_space<vmem>>, vector<16xf32>, vector<16xi1>
    %convert_element_type3A_215 = arith.extui %and3A_202 : vector<16xi1> to vector<16xi32>
    %reduce_sum3A_216 = arith.constant true
    %reduce_sum3A_217 = vector.broadcast %reduce_sum3A_216 : i1 to vector<16xi1>
    %reduce_sum3A_218 = tpu.scan <sum>, %convert_element_type3A_215 masked %reduce_sum3A_217 : vector<16xi32>, vector<16xi1> -> vector<16xi32>
    %reduce_sum3A_219 = vector.extract %reduce_sum3A_218[15] : i32 from vector<16xi32>
    %add3A_220 = arith.addi %add3A_156, %reduce_sum3A_219 : i32
    %dma_start3A = arith.constant 0 : i32
    %dma_start3A_221 = arith.constant 0 : i32
    %dma_start3A_222 = tpu.memref_slice %arg2[%dma_start3A, %dma_start3A_221] : memref<10000x128xf32, #tpu.memory_space<hbm>> -> memref<10000x128xf32, #tpu.memory_space<hbm>>
    %dma_start3A_223 = arith.constant -1 : i32
    tpu.enqueue_indirect_dma source(%dma_start3A_222 : memref<10000x128xf32, #tpu.memory_space<hbm>>) target(%arg18 : memref<48x128xf32, #tpu.memory_space<vmem>>) offsets(%arg12 : memref<48xi32, #tpu.memory_space<vmem>>) offset_filter(%dma_start3A_223) semaphore(%arg25 : memref<!tpu.dma_semaphore, #tpu.memory_space<semaphore_mem>>)
    %scan3A_224 = arith.constant 0 : i32
    %scan3A_225 = arith.constant 0 : i32
    %scan3A_226 = arith.constant 209 : i32
    %scan3A_227 = arith.addi %scan3A_225, %scan3A_226 : i32
    %scan3A_228 = arith.constant 1 : i32
    %scan3A_229:2 = scf.for %scan3A_247 = %scan3A_225 to %scan3A_227 step %scan3A_228 iter_args(%scan3A_248 = %add3A_220, %scan3A_249 = %scan3A_224) -> (i32, i32)  : i32 {
      %mul3A_250 = arith.constant 2 : i32
      %mul3A_251 = arith.muli %mul3A_250, %scan3A_247 : i32
      %add3A_252 = arith.constant 0 : i32
      %add3A_253 = arith.addi %mul3A_251, %add3A_252 : i32
      %mul3A_254 = arith.constant 20064 : i32
      %mul3A_255 = arith.muli %arg1, %mul3A_254 : i32
      %add3A_256 = arith.constant 1 : i32
      %add3A_257 = arith.addi %add3A_253, %add3A_256 : i32
      %mul3A_258 = arith.constant 48 : i32
      %mul3A_259 = arith.muli %add3A_257, %mul3A_258 : i32
      %add3A_260 = arith.addi %mul3A_255, %mul3A_259 : i32
      %dma_start3A_261 = tpu.memref_slice %arg5[%add3A_260] : memref<321072xi32, #tpu.memory_space<hbm>> -> memref<48xi32, #tpu.memory_space<hbm>>
      %dma_start3A_262 = tpu.memref_slice %arg5[%add3A_260] : memref<321072xi32, #tpu.memory_space<hbm>> -> memref<48xi32, #tpu.memory_space<hbm>>
      tpu.enqueue_dma source(%dma_start3A_262 : memref<48xi32, #tpu.memory_space<hbm>>) target(%arg11 : memref<48xi32, #tpu.memory_space<vmem>>) target_semaphore(%arg28 : memref<!tpu.dma_semaphore, #tpu.memory_space<semaphore_mem>>)
      %dma_wait3A_263 = arith.constant 0 : i32
      %dma_wait3A_264 = arith.constant 0 : i32
      %dma_wait3A_265 = tpu.memref_slice %arg2[%dma_wait3A_263, %dma_wait3A_264] : memref<10000x128xf32, #tpu.memory_space<hbm>> -> memref<10000x128xf32, #tpu.memory_space<hbm>>
      tpu.wait_indirect_dma semaphore(%arg25 : memref<!tpu.dma_semaphore, #tpu.memory_space<semaphore_mem>>) src(%dma_wait3A_265 : memref<10000x128xf32, #tpu.memory_space<hbm>>) dst(%arg18 : memref<48x128xf32, #tpu.memory_space<vmem>>)
      %mul3A_266 = arith.constant 20064 : i32
      %mul3A_267 = arith.muli %arg1, %mul3A_266 : i32
      %add3A_268 = arith.constant 1 : i32
      %add3A_269 = arith.addi %add3A_253, %add3A_268 : i32
      %mul3A_270 = arith.constant 48 : i32
      %mul3A_271 = arith.muli %add3A_269, %mul3A_270 : i32
      %add3A_272 = arith.addi %mul3A_267, %mul3A_271 : i32
      %dma_wait3A_273 = tpu.memref_slice %arg5[%add3A_272] : memref<321072xi32, #tpu.memory_space<hbm>> -> memref<48xi32, #tpu.memory_space<hbm>>
      %dma_wait3A_274 = tpu.memref_slice %arg5[%add3A_272] : memref<321072xi32, #tpu.memory_space<hbm>> -> memref<48xi32, #tpu.memory_space<hbm>>
      tpu.wait_dma2 semaphore(%arg28 : memref<!tpu.dma_semaphore, #tpu.memory_space<semaphore_mem>>) src(%dma_wait3A_274 : memref<48xi32, #tpu.memory_space<hbm>>) dst(%arg11 : memref<48xi32, #tpu.memory_space<vmem>>)
      %add3A_275 = arith.constant 1 : i32
      %add3A_276 = arith.addi %add3A_253, %add3A_275 : i32
      %mul3A_277 = arith.constant 20064 : i32
      %mul3A_278 = arith.muli %arg1, %mul3A_277 : i32
      %mul3A_279 = arith.constant 48 : i32
      %mul3A_280 = arith.muli %add3A_276, %mul3A_279 : i32
      %add3A_281 = arith.addi %mul3A_278, %mul3A_280 : i32
      %swap3A_282 = arith.constant 0 : index
      %swap3A_283 = tpu.vector_load %arg13[%swap3A_282] {strides = array<i32>} : memref<48xi32, #tpu.memory_space<vmem>>, vector<16xi32>,
      tpu.vector_store %arg13[%swap3A_282], %broadcast_in_dim3A_18 {strides = array<i32>} : memref<48xi32, #tpu.memory_space<vmem>>, vector<16xi32>,
      %swap3A_284 = arith.constant 0 : index
      %swap3A_285 = tpu.vector_load %arg15[%swap3A_284] {strides = array<i32>} : memref<48xi32, #tpu.memory_space<vmem>>, vector<16xi32>,
      tpu.vector_store %arg15[%swap3A_284], %broadcast_in_dim3A_18 {strides = array<i32>} : memref<48xi32, #tpu.memory_space<vmem>>, vector<16xi32>,
      %swap3A_286 = arith.constant 16 : index
      %swap3A_287 = tpu.vector_load %arg13[%swap3A_286] {strides = array<i32>} : memref<48xi32, #tpu.memory_space<vmem>>, vector<16xi32>,
      tpu.vector_store %arg13[%swap3A_286], %broadcast_in_dim3A_18 {strides = array<i32>} : memref<48xi32, #tpu.memory_space<vmem>>, vector<16xi32>,
      %swap3A_288 = arith.constant 16 : index
      %swap3A_289 = tpu.vector_load %arg15[%swap3A_288] {strides = array<i32>} : memref<48xi32, #tpu.memory_space<vmem>>, vector<16xi32>,
      tpu.vector_store %arg15[%swap3A_288], %broadcast_in_dim3A_18 {strides = array<i32>} : memref<48xi32, #tpu.memory_space<vmem>>, vector<16xi32>,
      %swap3A_290 = arith.constant 32 : index
      %swap3A_291 = tpu.vector_load %arg13[%swap3A_290] {strides = array<i32>} : memref<48xi32, #tpu.memory_space<vmem>>, vector<16xi32>,
      tpu.vector_store %arg13[%swap3A_290], %broadcast_in_dim3A_18 {strides = array<i32>} : memref<48xi32, #tpu.memory_space<vmem>>, vector<16xi32>,
      %swap3A_292 = arith.constant 32 : index
      %swap3A_293 = tpu.vector_load %arg15[%swap3A_292] {strides = array<i32>} : memref<48xi32, #tpu.memory_space<vmem>>, vector<16xi32>,
      tpu.vector_store %arg15[%swap3A_292], %broadcast_in_dim3A_18 {strides = array<i32>} : memref<48xi32, #tpu.memory_space<vmem>>, vector<16xi32>,
      %get3A_294 = arith.constant 0 : index
      %get3A_295 = tpu.vector_load %arg11[%get3A_294] {strides = array<i32>} : memref<48xi32, #tpu.memory_space<vmem>>, vector<16xi32>,
      %shift_right_logical3A_296 = arith.constant 14 : i32
      %shift_right_logical3A_297 = vector.broadcast %shift_right_logical3A_296 : i32 to vector<16xi32>
      %shift_right_logical3A_298 = arith.shrui %get3A_295, %shift_right_logical3A_297 : vector<16xi32>
      %and3A_299 = arith.constant 16383 : i32
      %and3A_300 = vector.broadcast %and3A_299 : i32 to vector<16xi32>
      %and3A_301 = arith.andi %get3A_295, %and3A_300 : vector<16xi32>
      %gather3A_302 = tpu.vector_load_idx %arg8[%shift_right_logical3A_298] : memref<10000xf32, #tpu.memory_space<vmem>>[vector<16xi32>], vector<16xf32>,
      %gather3A_303 = tpu.vector_load_idx %arg9[%and3A_301] : memref<10000xf32, #tpu.memory_space<vmem>>[vector<16xi32>], vector<16xf32>,
      %add3A_304 = arith.addf %gather3A_302, %gather3A_303 : vector<16xf32>
      %max3A_305 = arith.constant 0.000000e+00 : f32
      %max3A_306 = vector.broadcast %max3A_305 : f32 to vector<16xf32>
      %max3A_307 = arith.maximumf %add3A_304, %max3A_306 : vector<16xf32>
      %min3A_308 = arith.constant 0.000000e+00 : f32
      %min3A_309 = vector.broadcast %min3A_308 : f32 to vector<16xf32>
      %min3A_310 = arith.minimumf %add3A_304, %min3A_309 : vector<16xf32>
      %mul3A_311 = arith.constant 2.000000e-01 : f32
      %mul3A_312 = vector.broadcast %mul3A_311 : f32 to vector<16xf32>
      %mul3A_313 = arith.mulf %mul3A_312, %min3A_310 : vector<16xf32>
      %add3A_314 = arith.addf %max3A_307, %mul3A_313 : vector<16xf32>
      %exp3A_315 = math.exp %add3A_314 : vector<16xf32>
      %sub3A_316 = vector.broadcast %mul3A_0 : i32 to vector<16xi32>
      %sub3A_317 = arith.subi %and3A_301, %sub3A_316 : vector<16xi32>
      %add3A_318 = arith.constant 0 : i32
      %add3A_319 = arith.addi %add3A_281, %add3A_318 : i32
      %add3A_320 = vector.broadcast %add3A_319 : i32 to vector<16xi32>
      %add3A_321 = arith.addi %add3A_320, %iota3A : vector<16xi32>
      %ge3A_322 = arith.constant 0 : i32
      %ge3A_323 = vector.broadcast %ge3A_322 : i32 to vector<16xi32>
      %ge3A_324 = arith.cmpi sge, %sub3A_317, %ge3A_323 : vector<16xi32>
      %lt3A_325 = arith.constant 5008 : i32
      %lt3A_326 = vector.broadcast %lt3A_325 : i32 to vector<16xi32>
      %lt3A_327 = arith.cmpi slt, %sub3A_317, %lt3A_326 : vector<16xi32>
      %and3A_328 = arith.andi %ge3A_324, %lt3A_327 : vector<16xi1>
      %lt3A_329 = arith.constant 320000 : i32
      %lt3A_330 = vector.broadcast %lt3A_329 : i32 to vector<16xi32>
      %lt3A_331 = arith.cmpi slt, %add3A_321, %lt3A_330 : vector<16xi32>
      %mul3A_332 = arith.constant 20064 : i32
      %mul3A_333 = arith.muli %arg1, %mul3A_332 : i32
      %add3A_334 = arith.constant 20064 : i32
      %add3A_335 = arith.addi %mul3A_333, %add3A_334 : i32
      %lt3A_336 = vector.broadcast %add3A_335 : i32 to vector<16xi32>
      %lt3A_337 = arith.cmpi slt, %add3A_321, %lt3A_336 : vector<16xi32>
      %and3A_338 = arith.andi %lt3A_331, %lt3A_337 : vector<16xi1>
      %and3A_339 = arith.andi %and3A_328, %and3A_338 : vector<16xi1>
      %shift_right_logical3A_340 = arith.constant 7 : i32
      %shift_right_logical3A_341 = vector.broadcast %shift_right_logical3A_340 : i32 to vector<16xi32>
      %shift_right_logical3A_342 = arith.shrui %and3A_301, %shift_right_logical3A_341 : vector<16xi32>
      %and3A_343 = arith.constant 127 : i32
      %and3A_344 = vector.broadcast %and3A_343 : i32 to vector<16xi32>
      %and3A_345 = arith.andi %and3A_301, %and3A_344 : vector<16xi32>
      tpu.vector_store_idx %arg21[%shift_right_logical3A_342, %and3A_345], %exp3A_315 masked %and3A_339 {add = true} : memref<80x128xf32, #tpu.memory_space<vmem>>[vector<16xi32>, vector<16xi32>], vector<16xf32>, vector<16xi1>
      %swap3A_346 = arith.constant 0 : i32
      %swap3A_347 = arith.index_cast %swap3A_346 : i32 to index
      %swap3A_348 = tpu.vector_load %arg13[%swap3A_347] masked %and3A_339 {strides = array<i32>} : memref<48xi32, #tpu.memory_space<vmem>>, vector<16xi32>, vector<16xi1>
      tpu.vector_store %arg13[%swap3A_347], %shift_right_logical3A_298 masked %and3A_339 {strides = array<i32>} : memref<48xi32, #tpu.memory_space<vmem>>, vector<16xi32>, vector<16xi1>
      %swap3A_349 = arith.constant 0 : i32
      %swap3A_350 = arith.index_cast %swap3A_349 : i32 to index
      %swap3A_351 = tpu.vector_load %arg15[%swap3A_350] masked %and3A_339 {strides = array<i32>} : memref<48xi32, #tpu.memory_space<vmem>>, vector<16xi32>, vector<16xi1>
      tpu.vector_store %arg15[%swap3A_350], %sub3A_317 masked %and3A_339 {strides = array<i32>} : memref<48xi32, #tpu.memory_space<vmem>>, vector<16xi32>, vector<16xi1>
      %swap3A_352 = arith.constant 0 : i32
      %swap3A_353 = arith.index_cast %swap3A_352 : i32 to index
      %swap3A_354 = tpu.vector_load %arg17[%swap3A_353] masked %and3A_339 {strides = array<i32>} : memref<48xf32, #tpu.memory_space<vmem>>, vector<16xf32>, vector<16xi1>
      tpu.vector_store %arg17[%swap3A_353], %exp3A_315 masked %and3A_339 {strides = array<i32>} : memref<48xf32, #tpu.memory_space<vmem>>, vector<16xf32>, vector<16xi1>
      %convert_element_type3A_355 = arith.extui %and3A_339 : vector<16xi1> to vector<16xi32>
      %reduce_sum3A_356 = arith.constant true
      %reduce_sum3A_357 = vector.broadcast %reduce_sum3A_356 : i1 to vector<16xi1>
      %reduce_sum3A_358 = tpu.scan <sum>, %convert_element_type3A_355 masked %reduce_sum3A_357 : vector<16xi32>, vector<16xi1> -> vector<16xi32>
      %reduce_sum3A_359 = vector.extract %reduce_sum3A_358[15] : i32 from vector<16xi32>
      %add3A_360 = arith.constant 0 : i32
      %add3A_361 = arith.addi %add3A_360, %reduce_sum3A_359 : i32
      %get3A_362 = arith.constant 16 : index
      %get3A_363 = tpu.vector_load %arg11[%get3A_362] {strides = array<i32>} : memref<48xi32, #tpu.memory_space<vmem>>, vector<16xi32>,
      %shift_right_logical3A_364 = arith.constant 14 : i32
      %shift_right_logical3A_365 = vector.broadcast %shift_right_logical3A_364 : i32 to vector<16xi32>
      %shift_right_logical3A_366 = arith.shrui %get3A_363, %shift_right_logical3A_365 : vector<16xi32>
      %and3A_367 = arith.constant 16383 : i32
      %and3A_368 = vector.broadcast %and3A_367 : i32 to vector<16xi32>
      %and3A_369 = arith.andi %get3A_363, %and3A_368 : vector<16xi32>
      %gather3A_370 = tpu.vector_load_idx %arg8[%shift_right_logical3A_366] : memref<10000xf32, #tpu.memory_space<vmem>>[vector<16xi32>], vector<16xf32>,
      %gather3A_371 = tpu.vector_load_idx %arg9[%and3A_369] : memref<10000xf32, #tpu.memory_space<vmem>>[vector<16xi32>], vector<16xf32>,
      %add3A_372 = arith.addf %gather3A_370, %gather3A_371 : vector<16xf32>
      %max3A_373 = arith.constant 0.000000e+00 : f32
      %max3A_374 = vector.broadcast %max3A_373 : f32 to vector<16xf32>
      %max3A_375 = arith.maximumf %add3A_372, %max3A_374 : vector<16xf32>
      %min3A_376 = arith.constant 0.000000e+00 : f32
      %min3A_377 = vector.broadcast %min3A_376 : f32 to vector<16xf32>
      %min3A_378 = arith.minimumf %add3A_372, %min3A_377 : vector<16xf32>
      %mul3A_379 = arith.constant 2.000000e-01 : f32
      %mul3A_380 = vector.broadcast %mul3A_379 : f32 to vector<16xf32>
      %mul3A_381 = arith.mulf %mul3A_380, %min3A_378 : vector<16xf32>
      %add3A_382 = arith.addf %max3A_375, %mul3A_381 : vector<16xf32>
      %exp3A_383 = math.exp %add3A_382 : vector<16xf32>
      %sub3A_384 = vector.broadcast %mul3A_0 : i32 to vector<16xi32>
      %sub3A_385 = arith.subi %and3A_369, %sub3A_384 : vector<16xi32>
      %add3A_386 = arith.constant 16 : i32
      %add3A_387 = arith.addi %add3A_281, %add3A_386 : i32
      %add3A_388 = vector.broadcast %add3A_387 : i32 to vector<16xi32>
      %add3A_389 = arith.addi %add3A_388, %iota3A : vector<16xi32>
      %ge3A_390 = arith.constant 0 : i32
      %ge3A_391 = vector.broadcast %ge3A_390 : i32 to vector<16xi32>
      %ge3A_392 = arith.cmpi sge, %sub3A_385, %ge3A_391 : vector<16xi32>
      %lt3A_393 = arith.constant 5008 : i32
      %lt3A_394 = vector.broadcast %lt3A_393 : i32 to vector<16xi32>
      %lt3A_395 = arith.cmpi slt, %sub3A_385, %lt3A_394 : vector<16xi32>
      %and3A_396 = arith.andi %ge3A_392, %lt3A_395 : vector<16xi1>
      %lt3A_397 = arith.constant 320000 : i32
      %lt3A_398 = vector.broadcast %lt3A_397 : i32 to vector<16xi32>
      %lt3A_399 = arith.cmpi slt, %add3A_389, %lt3A_398 : vector<16xi32>
      %mul3A_400 = arith.constant 20064 : i32
      %mul3A_401 = arith.muli %arg1, %mul3A_400 : i32
      %add3A_402 = arith.constant 20064 : i32
      %add3A_403 = arith.addi %mul3A_401, %add3A_402 : i32
      %lt3A_404 = vector.broadcast %add3A_403 : i32 to vector<16xi32>
      %lt3A_405 = arith.cmpi slt, %add3A_389, %lt3A_404 : vector<16xi32>
      %and3A_406 = arith.andi %lt3A_399, %lt3A_405 : vector<16xi1>
      %and3A_407 = arith.andi %and3A_396, %and3A_406 : vector<16xi1>
      %shift_right_logical3A_408 = arith.constant 7 : i32
      %shift_right_logical3A_409 = vector.broadcast %shift_right_logical3A_408 : i32 to vector<16xi32>
      %shift_right_logical3A_410 = arith.shrui %and3A_369, %shift_right_logical3A_409 : vector<16xi32>
      %and3A_411 = arith.constant 127 : i32
      %and3A_412 = vector.broadcast %and3A_411 : i32 to vector<16xi32>
      %and3A_413 = arith.andi %and3A_369, %and3A_412 : vector<16xi32>
      tpu.vector_store_idx %arg21[%shift_right_logical3A_410, %and3A_413], %exp3A_383 masked %and3A_407 {add = true} : memref<80x128xf32, #tpu.memory_space<vmem>>[vector<16xi32>, vector<16xi32>], vector<16xf32>, vector<16xi1>
      %swap3A_414 = arith.index_cast %add3A_361 : i32 to index
      %swap3A_415 = tpu.vector_load %arg13[%swap3A_414] masked %and3A_407 {strides = array<i32>} : memref<48xi32, #tpu.memory_space<vmem>>, vector<16xi32>, vector<16xi1>
      tpu.vector_store %arg13[%swap3A_414], %shift_right_logical3A_366 masked %and3A_407 {strides = array<i32>} : memref<48xi32, #tpu.memory_space<vmem>>, vector<16xi32>, vector<16xi1>
      %swap3A_416 = arith.index_cast %add3A_361 : i32 to index
      %swap3A_417 = tpu.vector_load %arg15[%swap3A_416] masked %and3A_407 {strides = array<i32>} : memref<48xi32, #tpu.memory_space<vmem>>, vector<16xi32>, vector<16xi1>
      tpu.vector_store %arg15[%swap3A_416], %sub3A_385 masked %and3A_407 {strides = array<i32>} : memref<48xi32, #tpu.memory_space<vmem>>, vector<16xi32>, vector<16xi1>
      %swap3A_418 = arith.index_cast %add3A_361 : i32 to index
      %swap3A_419 = tpu.vector_load %arg17[%swap3A_418] masked %and3A_407 {strides = array<i32>} : memref<48xf32, #tpu.memory_space<vmem>>, vector<16xf32>, vector<16xi1>
      tpu.vector_store %arg17[%swap3A_418], %exp3A_383 masked %and3A_407 {strides = array<i32>} : memref<48xf32, #tpu.memory_space<vmem>>, vector<16xf32>, vector<16xi1>
      %convert_element_type3A_420 = arith.extui %and3A_407 : vector<16xi1> to vector<16xi32>
      %reduce_sum3A_421 = arith.constant true
      %reduce_sum3A_422 = vector.broadcast %reduce_sum3A_421 : i1 to vector<16xi1>
      %reduce_sum3A_423 = tpu.scan <sum>, %convert_element_type3A_420 masked %reduce_sum3A_422 : vector<16xi32>, vector<16xi1> -> vector<16xi32>
      %reduce_sum3A_424 = vector.extract %reduce_sum3A_423[15] : i32 from vector<16xi32>
      %add3A_425 = arith.addi %add3A_361, %reduce_sum3A_424 : i32
      %get3A_426 = arith.constant 32 : index
      %get3A_427 = tpu.vector_load %arg11[%get3A_426] {strides = array<i32>} : memref<48xi32, #tpu.memory_space<vmem>>, vector<16xi32>,
      %shift_right_logical3A_428 = arith.constant 14 : i32
      %shift_right_logical3A_429 = vector.broadcast %shift_right_logical3A_428 : i32 to vector<16xi32>
      %shift_right_logical3A_430 = arith.shrui %get3A_427, %shift_right_logical3A_429 : vector<16xi32>
      %and3A_431 = arith.constant 16383 : i32
      %and3A_432 = vector.broadcast %and3A_431 : i32 to vector<16xi32>
      %and3A_433 = arith.andi %get3A_427, %and3A_432 : vector<16xi32>
      %gather3A_434 = tpu.vector_load_idx %arg8[%shift_right_logical3A_430] : memref<10000xf32, #tpu.memory_space<vmem>>[vector<16xi32>], vector<16xf32>,
      %gather3A_435 = tpu.vector_load_idx %arg9[%and3A_433] : memref<10000xf32, #tpu.memory_space<vmem>>[vector<16xi32>], vector<16xf32>,
      %add3A_436 = arith.addf %gather3A_434, %gather3A_435 : vector<16xf32>
      %max3A_437 = arith.constant 0.000000e+00 : f32
      %max3A_438 = vector.broadcast %max3A_437 : f32 to vector<16xf32>
      %max3A_439 = arith.maximumf %add3A_436, %max3A_438 : vector<16xf32>
      %min3A_440 = arith.constant 0.000000e+00 : f32
      %min3A_441 = vector.broadcast %min3A_440 : f32 to vector<16xf32>
      %min3A_442 = arith.minimumf %add3A_436, %min3A_441 : vector<16xf32>
      %mul3A_443 = arith.constant 2.000000e-01 : f32
      %mul3A_444 = vector.broadcast %mul3A_443 : f32 to vector<16xf32>
      %mul3A_445 = arith.mulf %mul3A_444, %min3A_442 : vector<16xf32>
      %add3A_446 = arith.addf %max3A_439, %mul3A_445 : vector<16xf32>
      %exp3A_447 = math.exp %add3A_446 : vector<16xf32>
      %sub3A_448 = vector.broadcast %mul3A_0 : i32 to vector<16xi32>
      %sub3A_449 = arith.subi %and3A_433, %sub3A_448 : vector<16xi32>
      %add3A_450 = arith.constant 32 : i32
      %add3A_451 = arith.addi %add3A_281, %add3A_450 : i32
      %add3A_452 = vector.broadcast %add3A_451 : i32 to vector<16xi32>
      %add3A_453 = arith.addi %add3A_452, %iota3A : vector<16xi32>
      %ge3A_454 = arith.constant 0 : i32
      %ge3A_455 = vector.broadcast %ge3A_454 : i32 to vector<16xi32>
      %ge3A_456 = arith.cmpi sge, %sub3A_449, %ge3A_455 : vector<16xi32>
      %lt3A_457 = arith.constant 5008 : i32
      %lt3A_458 = vector.broadcast %lt3A_457 : i32 to vector<16xi32>
      %lt3A_459 = arith.cmpi slt, %sub3A_449, %lt3A_458 : vector<16xi32>
      %and3A_460 = arith.andi %ge3A_456, %lt3A_459 : vector<16xi1>
      %lt3A_461 = arith.constant 320000 : i32
      %lt3A_462 = vector.broadcast %lt3A_461 : i32 to vector<16xi32>
      %lt3A_463 = arith.cmpi slt, %add3A_453, %lt3A_462 : vector<16xi32>
      %mul3A_464 = arith.constant 20064 : i32
      %mul3A_465 = arith.muli %arg1, %mul3A_464 : i32
      %add3A_466 = arith.constant 20064 : i32
      %add3A_467 = arith.addi %mul3A_465, %add3A_466 : i32
      %lt3A_468 = vector.broadcast %add3A_467 : i32 to vector<16xi32>
      %lt3A_469 = arith.cmpi slt, %add3A_453, %lt3A_468 : vector<16xi32>
      %and3A_470 = arith.andi %lt3A_463, %lt3A_469 : vector<16xi1>
      %and3A_471 = arith.andi %and3A_460, %and3A_470 : vector<16xi1>
      %shift_right_logical3A_472 = arith.constant 7 : i32
      %shift_right_logical3A_473 = vector.broadcast %shift_right_logical3A_472 : i32 to vector<16xi32>
      %shift_right_logical3A_474 = arith.shrui %and3A_433, %shift_right_logical3A_473 : vector<16xi32>
      %and3A_475 = arith.constant 127 : i32
      %and3A_476 = vector.broadcast %and3A_475 : i32 to vector<16xi32>
      %and3A_477 = arith.andi %and3A_433, %and3A_476 : vector<16xi32>
      tpu.vector_store_idx %arg21[%shift_right_logical3A_474, %and3A_477], %exp3A_447 masked %and3A_471 {add = true} : memref<80x128xf32, #tpu.memory_space<vmem>>[vector<16xi32>, vector<16xi32>], vector<16xf32>, vector<16xi1>
      %swap3A_478 = arith.index_cast %add3A_425 : i32 to index
      %swap3A_479 = tpu.vector_load %arg13[%swap3A_478] masked %and3A_471 {strides = array<i32>} : memref<48xi32, #tpu.memory_space<vmem>>, vector<16xi32>, vector<16xi1>
      tpu.vector_store %arg13[%swap3A_478], %shift_right_logical3A_430 masked %and3A_471 {strides = array<i32>} : memref<48xi32, #tpu.memory_space<vmem>>, vector<16xi32>, vector<16xi1>
      %swap3A_480 = arith.index_cast %add3A_425 : i32 to index
      %swap3A_481 = tpu.vector_load %arg15[%swap3A_480] masked %and3A_471 {strides = array<i32>} : memref<48xi32, #tpu.memory_space<vmem>>, vector<16xi32>, vector<16xi1>
      tpu.vector_store %arg15[%swap3A_480], %sub3A_449 masked %and3A_471 {strides = array<i32>} : memref<48xi32, #tpu.memory_space<vmem>>, vector<16xi32>, vector<16xi1>
      %swap3A_482 = arith.index_cast %add3A_425 : i32 to index
      %swap3A_483 = tpu.vector_load %arg17[%swap3A_482] masked %and3A_471 {strides = array<i32>} : memref<48xf32, #tpu.memory_space<vmem>>, vector<16xf32>, vector<16xi1>
      tpu.vector_store %arg17[%swap3A_482], %exp3A_447 masked %and3A_471 {strides = array<i32>} : memref<48xf32, #tpu.memory_space<vmem>>, vector<16xf32>, vector<16xi1>
      %convert_element_type3A_484 = arith.extui %and3A_471 : vector<16xi1> to vector<16xi32>
      %reduce_sum3A_485 = arith.constant true
      %reduce_sum3A_486 = vector.broadcast %reduce_sum3A_485 : i1 to vector<16xi1>
      %reduce_sum3A_487 = tpu.scan <sum>, %convert_element_type3A_484 masked %reduce_sum3A_486 : vector<16xi32>, vector<16xi1> -> vector<16xi32>
      %reduce_sum3A_488 = vector.extract %reduce_sum3A_487[15] : i32 from vector<16xi32>
      %add3A_489 = arith.addi %add3A_425, %reduce_sum3A_488 : i32
      %add3A_490 = arith.constant 1 : i32
      %add3A_491 = arith.addi %add3A_253, %add3A_490 : i32
      %lt3A_492 = arith.constant 418 : i32
      %lt3A_493 = arith.cmpi slt, %add3A_491, %lt3A_492 : i32
      %convert_element_type3A_494 = arith.extui %lt3A_493 : i1 to i32
      %cond3A_495 = arith.constant 0 : i32
      %cond3A_496 = arith.cmpi ne, %convert_element_type3A_494, %cond3A_495 : i32
      scf.if %cond3A_496 {
        %dma_start3A_796 = arith.constant 0 : i32
        %dma_start3A_797 = arith.constant 0 : i32
        %dma_start3A_798 = tpu.memref_slice %arg2[%dma_start3A_796, %dma_start3A_797] : memref<10000x128xf32, #tpu.memory_space<hbm>> -> memref<10000x128xf32, #tpu.memory_space<hbm>>
        %dma_start3A_799 = arith.constant -1 : i32
        tpu.enqueue_indirect_dma source(%dma_start3A_798 : memref<10000x128xf32, #tpu.memory_space<hbm>>) target(%arg19 : memref<48x128xf32, #tpu.memory_space<vmem>>) offsets(%arg13 : memref<48xi32, #tpu.memory_space<vmem>>) offset_filter(%dma_start3A_799) semaphore(%arg26 : memref<!tpu.dma_semaphore, #tpu.memory_space<semaphore_mem>>)
      } else {
      }
      %gt3A = arith.constant 0 : i32
      %gt3A_497 = arith.cmpi sgt, %add3A_253, %gt3A : i32
      %convert_element_type3A_498 = arith.extui %gt3A_497 : i1 to i32
      %cond3A_499 = arith.constant 0 : i32
      %cond3A_500 = arith.cmpi ne, %convert_element_type3A_498, %cond3A_499 : i32
      scf.if %cond3A_500 {
        %dma_wait3A_796 = arith.constant 0 : i32
        %dma_wait3A_797 = arith.constant 0 : i32
        %dma_wait3A_798 = tpu.memref_slice %arg24[%dma_wait3A_796, %dma_wait3A_797] : memref<5008x128xf32, #tpu.memory_space<vmem_shared>> -> memref<5008x128xf32, #tpu.memory_space<vmem_shared>>
        tpu.wait_indirect_dma semaphore(%arg29 : memref<!tpu.dma_semaphore, #tpu.memory_space<semaphore_mem>>) src(%arg20 : memref<48x128xf32, #tpu.memory_space<vmem>>) dst(%dma_wait3A_798 : memref<5008x128xf32, #tpu.memory_space<vmem_shared>>)
      } else {
      }
      %add3A_501 = arith.constant 7 : i32
      %add3A_502 = arith.addi %scan3A_248, %add3A_501 : i32
      %and3A_503 = arith.constant -8 : i32
      %and3A_504 = arith.andi %add3A_502, %and3A_503 : i32
      %parallel_loop3A = arith.constant 0 : i32
      %parallel_loop3A_505 = arith.constant 1 : i32
      scf.for %parallel_loop3A_796 = %parallel_loop3A to %and3A_504 step %parallel_loop3A_505  : i32 {
        %parallel_loop3A_797 = vector.broadcast %parallel_loop3A_796 : i32 to vector<16xi32>
        %parallel_loop3A_798 = tpu.vector_load_idx %arg16[%parallel_loop3A_797] : memref<48xf32, #tpu.memory_space<vmem>>[vector<16xi32>], vector<16xf32>,
        %parallel_loop3A_799 = arith.index_cast %parallel_loop3A_796 : i32 to index
        %parallel_loop3A_800 = arith.constant 0 : index
        %parallel_loop3A_801 = tpu.vector_load %arg18[%parallel_loop3A_799, %parallel_loop3A_800] {strides = array<i32>} : memref<48x128xf32, #tpu.memory_space<vmem>>, vector<16xf32>,
        %parallel_loop3A_802 = arith.mulf %parallel_loop3A_801, %parallel_loop3A_798 : vector<16xf32>
        %parallel_loop3A_803 = arith.index_cast %parallel_loop3A_796 : i32 to index
        %parallel_loop3A_804 = arith.constant 0 : index
        %parallel_loop3A_805 = tpu.vector_load %arg20[%parallel_loop3A_803, %parallel_loop3A_804] {strides = array<i32>} : memref<48x128xf32, #tpu.memory_space<vmem>>, vector<16xf32>,
        tpu.vector_store %arg20[%parallel_loop3A_803, %parallel_loop3A_804], %parallel_loop3A_802 {strides = array<i32>} : memref<48x128xf32, #tpu.memory_space<vmem>>, vector<16xf32>,
        %parallel_loop3A_806 = arith.index_cast %parallel_loop3A_796 : i32 to index
        %parallel_loop3A_807 = arith.constant 16 : index
        %parallel_loop3A_808 = tpu.vector_load %arg18[%parallel_loop3A_806, %parallel_loop3A_807] {strides = array<i32>} : memref<48x128xf32, #tpu.memory_space<vmem>>, vector<16xf32>,
        %parallel_loop3A_809 = arith.mulf %parallel_loop3A_808, %parallel_loop3A_798 : vector<16xf32>
        %parallel_loop3A_810 = arith.index_cast %parallel_loop3A_796 : i32 to index
        %parallel_loop3A_811 = arith.constant 16 : index
        %parallel_loop3A_812 = tpu.vector_load %arg20[%parallel_loop3A_810, %parallel_loop3A_811] {strides = array<i32>} : memref<48x128xf32, #tpu.memory_space<vmem>>, vector<16xf32>,
        tpu.vector_store %arg20[%parallel_loop3A_810, %parallel_loop3A_811], %parallel_loop3A_809 {strides = array<i32>} : memref<48x128xf32, #tpu.memory_space<vmem>>, vector<16xf32>,
        %parallel_loop3A_813 = arith.index_cast %parallel_loop3A_796 : i32 to index
        %parallel_loop3A_814 = arith.constant 32 : index
        %parallel_loop3A_815 = tpu.vector_load %arg18[%parallel_loop3A_813, %parallel_loop3A_814] {strides = array<i32>} : memref<48x128xf32, #tpu.memory_space<vmem>>, vector<16xf32>,
        %parallel_loop3A_816 = arith.mulf %parallel_loop3A_815, %parallel_loop3A_798 : vector<16xf32>
        %parallel_loop3A_817 = arith.index_cast %parallel_loop3A_796 : i32 to index
        %parallel_loop3A_818 = arith.constant 32 : index
        %parallel_loop3A_819 = tpu.vector_load %arg20[%parallel_loop3A_817, %parallel_loop3A_818] {strides = array<i32>} : memref<48x128xf32, #tpu.memory_space<vmem>>, vector<16xf32>,
        tpu.vector_store %arg20[%parallel_loop3A_817, %parallel_loop3A_818], %parallel_loop3A_816 {strides = array<i32>} : memref<48x128xf32, #tpu.memory_space<vmem>>, vector<16xf32>,
        %parallel_loop3A_820 = arith.index_cast %parallel_loop3A_796 : i32 to index
        %parallel_loop3A_821 = arith.constant 48 : index
        %parallel_loop3A_822 = tpu.vector_load %arg18[%parallel_loop3A_820, %parallel_loop3A_821] {strides = array<i32>} : memref<48x128xf32, #tpu.memory_space<vmem>>, vector<16xf32>,
        %parallel_loop3A_823 = arith.mulf %parallel_loop3A_822, %parallel_loop3A_798 : vector<16xf32>
        %parallel_loop3A_824 = arith.index_cast %parallel_loop3A_796 : i32 to index
        %parallel_loop3A_825 = arith.constant 48 : index
        %parallel_loop3A_826 = tpu.vector_load %arg20[%parallel_loop3A_824, %parallel_loop3A_825] {strides = array<i32>} : memref<48x128xf32, #tpu.memory_space<vmem>>, vector<16xf32>,
        tpu.vector_store %arg20[%parallel_loop3A_824, %parallel_loop3A_825], %parallel_loop3A_823 {strides = array<i32>} : memref<48x128xf32, #tpu.memory_space<vmem>>, vector<16xf32>,
        %parallel_loop3A_827 = arith.index_cast %parallel_loop3A_796 : i32 to index
        %parallel_loop3A_828 = arith.constant 64 : index
        %parallel_loop3A_829 = tpu.vector_load %arg18[%parallel_loop3A_827, %parallel_loop3A_828] {strides = array<i32>} : memref<48x128xf32, #tpu.memory_space<vmem>>, vector<16xf32>,
        %parallel_loop3A_830 = arith.mulf %parallel_loop3A_829, %parallel_loop3A_798 : vector<16xf32>
        %parallel_loop3A_831 = arith.index_cast %parallel_loop3A_796 : i32 to index
        %parallel_loop3A_832 = arith.constant 64 : index
        %parallel_loop3A_833 = tpu.vector_load %arg20[%parallel_loop3A_831, %parallel_loop3A_832] {strides = array<i32>} : memref<48x128xf32, #tpu.memory_space<vmem>>, vector<16xf32>,
        tpu.vector_store %arg20[%parallel_loop3A_831, %parallel_loop3A_832], %parallel_loop3A_830 {strides = array<i32>} : memref<48x128xf32, #tpu.memory_space<vmem>>, vector<16xf32>,
        %parallel_loop3A_834 = arith.index_cast %parallel_loop3A_796 : i32 to index
        %parallel_loop3A_835 = arith.constant 80 : index
        %parallel_loop3A_836 = tpu.vector_load %arg18[%parallel_loop3A_834, %parallel_loop3A_835] {strides = array<i32>} : memref<48x128xf32, #tpu.memory_space<vmem>>, vector<16xf32>,
        %parallel_loop3A_837 = arith.mulf %parallel_loop3A_836, %parallel_loop3A_798 : vector<16xf32>
        %parallel_loop3A_838 = arith.index_cast %parallel_loop3A_796 : i32 to index
        %parallel_loop3A_839 = arith.constant 80 : index
        %parallel_loop3A_840 = tpu.vector_load %arg20[%parallel_loop3A_838, %parallel_loop3A_839] {strides = array<i32>} : memref<48x128xf32, #tpu.memory_space<vmem>>, vector<16xf32>,
        tpu.vector_store %arg20[%parallel_loop3A_838, %parallel_loop3A_839], %parallel_loop3A_837 {strides = array<i32>} : memref<48x128xf32, #tpu.memory_space<vmem>>, vector<16xf32>,
        %parallel_loop3A_841 = arith.index_cast %parallel_loop3A_796 : i32 to index
        %parallel_loop3A_842 = arith.constant 96 : index
        %parallel_loop3A_843 = tpu.vector_load %arg18[%parallel_loop3A_841, %parallel_loop3A_842] {strides = array<i32>} : memref<48x128xf32, #tpu.memory_space<vmem>>, vector<16xf32>,
        %parallel_loop3A_844 = arith.mulf %parallel_loop3A_843, %parallel_loop3A_798 : vector<16xf32>
        %parallel_loop3A_845 = arith.index_cast %parallel_loop3A_796 : i32 to index
        %parallel_loop3A_846 = arith.constant 96 : index
        %parallel_loop3A_847 = tpu.vector_load %arg20[%parallel_loop3A_845, %parallel_loop3A_846] {strides = array<i32>} : memref<48x128xf32, #tpu.memory_space<vmem>>, vector<16xf32>,
        tpu.vector_store %arg20[%parallel_loop3A_845, %parallel_loop3A_846], %parallel_loop3A_844 {strides = array<i32>} : memref<48x128xf32, #tpu.memory_space<vmem>>, vector<16xf32>,
        %parallel_loop3A_848 = arith.index_cast %parallel_loop3A_796 : i32 to index
        %parallel_loop3A_849 = arith.constant 112 : index
        %parallel_loop3A_850 = tpu.vector_load %arg18[%parallel_loop3A_848, %parallel_loop3A_849] {strides = array<i32>} : memref<48x128xf32, #tpu.memory_space<vmem>>, vector<16xf32>,
        %parallel_loop3A_851 = arith.mulf %parallel_loop3A_850, %parallel_loop3A_798 : vector<16xf32>
        %parallel_loop3A_852 = arith.index_cast %parallel_loop3A_796 : i32 to index
        %parallel_loop3A_853 = arith.constant 112 : index
        %parallel_loop3A_854 = tpu.vector_load %arg20[%parallel_loop3A_852, %parallel_loop3A_853] {strides = array<i32>} : memref<48x128xf32, #tpu.memory_space<vmem>>, vector<16xf32>,
        tpu.vector_store %arg20[%parallel_loop3A_852, %parallel_loop3A_853], %parallel_loop3A_851 {strides = array<i32>} : memref<48x128xf32, #tpu.memory_space<vmem>>, vector<16xf32>,
      } {sc.loop_unroll_factor = 8 : i64, sc.parallel_access}
      %get3A_506 = arith.constant 0 : index
      %get3A_507 = tpu.vector_load %arg14[%get3A_506] {strides = array<i32>} : memref<48xi32, #tpu.memory_space<vmem>>, vector<16xi32>,
      %swap3A_508 = arith.constant 0 : index
      %swap3A_509 = tpu.vector_load %arg23[%swap3A_508] {strides = array<i32>} : memref<48xi32, #tpu.memory_space<vmem>>, vector<16xi32>,
      tpu.vector_store %arg23[%swap3A_508], %get3A_507 {strides = array<i32>} : memref<48xi32, #tpu.memory_space<vmem>>, vector<16xi32>,
      %get3A_510 = arith.constant 16 : index
      %get3A_511 = tpu.vector_load %arg14[%get3A_510] {strides = array<i32>} : memref<48xi32, #tpu.memory_space<vmem>>, vector<16xi32>,
      %swap3A_512 = arith.constant 16 : index
      %swap3A_513 = tpu.vector_load %arg23[%swap3A_512] {strides = array<i32>} : memref<48xi32, #tpu.memory_space<vmem>>, vector<16xi32>,
      tpu.vector_store %arg23[%swap3A_512], %get3A_511 {strides = array<i32>} : memref<48xi32, #tpu.memory_space<vmem>>, vector<16xi32>,
      %get3A_514 = arith.constant 32 : index
      %get3A_515 = tpu.vector_load %arg14[%get3A_514] {strides = array<i32>} : memref<48xi32, #tpu.memory_space<vmem>>, vector<16xi32>,
      %swap3A_516 = arith.constant 32 : index
      %swap3A_517 = tpu.vector_load %arg23[%swap3A_516] {strides = array<i32>} : memref<48xi32, #tpu.memory_space<vmem>>, vector<16xi32>,
      tpu.vector_store %arg23[%swap3A_516], %get3A_515 {strides = array<i32>} : memref<48xi32, #tpu.memory_space<vmem>>, vector<16xi32>,
      %dma_start3A_518 = arith.constant 0 : i32
      %dma_start3A_519 = arith.constant 0 : i32
      %dma_start3A_520 = tpu.memref_slice %arg24[%dma_start3A_518, %dma_start3A_519] : memref<5008x128xf32, #tpu.memory_space<vmem_shared>> -> memref<5008x128xf32, #tpu.memory_space<vmem_shared>>
      %dma_start3A_521 = arith.constant -1 : i32
      tpu.enqueue_indirect_dma source(%arg20 : memref<48x128xf32, #tpu.memory_space<vmem>>) target(%dma_start3A_520 : memref<5008x128xf32, #tpu.memory_space<vmem_shared>>) offsets(%arg23 : memref<48xi32, #tpu.memory_space<vmem>>) offset_filter(%dma_start3A_521) semaphore(%arg29 : memref<!tpu.dma_semaphore, #tpu.memory_space<semaphore_mem>>) {add = true}
      %mul3A_522 = arith.constant 2 : i32
      %mul3A_523 = arith.muli %mul3A_522, %scan3A_247 : i32
      %add3A_524 = arith.constant 1 : i32
      %add3A_525 = arith.addi %mul3A_523, %add3A_524 : i32
      %mul3A_526 = arith.constant 20064 : i32
      %mul3A_527 = arith.muli %arg1, %mul3A_526 : i32
      %add3A_528 = arith.constant 1 : i32
      %add3A_529 = arith.addi %add3A_525, %add3A_528 : i32
      %mul3A_530 = arith.constant 48 : i32
      %mul3A_531 = arith.muli %add3A_529, %mul3A_530 : i32
      %add3A_532 = arith.addi %mul3A_527, %mul3A_531 : i32
      %dma_start3A_533 = tpu.memref_slice %arg5[%add3A_532] : memref<321072xi32, #tpu.memory_space<hbm>> -> memref<48xi32, #tpu.memory_space<hbm>>
      %dma_start3A_534 = tpu.memref_slice %arg5[%add3A_532] : memref<321072xi32, #tpu.memory_space<hbm>> -> memref<48xi32, #tpu.memory_space<hbm>>
      tpu.enqueue_dma source(%dma_start3A_534 : memref<48xi32, #tpu.memory_space<hbm>>) target(%arg10 : memref<48xi32, #tpu.memory_space<vmem>>) target_semaphore(%arg27 : memref<!tpu.dma_semaphore, #tpu.memory_space<semaphore_mem>>)
      %dma_wait3A_535 = arith.constant 0 : i32
      %dma_wait3A_536 = arith.constant 0 : i32
      %dma_wait3A_537 = tpu.memref_slice %arg2[%dma_wait3A_535, %dma_wait3A_536] : memref<10000x128xf32, #tpu.memory_space<hbm>> -> memref<10000x128xf32, #tpu.memory_space<hbm>>
      tpu.wait_indirect_dma semaphore(%arg26 : memref<!tpu.dma_semaphore, #tpu.memory_space<semaphore_mem>>) src(%dma_wait3A_537 : memref<10000x128xf32, #tpu.memory_space<hbm>>) dst(%arg19 : memref<48x128xf32, #tpu.memory_space<vmem>>)
      %mul3A_538 = arith.constant 20064 : i32
      %mul3A_539 = arith.muli %arg1, %mul3A_538 : i32
      %add3A_540 = arith.constant 1 : i32
      %add3A_541 = arith.addi %add3A_525, %add3A_540 : i32
      %mul3A_542 = arith.constant 48 : i32
      %mul3A_543 = arith.muli %add3A_541, %mul3A_542 : i32
      %add3A_544 = arith.addi %mul3A_539, %mul3A_543 : i32
      %dma_wait3A_545 = tpu.memref_slice %arg5[%add3A_544] : memref<321072xi32, #tpu.memory_space<hbm>> -> memref<48xi32, #tpu.memory_space<hbm>>
      %dma_wait3A_546 = tpu.memref_slice %arg5[%add3A_544] : memref<321072xi32, #tpu.memory_space<hbm>> -> memref<48xi32, #tpu.memory_space<hbm>>
      tpu.wait_dma2 semaphore(%arg27 : memref<!tpu.dma_semaphore, #tpu.memory_space<semaphore_mem>>) src(%dma_wait3A_546 : memref<48xi32, #tpu.memory_space<hbm>>) dst(%arg10 : memref<48xi32, #tpu.memory_space<vmem>>)
      %add3A_547 = arith.constant 1 : i32
      %add3A_548 = arith.addi %add3A_525, %add3A_547 : i32
      %mul3A_549 = arith.constant 20064 : i32
      %mul3A_550 = arith.muli %arg1, %mul3A_549 : i32
      %mul3A_551 = arith.constant 48 : i32
      %mul3A_552 = arith.muli %add3A_548, %mul3A_551 : i32
      %add3A_553 = arith.addi %mul3A_550, %mul3A_552 : i32
      %swap3A_554 = arith.constant 0 : index
      %swap3A_555 = tpu.vector_load %arg12[%swap3A_554] {strides = array<i32>} : memref<48xi32, #tpu.memory_space<vmem>>, vector<16xi32>,
      tpu.vector_store %arg12[%swap3A_554], %broadcast_in_dim3A_18 {strides = array<i32>} : memref<48xi32, #tpu.memory_space<vmem>>, vector<16xi32>,
      %swap3A_556 = arith.constant 0 : index
      %swap3A_557 = tpu.vector_load %arg14[%swap3A_556] {strides = array<i32>} : memref<48xi32, #tpu.memory_space<vmem>>, vector<16xi32>,
      tpu.vector_store %arg14[%swap3A_556], %broadcast_in_dim3A_18 {strides = array<i32>} : memref<48xi32, #tpu.memory_space<vmem>>, vector<16xi32>,
      %swap3A_558 = arith.constant 16 : index
      %swap3A_559 = tpu.vector_load %arg12[%swap3A_558] {strides = array<i32>} : memref<48xi32, #tpu.memory_space<vmem>>, vector<16xi32>,
      tpu.vector_store %arg12[%swap3A_558], %broadcast_in_dim3A_18 {strides = array<i32>} : memref<48xi32, #tpu.memory_space<vmem>>, vector<16xi32>,
      %swap3A_560 = arith.constant 16 : index
      %swap3A_561 = tpu.vector_load %arg14[%swap3A_560] {strides = array<i32>} : memref<48xi32, #tpu.memory_space<vmem>>, vector<16xi32>,
      tpu.vector_store %arg14[%swap3A_560], %broadcast_in_dim3A_18 {strides = array<i32>} : memref<48xi32, #tpu.memory_space<vmem>>, vector<16xi32>,
      %swap3A_562 = arith.constant 32 : index
      %swap3A_563 = tpu.vector_load %arg12[%swap3A_562] {strides = array<i32>} : memref<48xi32, #tpu.memory_space<vmem>>, vector<16xi32>,
      tpu.vector_store %arg12[%swap3A_562], %broadcast_in_dim3A_18 {strides = array<i32>} : memref<48xi32, #tpu.memory_space<vmem>>, vector<16xi32>,
      %swap3A_564 = arith.constant 32 : index
      %swap3A_565 = tpu.vector_load %arg14[%swap3A_564] {strides = array<i32>} : memref<48xi32, #tpu.memory_space<vmem>>, vector<16xi32>,
      tpu.vector_store %arg14[%swap3A_564], %broadcast_in_dim3A_18 {strides = array<i32>} : memref<48xi32, #tpu.memory_space<vmem>>, vector<16xi32>,
      %get3A_566 = arith.constant 0 : index
      %get3A_567 = tpu.vector_load %arg10[%get3A_566] {strides = array<i32>} : memref<48xi32, #tpu.memory_space<vmem>>, vector<16xi32>,
      %shift_right_logical3A_568 = arith.constant 14 : i32
      %shift_right_logical3A_569 = vector.broadcast %shift_right_logical3A_568 : i32 to vector<16xi32>
      %shift_right_logical3A_570 = arith.shrui %get3A_567, %shift_right_logical3A_569 : vector<16xi32>
      %and3A_571 = arith.constant 16383 : i32
      %and3A_572 = vector.broadcast %and3A_571 : i32 to vector<16xi32>
      %and3A_573 = arith.andi %get3A_567, %and3A_572 : vector<16xi32>
      %gather3A_574 = tpu.vector_load_idx %arg8[%shift_right_logical3A_570] : memref<10000xf32, #tpu.memory_space<vmem>>[vector<16xi32>], vector<16xf32>,
      %gather3A_575 = tpu.vector_load_idx %arg9[%and3A_573] : memref<10000xf32, #tpu.memory_space<vmem>>[vector<16xi32>], vector<16xf32>,
      %add3A_576 = arith.addf %gather3A_574, %gather3A_575 : vector<16xf32>
      %max3A_577 = arith.constant 0.000000e+00 : f32
      %max3A_578 = vector.broadcast %max3A_577 : f32 to vector<16xf32>
      %max3A_579 = arith.maximumf %add3A_576, %max3A_578 : vector<16xf32>
      %min3A_580 = arith.constant 0.000000e+00 : f32
      %min3A_581 = vector.broadcast %min3A_580 : f32 to vector<16xf32>
      %min3A_582 = arith.minimumf %add3A_576, %min3A_581 : vector<16xf32>
      %mul3A_583 = arith.constant 2.000000e-01 : f32
      %mul3A_584 = vector.broadcast %mul3A_583 : f32 to vector<16xf32>
      %mul3A_585 = arith.mulf %mul3A_584, %min3A_582 : vector<16xf32>
      %add3A_586 = arith.addf %max3A_579, %mul3A_585 : vector<16xf32>
      %exp3A_587 = math.exp %add3A_586 : vector<16xf32>
      %sub3A_588 = vector.broadcast %mul3A_0 : i32 to vector<16xi32>
      %sub3A_589 = arith.subi %and3A_573, %sub3A_588 : vector<16xi32>
      %add3A_590 = arith.constant 0 : i32
      %add3A_591 = arith.addi %add3A_553, %add3A_590 : i32
      %add3A_592 = vector.broadcast %add3A_591 : i32 to vector<16xi32>
      %add3A_593 = arith.addi %add3A_592, %iota3A : vector<16xi32>
      %ge3A_594 = arith.constant 0 : i32
      %ge3A_595 = vector.broadcast %ge3A_594 : i32 to vector<16xi32>
      %ge3A_596 = arith.cmpi sge, %sub3A_589, %ge3A_595 : vector<16xi32>
      %lt3A_597 = arith.constant 5008 : i32
      %lt3A_598 = vector.broadcast %lt3A_597 : i32 to vector<16xi32>
      %lt3A_599 = arith.cmpi slt, %sub3A_589, %lt3A_598 : vector<16xi32>
      %and3A_600 = arith.andi %ge3A_596, %lt3A_599 : vector<16xi1>
      %lt3A_601 = arith.constant 320000 : i32
      %lt3A_602 = vector.broadcast %lt3A_601 : i32 to vector<16xi32>
      %lt3A_603 = arith.cmpi slt, %add3A_593, %lt3A_602 : vector<16xi32>
      %mul3A_604 = arith.constant 20064 : i32
      %mul3A_605 = arith.muli %arg1, %mul3A_604 : i32
      %add3A_606 = arith.constant 20064 : i32
      %add3A_607 = arith.addi %mul3A_605, %add3A_606 : i32
      %lt3A_608 = vector.broadcast %add3A_607 : i32 to vector<16xi32>
      %lt3A_609 = arith.cmpi slt, %add3A_593, %lt3A_608 : vector<16xi32>
      %and3A_610 = arith.andi %lt3A_603, %lt3A_609 : vector<16xi1>
      %and3A_611 = arith.andi %and3A_600, %and3A_610 : vector<16xi1>
      %shift_right_logical3A_612 = arith.constant 7 : i32
      %shift_right_logical3A_613 = vector.broadcast %shift_right_logical3A_612 : i32 to vector<16xi32>
      %shift_right_logical3A_614 = arith.shrui %and3A_573, %shift_right_logical3A_613 : vector<16xi32>
      %and3A_615 = arith.constant 127 : i32
      %and3A_616 = vector.broadcast %and3A_615 : i32 to vector<16xi32>
      %and3A_617 = arith.andi %and3A_573, %and3A_616 : vector<16xi32>
      tpu.vector_store_idx %arg21[%shift_right_logical3A_614, %and3A_617], %exp3A_587 masked %and3A_611 {add = true} : memref<80x128xf32, #tpu.memory_space<vmem>>[vector<16xi32>, vector<16xi32>], vector<16xf32>, vector<16xi1>
      %swap3A_618 = arith.constant 0 : i32
      %swap3A_619 = arith.index_cast %swap3A_618 : i32 to index
      %swap3A_620 = tpu.vector_load %arg12[%swap3A_619] masked %and3A_611 {strides = array<i32>} : memref<48xi32, #tpu.memory_space<vmem>>, vector<16xi32>, vector<16xi1>
      tpu.vector_store %arg12[%swap3A_619], %shift_right_logical3A_570 masked %and3A_611 {strides = array<i32>} : memref<48xi32, #tpu.memory_space<vmem>>, vector<16xi32>, vector<16xi1>
      %swap3A_621 = arith.constant 0 : i32
      %swap3A_622 = arith.index_cast %swap3A_621 : i32 to index
      %swap3A_623 = tpu.vector_load %arg14[%swap3A_622] masked %and3A_611 {strides = array<i32>} : memref<48xi32, #tpu.memory_space<vmem>>, vector<16xi32>, vector<16xi1>
      tpu.vector_store %arg14[%swap3A_622], %sub3A_589 masked %and3A_611 {strides = array<i32>} : memref<48xi32, #tpu.memory_space<vmem>>, vector<16xi32>, vector<16xi1>
      %swap3A_624 = arith.constant 0 : i32
      %swap3A_625 = arith.index_cast %swap3A_624 : i32 to index
      %swap3A_626 = tpu.vector_load %arg16[%swap3A_625] masked %and3A_611 {strides = array<i32>} : memref<48xf32, #tpu.memory_space<vmem>>, vector<16xf32>, vector<16xi1>
      tpu.vector_store %arg16[%swap3A_625], %exp3A_587 masked %and3A_611 {strides = array<i32>} : memref<48xf32, #tpu.memory_space<vmem>>, vector<16xf32>, vector<16xi1>
      %convert_element_type3A_627 = arith.extui %and3A_611 : vector<16xi1> to vector<16xi32>
      %reduce_sum3A_628 = arith.constant true
      %reduce_sum3A_629 = vector.broadcast %reduce_sum3A_628 : i1 to vector<16xi1>
      %reduce_sum3A_630 = tpu.scan <sum>, %convert_element_type3A_627 masked %reduce_sum3A_629 : vector<16xi32>, vector<16xi1> -> vector<16xi32>
      %reduce_sum3A_631 = vector.extract %reduce_sum3A_630[15] : i32 from vector<16xi32>
      %add3A_632 = arith.constant 0 : i32
      %add3A_633 = arith.addi %add3A_632, %reduce_sum3A_631 : i32
      %get3A_634 = arith.constant 16 : index
      %get3A_635 = tpu.vector_load %arg10[%get3A_634] {strides = array<i32>} : memref<48xi32, #tpu.memory_space<vmem>>, vector<16xi32>,
      %shift_right_logical3A_636 = arith.constant 14 : i32
      %shift_right_logical3A_637 = vector.broadcast %shift_right_logical3A_636 : i32 to vector<16xi32>
      %shift_right_logical3A_638 = arith.shrui %get3A_635, %shift_right_logical3A_637 : vector<16xi32>
      %and3A_639 = arith.constant 16383 : i32
      %and3A_640 = vector.broadcast %and3A_639 : i32 to vector<16xi32>
      %and3A_641 = arith.andi %get3A_635, %and3A_640 : vector<16xi32>
      %gather3A_642 = tpu.vector_load_idx %arg8[%shift_right_logical3A_638] : memref<10000xf32, #tpu.memory_space<vmem>>[vector<16xi32>], vector<16xf32>,
      %gather3A_643 = tpu.vector_load_idx %arg9[%and3A_641] : memref<10000xf32, #tpu.memory_space<vmem>>[vector<16xi32>], vector<16xf32>,
      %add3A_644 = arith.addf %gather3A_642, %gather3A_643 : vector<16xf32>
      %max3A_645 = arith.constant 0.000000e+00 : f32
      %max3A_646 = vector.broadcast %max3A_645 : f32 to vector<16xf32>
      %max3A_647 = arith.maximumf %add3A_644, %max3A_646 : vector<16xf32>
      %min3A_648 = arith.constant 0.000000e+00 : f32
      %min3A_649 = vector.broadcast %min3A_648 : f32 to vector<16xf32>
      %min3A_650 = arith.minimumf %add3A_644, %min3A_649 : vector<16xf32>
      %mul3A_651 = arith.constant 2.000000e-01 : f32
      %mul3A_652 = vector.broadcast %mul3A_651 : f32 to vector<16xf32>
      %mul3A_653 = arith.mulf %mul3A_652, %min3A_650 : vector<16xf32>
      %add3A_654 = arith.addf %max3A_647, %mul3A_653 : vector<16xf32>
      %exp3A_655 = math.exp %add3A_654 : vector<16xf32>
      %sub3A_656 = vector.broadcast %mul3A_0 : i32 to vector<16xi32>
      %sub3A_657 = arith.subi %and3A_641, %sub3A_656 : vector<16xi32>
      %add3A_658 = arith.constant 16 : i32
      %add3A_659 = arith.addi %add3A_553, %add3A_658 : i32
      %add3A_660 = vector.broadcast %add3A_659 : i32 to vector<16xi32>
      %add3A_661 = arith.addi %add3A_660, %iota3A : vector<16xi32>
      %ge3A_662 = arith.constant 0 : i32
      %ge3A_663 = vector.broadcast %ge3A_662 : i32 to vector<16xi32>
      %ge3A_664 = arith.cmpi sge, %sub3A_657, %ge3A_663 : vector<16xi32>
      %lt3A_665 = arith.constant 5008 : i32
      %lt3A_666 = vector.broadcast %lt3A_665 : i32 to vector<16xi32>
      %lt3A_667 = arith.cmpi slt, %sub3A_657, %lt3A_666 : vector<16xi32>
      %and3A_668 = arith.andi %ge3A_664, %lt3A_667 : vector<16xi1>
      %lt3A_669 = arith.constant 320000 : i32
      %lt3A_670 = vector.broadcast %lt3A_669 : i32 to vector<16xi32>
      %lt3A_671 = arith.cmpi slt, %add3A_661, %lt3A_670 : vector<16xi32>
      %mul3A_672 = arith.constant 20064 : i32
      %mul3A_673 = arith.muli %arg1, %mul3A_672 : i32
      %add3A_674 = arith.constant 20064 : i32
      %add3A_675 = arith.addi %mul3A_673, %add3A_674 : i32
      %lt3A_676 = vector.broadcast %add3A_675 : i32 to vector<16xi32>
      %lt3A_677 = arith.cmpi slt, %add3A_661, %lt3A_676 : vector<16xi32>
      %and3A_678 = arith.andi %lt3A_671, %lt3A_677 : vector<16xi1>
      %and3A_679 = arith.andi %and3A_668, %and3A_678 : vector<16xi1>
      %shift_right_logical3A_680 = arith.constant 7 : i32
      %shift_right_logical3A_681 = vector.broadcast %shift_right_logical3A_680 : i32 to vector<16xi32>
      %shift_right_logical3A_682 = arith.shrui %and3A_641, %shift_right_logical3A_681 : vector<16xi32>
      %and3A_683 = arith.constant 127 : i32
      %and3A_684 = vector.broadcast %and3A_683 : i32 to vector<16xi32>
      %and3A_685 = arith.andi %and3A_641, %and3A_684 : vector<16xi32>
      tpu.vector_store_idx %arg21[%shift_right_logical3A_682, %and3A_685], %exp3A_655 masked %and3A_679 {add = true} : memref<80x128xf32, #tpu.memory_space<vmem>>[vector<16xi32>, vector<16xi32>], vector<16xf32>, vector<16xi1>
      %swap3A_686 = arith.index_cast %add3A_633 : i32 to index
      %swap3A_687 = tpu.vector_load %arg12[%swap3A_686] masked %and3A_679 {strides = array<i32>} : memref<48xi32, #tpu.memory_space<vmem>>, vector<16xi32>, vector<16xi1>
      tpu.vector_store %arg12[%swap3A_686], %shift_right_logical3A_638 masked %and3A_679 {strides = array<i32>} : memref<48xi32, #tpu.memory_space<vmem>>, vector<16xi32>, vector<16xi1>
      %swap3A_688 = arith.index_cast %add3A_633 : i32 to index
      %swap3A_689 = tpu.vector_load %arg14[%swap3A_688] masked %and3A_679 {strides = array<i32>} : memref<48xi32, #tpu.memory_space<vmem>>, vector<16xi32>, vector<16xi1>
      tpu.vector_store %arg14[%swap3A_688], %sub3A_657 masked %and3A_679 {strides = array<i32>} : memref<48xi32, #tpu.memory_space<vmem>>, vector<16xi32>, vector<16xi1>
      %swap3A_690 = arith.index_cast %add3A_633 : i32 to index
      %swap3A_691 = tpu.vector_load %arg16[%swap3A_690] masked %and3A_679 {strides = array<i32>} : memref<48xf32, #tpu.memory_space<vmem>>, vector<16xf32>, vector<16xi1>
      tpu.vector_store %arg16[%swap3A_690], %exp3A_655 masked %and3A_679 {strides = array<i32>} : memref<48xf32, #tpu.memory_space<vmem>>, vector<16xf32>, vector<16xi1>
      %convert_element_type3A_692 = arith.extui %and3A_679 : vector<16xi1> to vector<16xi32>
      %reduce_sum3A_693 = arith.constant true
      %reduce_sum3A_694 = vector.broadcast %reduce_sum3A_693 : i1 to vector<16xi1>
      %reduce_sum3A_695 = tpu.scan <sum>, %convert_element_type3A_692 masked %reduce_sum3A_694 : vector<16xi32>, vector<16xi1> -> vector<16xi32>
      %reduce_sum3A_696 = vector.extract %reduce_sum3A_695[15] : i32 from vector<16xi32>
      %add3A_697 = arith.addi %add3A_633, %reduce_sum3A_696 : i32
      %get3A_698 = arith.constant 32 : index
      %get3A_699 = tpu.vector_load %arg10[%get3A_698] {strides = array<i32>} : memref<48xi32, #tpu.memory_space<vmem>>, vector<16xi32>,
      %shift_right_logical3A_700 = arith.constant 14 : i32
      %shift_right_logical3A_701 = vector.broadcast %shift_right_logical3A_700 : i32 to vector<16xi32>
      %shift_right_logical3A_702 = arith.shrui %get3A_699, %shift_right_logical3A_701 : vector<16xi32>
      %and3A_703 = arith.constant 16383 : i32
      %and3A_704 = vector.broadcast %and3A_703 : i32 to vector<16xi32>
      %and3A_705 = arith.andi %get3A_699, %and3A_704 : vector<16xi32>
      %gather3A_706 = tpu.vector_load_idx %arg8[%shift_right_logical3A_702] : memref<10000xf32, #tpu.memory_space<vmem>>[vector<16xi32>], vector<16xf32>,
      %gather3A_707 = tpu.vector_load_idx %arg9[%and3A_705] : memref<10000xf32, #tpu.memory_space<vmem>>[vector<16xi32>], vector<16xf32>,
      %add3A_708 = arith.addf %gather3A_706, %gather3A_707 : vector<16xf32>
      %max3A_709 = arith.constant 0.000000e+00 : f32
      %max3A_710 = vector.broadcast %max3A_709 : f32 to vector<16xf32>
      %max3A_711 = arith.maximumf %add3A_708, %max3A_710 : vector<16xf32>
      %min3A_712 = arith.constant 0.000000e+00 : f32
      %min3A_713 = vector.broadcast %min3A_712 : f32 to vector<16xf32>
      %min3A_714 = arith.minimumf %add3A_708, %min3A_713 : vector<16xf32>
      %mul3A_715 = arith.constant 2.000000e-01 : f32
      %mul3A_716 = vector.broadcast %mul3A_715 : f32 to vector<16xf32>
      %mul3A_717 = arith.mulf %mul3A_716, %min3A_714 : vector<16xf32>
      %add3A_718 = arith.addf %max3A_711, %mul3A_717 : vector<16xf32>
      %exp3A_719 = math.exp %add3A_718 : vector<16xf32>
      %sub3A_720 = vector.broadcast %mul3A_0 : i32 to vector<16xi32>
      %sub3A_721 = arith.subi %and3A_705, %sub3A_720 : vector<16xi32>
      %add3A_722 = arith.constant 32 : i32
      %add3A_723 = arith.addi %add3A_553, %add3A_722 : i32
      %add3A_724 = vector.broadcast %add3A_723 : i32 to vector<16xi32>
      %add3A_725 = arith.addi %add3A_724, %iota3A : vector<16xi32>
      %ge3A_726 = arith.constant 0 : i32
      %ge3A_727 = vector.broadcast %ge3A_726 : i32 to vector<16xi32>
      %ge3A_728 = arith.cmpi sge, %sub3A_721, %ge3A_727 : vector<16xi32>
      %lt3A_729 = arith.constant 5008 : i32
      %lt3A_730 = vector.broadcast %lt3A_729 : i32 to vector<16xi32>
      %lt3A_731 = arith.cmpi slt, %sub3A_721, %lt3A_730 : vector<16xi32>
      %and3A_732 = arith.andi %ge3A_728, %lt3A_731 : vector<16xi1>
      %lt3A_733 = arith.constant 320000 : i32
      %lt3A_734 = vector.broadcast %lt3A_733 : i32 to vector<16xi32>
      %lt3A_735 = arith.cmpi slt, %add3A_725, %lt3A_734 : vector<16xi32>
      %mul3A_736 = arith.constant 20064 : i32
      %mul3A_737 = arith.muli %arg1, %mul3A_736 : i32
      %add3A_738 = arith.constant 20064 : i32
      %add3A_739 = arith.addi %mul3A_737, %add3A_738 : i32
      %lt3A_740 = vector.broadcast %add3A_739 : i32 to vector<16xi32>
      %lt3A_741 = arith.cmpi slt, %add3A_725, %lt3A_740 : vector<16xi32>
      %and3A_742 = arith.andi %lt3A_735, %lt3A_741 : vector<16xi1>
      %and3A_743 = arith.andi %and3A_732, %and3A_742 : vector<16xi1>
      %shift_right_logical3A_744 = arith.constant 7 : i32
      %shift_right_logical3A_745 = vector.broadcast %shift_right_logical3A_744 : i32 to vector<16xi32>
      %shift_right_logical3A_746 = arith.shrui %and3A_705, %shift_right_logical3A_745 : vector<16xi32>
      %and3A_747 = arith.constant 127 : i32
      %and3A_748 = vector.broadcast %and3A_747 : i32 to vector<16xi32>
      %and3A_749 = arith.andi %and3A_705, %and3A_748 : vector<16xi32>
      tpu.vector_store_idx %arg21[%shift_right_logical3A_746, %and3A_749], %exp3A_719 masked %and3A_743 {add = true} : memref<80x128xf32, #tpu.memory_space<vmem>>[vector<16xi32>, vector<16xi32>], vector<16xf32>, vector<16xi1>
      %swap3A_750 = arith.index_cast %add3A_697 : i32 to index
      %swap3A_751 = tpu.vector_load %arg12[%swap3A_750] masked %and3A_743 {strides = array<i32>} : memref<48xi32, #tpu.memory_space<vmem>>, vector<16xi32>, vector<16xi1>
      tpu.vector_store %arg12[%swap3A_750], %shift_right_logical3A_702 masked %and3A_743 {strides = array<i32>} : memref<48xi32, #tpu.memory_space<vmem>>, vector<16xi32>, vector<16xi1>
      %swap3A_752 = arith.index_cast %add3A_697 : i32 to index
      %swap3A_753 = tpu.vector_load %arg14[%swap3A_752] masked %and3A_743 {strides = array<i32>} : memref<48xi32, #tpu.memory_space<vmem>>, vector<16xi32>, vector<16xi1>
      tpu.vector_store %arg14[%swap3A_752], %sub3A_721 masked %and3A_743 {strides = array<i32>} : memref<48xi32, #tpu.memory_space<vmem>>, vector<16xi32>, vector<16xi1>
      %swap3A_754 = arith.index_cast %add3A_697 : i32 to index
      %swap3A_755 = tpu.vector_load %arg16[%swap3A_754] masked %and3A_743 {strides = array<i32>} : memref<48xf32, #tpu.memory_space<vmem>>, vector<16xf32>, vector<16xi1>
      tpu.vector_store %arg16[%swap3A_754], %exp3A_719 masked %and3A_743 {strides = array<i32>} : memref<48xf32, #tpu.memory_space<vmem>>, vector<16xf32>, vector<16xi1>
      %convert_element_type3A_756 = arith.extui %and3A_743 : vector<16xi1> to vector<16xi32>
      %reduce_sum3A_757 = arith.constant true
      %reduce_sum3A_758 = vector.broadcast %reduce_sum3A_757 : i1 to vector<16xi1>
      %reduce_sum3A_759 = tpu.scan <sum>, %convert_element_type3A_756 masked %reduce_sum3A_758 : vector<16xi32>, vector<16xi1> -> vector<16xi32>
      %reduce_sum3A_760 = vector.extract %reduce_sum3A_759[15] : i32 from vector<16xi32>
      %add3A_761 = arith.addi %add3A_697, %reduce_sum3A_760 : i32
      %add3A_762 = arith.constant 1 : i32
      %add3A_763 = arith.addi %add3A_525, %add3A_762 : i32
      %lt3A_764 = arith.constant 418 : i32
      %lt3A_765 = arith.cmpi slt, %add3A_763, %lt3A_764 : i32
      %convert_element_type3A_766 = arith.extui %lt3A_765 : i1 to i32
      %cond3A_767 = arith.constant 0 : i32
      %cond3A_768 = arith.cmpi ne, %convert_element_type3A_766, %cond3A_767 : i32
      scf.if %cond3A_768 {
        %dma_start3A_796 = arith.constant 0 : i32
        %dma_start3A_797 = arith.constant 0 : i32
        %dma_start3A_798 = tpu.memref_slice %arg2[%dma_start3A_796, %dma_start3A_797] : memref<10000x128xf32, #tpu.memory_space<hbm>> -> memref<10000x128xf32, #tpu.memory_space<hbm>>
        %dma_start3A_799 = arith.constant -1 : i32
        tpu.enqueue_indirect_dma source(%dma_start3A_798 : memref<10000x128xf32, #tpu.memory_space<hbm>>) target(%arg18 : memref<48x128xf32, #tpu.memory_space<vmem>>) offsets(%arg12 : memref<48xi32, #tpu.memory_space<vmem>>) offset_filter(%dma_start3A_799) semaphore(%arg25 : memref<!tpu.dma_semaphore, #tpu.memory_space<semaphore_mem>>)
      } else {
      }
      %gt3A_769 = arith.constant 0 : i32
      %gt3A_770 = arith.cmpi sgt, %add3A_525, %gt3A_769 : i32
      %convert_element_type3A_771 = arith.extui %gt3A_770 : i1 to i32
      %cond3A_772 = arith.constant 0 : i32
      %cond3A_773 = arith.cmpi ne, %convert_element_type3A_771, %cond3A_772 : i32
      scf.if %cond3A_773 {
        %dma_wait3A_796 = arith.constant 0 : i32
        %dma_wait3A_797 = arith.constant 0 : i32
        %dma_wait3A_798 = tpu.memref_slice %arg24[%dma_wait3A_796, %dma_wait3A_797] : memref<5008x128xf32, #tpu.memory_space<vmem_shared>> -> memref<5008x128xf32, #tpu.memory_space<vmem_shared>>
        tpu.wait_indirect_dma semaphore(%arg29 : memref<!tpu.dma_semaphore, #tpu.memory_space<semaphore_mem>>) src(%arg20 : memref<48x128xf32, #tpu.memory_space<vmem>>) dst(%dma_wait3A_798 : memref<5008x128xf32, #tpu.memory_space<vmem_shared>>)
      } else {
      }
      %add3A_774 = arith.constant 7 : i32
      %add3A_775 = arith.addi %add3A_489, %add3A_774 : i32
      %and3A_776 = arith.constant -8 : i32
      %and3A_777 = arith.andi %add3A_775, %and3A_776 : i32
      %parallel_loop3A_778 = arith.constant 0 : i32
      %parallel_loop3A_779 = arith.constant 1 : i32
      scf.for %parallel_loop3A_796 = %parallel_loop3A_778 to %and3A_777 step %parallel_loop3A_779  : i32 {
        %parallel_loop3A_797 = vector.broadcast %parallel_loop3A_796 : i32 to vector<16xi32>
        %parallel_loop3A_798 = tpu.vector_load_idx %arg17[%parallel_loop3A_797] : memref<48xf32, #tpu.memory_space<vmem>>[vector<16xi32>], vector<16xf32>,
        %parallel_loop3A_799 = arith.index_cast %parallel_loop3A_796 : i32 to index
        %parallel_loop3A_800 = arith.constant 0 : index
        %parallel_loop3A_801 = tpu.vector_load %arg19[%parallel_loop3A_799, %parallel_loop3A_800] {strides = array<i32>} : memref<48x128xf32, #tpu.memory_space<vmem>>, vector<16xf32>,
        %parallel_loop3A_802 = arith.mulf %parallel_loop3A_801, %parallel_loop3A_798 : vector<16xf32>
        %parallel_loop3A_803 = arith.index_cast %parallel_loop3A_796 : i32 to index
        %parallel_loop3A_804 = arith.constant 0 : index
        %parallel_loop3A_805 = tpu.vector_load %arg20[%parallel_loop3A_803, %parallel_loop3A_804] {strides = array<i32>} : memref<48x128xf32, #tpu.memory_space<vmem>>, vector<16xf32>,
        tpu.vector_store %arg20[%parallel_loop3A_803, %parallel_loop3A_804], %parallel_loop3A_802 {strides = array<i32>} : memref<48x128xf32, #tpu.memory_space<vmem>>, vector<16xf32>,
        %parallel_loop3A_806 = arith.index_cast %parallel_loop3A_796 : i32 to index
        %parallel_loop3A_807 = arith.constant 16 : index
        %parallel_loop3A_808 = tpu.vector_load %arg19[%parallel_loop3A_806, %parallel_loop3A_807] {strides = array<i32>} : memref<48x128xf32, #tpu.memory_space<vmem>>, vector<16xf32>,
        %parallel_loop3A_809 = arith.mulf %parallel_loop3A_808, %parallel_loop3A_798 : vector<16xf32>
        %parallel_loop3A_810 = arith.index_cast %parallel_loop3A_796 : i32 to index
        %parallel_loop3A_811 = arith.constant 16 : index
        %parallel_loop3A_812 = tpu.vector_load %arg20[%parallel_loop3A_810, %parallel_loop3A_811] {strides = array<i32>} : memref<48x128xf32, #tpu.memory_space<vmem>>, vector<16xf32>,
        tpu.vector_store %arg20[%parallel_loop3A_810, %parallel_loop3A_811], %parallel_loop3A_809 {strides = array<i32>} : memref<48x128xf32, #tpu.memory_space<vmem>>, vector<16xf32>,
        %parallel_loop3A_813 = arith.index_cast %parallel_loop3A_796 : i32 to index
        %parallel_loop3A_814 = arith.constant 32 : index
        %parallel_loop3A_815 = tpu.vector_load %arg19[%parallel_loop3A_813, %parallel_loop3A_814] {strides = array<i32>} : memref<48x128xf32, #tpu.memory_space<vmem>>, vector<16xf32>,
        %parallel_loop3A_816 = arith.mulf %parallel_loop3A_815, %parallel_loop3A_798 : vector<16xf32>
        %parallel_loop3A_817 = arith.index_cast %parallel_loop3A_796 : i32 to index
        %parallel_loop3A_818 = arith.constant 32 : index
        %parallel_loop3A_819 = tpu.vector_load %arg20[%parallel_loop3A_817, %parallel_loop3A_818] {strides = array<i32>} : memref<48x128xf32, #tpu.memory_space<vmem>>, vector<16xf32>,
        tpu.vector_store %arg20[%parallel_loop3A_817, %parallel_loop3A_818], %parallel_loop3A_816 {strides = array<i32>} : memref<48x128xf32, #tpu.memory_space<vmem>>, vector<16xf32>,
        %parallel_loop3A_820 = arith.index_cast %parallel_loop3A_796 : i32 to index
        %parallel_loop3A_821 = arith.constant 48 : index
        %parallel_loop3A_822 = tpu.vector_load %arg19[%parallel_loop3A_820, %parallel_loop3A_821] {strides = array<i32>} : memref<48x128xf32, #tpu.memory_space<vmem>>, vector<16xf32>,
        %parallel_loop3A_823 = arith.mulf %parallel_loop3A_822, %parallel_loop3A_798 : vector<16xf32>
        %parallel_loop3A_824 = arith.index_cast %parallel_loop3A_796 : i32 to index
        %parallel_loop3A_825 = arith.constant 48 : index
        %parallel_loop3A_826 = tpu.vector_load %arg20[%parallel_loop3A_824, %parallel_loop3A_825] {strides = array<i32>} : memref<48x128xf32, #tpu.memory_space<vmem>>, vector<16xf32>,
        tpu.vector_store %arg20[%parallel_loop3A_824, %parallel_loop3A_825], %parallel_loop3A_823 {strides = array<i32>} : memref<48x128xf32, #tpu.memory_space<vmem>>, vector<16xf32>,
        %parallel_loop3A_827 = arith.index_cast %parallel_loop3A_796 : i32 to index
        %parallel_loop3A_828 = arith.constant 64 : index
        %parallel_loop3A_829 = tpu.vector_load %arg19[%parallel_loop3A_827, %parallel_loop3A_828] {strides = array<i32>} : memref<48x128xf32, #tpu.memory_space<vmem>>, vector<16xf32>,
        %parallel_loop3A_830 = arith.mulf %parallel_loop3A_829, %parallel_loop3A_798 : vector<16xf32>
        %parallel_loop3A_831 = arith.index_cast %parallel_loop3A_796 : i32 to index
        %parallel_loop3A_832 = arith.constant 64 : index
        %parallel_loop3A_833 = tpu.vector_load %arg20[%parallel_loop3A_831, %parallel_loop3A_832] {strides = array<i32>} : memref<48x128xf32, #tpu.memory_space<vmem>>, vector<16xf32>,
        tpu.vector_store %arg20[%parallel_loop3A_831, %parallel_loop3A_832], %parallel_loop3A_830 {strides = array<i32>} : memref<48x128xf32, #tpu.memory_space<vmem>>, vector<16xf32>,
        %parallel_loop3A_834 = arith.index_cast %parallel_loop3A_796 : i32 to index
        %parallel_loop3A_835 = arith.constant 80 : index
        %parallel_loop3A_836 = tpu.vector_load %arg19[%parallel_loop3A_834, %parallel_loop3A_835] {strides = array<i32>} : memref<48x128xf32, #tpu.memory_space<vmem>>, vector<16xf32>,
        %parallel_loop3A_837 = arith.mulf %parallel_loop3A_836, %parallel_loop3A_798 : vector<16xf32>
        %parallel_loop3A_838 = arith.index_cast %parallel_loop3A_796 : i32 to index
        %parallel_loop3A_839 = arith.constant 80 : index
        %parallel_loop3A_840 = tpu.vector_load %arg20[%parallel_loop3A_838, %parallel_loop3A_839] {strides = array<i32>} : memref<48x128xf32, #tpu.memory_space<vmem>>, vector<16xf32>,
        tpu.vector_store %arg20[%parallel_loop3A_838, %parallel_loop3A_839], %parallel_loop3A_837 {strides = array<i32>} : memref<48x128xf32, #tpu.memory_space<vmem>>, vector<16xf32>,
        %parallel_loop3A_841 = arith.index_cast %parallel_loop3A_796 : i32 to index
        %parallel_loop3A_842 = arith.constant 96 : index
        %parallel_loop3A_843 = tpu.vector_load %arg19[%parallel_loop3A_841, %parallel_loop3A_842] {strides = array<i32>} : memref<48x128xf32, #tpu.memory_space<vmem>>, vector<16xf32>,
        %parallel_loop3A_844 = arith.mulf %parallel_loop3A_843, %parallel_loop3A_798 : vector<16xf32>
        %parallel_loop3A_845 = arith.index_cast %parallel_loop3A_796 : i32 to index
        %parallel_loop3A_846 = arith.constant 96 : index
        %parallel_loop3A_847 = tpu.vector_load %arg20[%parallel_loop3A_845, %parallel_loop3A_846] {strides = array<i32>} : memref<48x128xf32, #tpu.memory_space<vmem>>, vector<16xf32>,
        tpu.vector_store %arg20[%parallel_loop3A_845, %parallel_loop3A_846], %parallel_loop3A_844 {strides = array<i32>} : memref<48x128xf32, #tpu.memory_space<vmem>>, vector<16xf32>,
        %parallel_loop3A_848 = arith.index_cast %parallel_loop3A_796 : i32 to index
        %parallel_loop3A_849 = arith.constant 112 : index
        %parallel_loop3A_850 = tpu.vector_load %arg19[%parallel_loop3A_848, %parallel_loop3A_849] {strides = array<i32>} : memref<48x128xf32, #tpu.memory_space<vmem>>, vector<16xf32>,
        %parallel_loop3A_851 = arith.mulf %parallel_loop3A_850, %parallel_loop3A_798 : vector<16xf32>
        %parallel_loop3A_852 = arith.index_cast %parallel_loop3A_796 : i32 to index
        %parallel_loop3A_853 = arith.constant 112 : index
        %parallel_loop3A_854 = tpu.vector_load %arg20[%parallel_loop3A_852, %parallel_loop3A_853] {strides = array<i32>} : memref<48x128xf32, #tpu.memory_space<vmem>>, vector<16xf32>,
        tpu.vector_store %arg20[%parallel_loop3A_852, %parallel_loop3A_853], %parallel_loop3A_851 {strides = array<i32>} : memref<48x128xf32, #tpu.memory_space<vmem>>, vector<16xf32>,
      } {sc.loop_unroll_factor = 8 : i64, sc.parallel_access}
      %get3A_780 = arith.constant 0 : index
      %get3A_781 = tpu.vector_load %arg15[%get3A_780] {strides = array<i32>} : memref<48xi32, #tpu.memory_space<vmem>>, vector<16xi32>,
      %swap3A_782 = arith.constant 0 : index
      %swap3A_783 = tpu.vector_load %arg23[%swap3A_782] {strides = array<i32>} : memref<48xi32, #tpu.memory_space<vmem>>, vector<16xi32>,
      tpu.vector_store %arg23[%swap3A_782], %get3A_781 {strides = array<i32>} : memref<48xi32, #tpu.memory_space<vmem>>, vector<16xi32>,
      %get3A_784 = arith.constant 16 : index
      %get3A_785 = tpu.vector_load %arg15[%get3A_784] {strides = array<i32>} : memref<48xi32, #tpu.memory_space<vmem>>, vector<16xi32>,
      %swap3A_786 = arith.constant 16 : index
      %swap3A_787 = tpu.vector_load %arg23[%swap3A_786] {strides = array<i32>} : memref<48xi32, #tpu.memory_space<vmem>>, vector<16xi32>,
      tpu.vector_store %arg23[%swap3A_786], %get3A_785 {strides = array<i32>} : memref<48xi32, #tpu.memory_space<vmem>>, vector<16xi32>,
      %get3A_788 = arith.constant 32 : index
      %get3A_789 = tpu.vector_load %arg15[%get3A_788] {strides = array<i32>} : memref<48xi32, #tpu.memory_space<vmem>>, vector<16xi32>,
      %swap3A_790 = arith.constant 32 : index
      %swap3A_791 = tpu.vector_load %arg23[%swap3A_790] {strides = array<i32>} : memref<48xi32, #tpu.memory_space<vmem>>, vector<16xi32>,
      tpu.vector_store %arg23[%swap3A_790], %get3A_789 {strides = array<i32>} : memref<48xi32, #tpu.memory_space<vmem>>, vector<16xi32>,
      %dma_start3A_792 = arith.constant 0 : i32
      %dma_start3A_793 = arith.constant 0 : i32
      %dma_start3A_794 = tpu.memref_slice %arg24[%dma_start3A_792, %dma_start3A_793] : memref<5008x128xf32, #tpu.memory_space<vmem_shared>> -> memref<5008x128xf32, #tpu.memory_space<vmem_shared>>
      %dma_start3A_795 = arith.constant -1 : i32
      tpu.enqueue_indirect_dma source(%arg20 : memref<48x128xf32, #tpu.memory_space<vmem>>) target(%dma_start3A_794 : memref<5008x128xf32, #tpu.memory_space<vmem_shared>>) offsets(%arg23 : memref<48xi32, #tpu.memory_space<vmem>>) offset_filter(%dma_start3A_795) semaphore(%arg29 : memref<!tpu.dma_semaphore, #tpu.memory_space<semaphore_mem>>) {add = true}
      scf.yield %add3A_761, %add3A_489 : i32, i32
    }
    %scan3A_230 = arith.constant 209 : i32
    %dma_wait3A = arith.constant 0 : i32
    %dma_wait3A_231 = arith.constant 0 : i32
    %dma_wait3A_232 = tpu.memref_slice %arg24[%dma_wait3A, %dma_wait3A_231] : memref<5008x128xf32, #tpu.memory_space<vmem_shared>> -> memref<5008x128xf32, #tpu.memory_space<vmem_shared>>
    tpu.wait_indirect_dma semaphore(%arg29 : memref<!tpu.dma_semaphore, #tpu.memory_space<semaphore_mem>>) src(%arg20 : memref<48x128xf32, #tpu.memory_space<vmem>>) dst(%dma_wait3A_232 : memref<5008x128xf32, #tpu.memory_space<vmem_shared>>)
    %barrier3A_233 = arith.constant 0 : index
    tpu.barrier barrier_id(%barrier3A_233)
    %lt3A_234 = arith.constant 15 : i32
    %lt3A_235 = arith.cmpi slt, %arg1, %lt3A_234 : i32
    %convert_element_type3A_236 = arith.extui %lt3A_235 : i1 to i32
    %cond3A_237 = arith.constant 0 : i32
    %cond3A_238 = arith.cmpi ne, %convert_element_type3A_236, %cond3A_237 : i32
    scf.if %cond3A_238 {
      %mul3A_247 = arith.constant 320 : i32
      %mul3A_248 = arith.muli %arg1, %mul3A_247 : i32
      %mul3A_249 = arith.constant 320 : i32
      %mul3A_250 = arith.muli %arg1, %mul3A_249 : i32
      "tpu.region"() ({
        %run_scoped3A = tpu.sem_alloc : memref<!tpu.dma_semaphore, #tpu.memory_space<semaphore_mem>>
        %dma_start3A_251 = arith.constant 0 : i32
        %dma_start3A_252 = tpu.memref_slice %arg6[%arg0, %mul3A_250, %dma_start3A_251] : memref<2x5008x128xf32, #tpu.memory_space<hbm>> -> memref<1x320x128xf32, #tpu.memory_space<hbm>>
        %dma_start3A_253 = tpu.memref_squeeze %dma_start3A_252 : memref<1x320x128xf32, #tpu.memory_space<hbm>> -> memref<320x128xf32, #tpu.memory_space<hbm>>
        %dma_start3A_254 = arith.constant 0 : i32
        %dma_start3A_255 = tpu.memref_slice %arg24[%mul3A_248, %dma_start3A_254] : memref<5008x128xf32, #tpu.memory_space<vmem_shared>> -> memref<320x128xf32, #tpu.memory_space<vmem_shared>>
        tpu.enqueue_dma source(%dma_start3A_255 : memref<320x128xf32, #tpu.memory_space<vmem_shared>>) target(%dma_start3A_253 : memref<320x128xf32, #tpu.memory_space<hbm>>) target_semaphore(%run_scoped3A : memref<!tpu.dma_semaphore, #tpu.memory_space<semaphore_mem>>)
        %dma_wait3A_256 = arith.constant 0 : i32
        %dma_wait3A_257 = tpu.memref_slice %arg6[%arg0, %mul3A_250, %dma_wait3A_256] : memref<2x5008x128xf32, #tpu.memory_space<hbm>> -> memref<1x320x128xf32, #tpu.memory_space<hbm>>
        %dma_wait3A_258 = tpu.memref_squeeze %dma_wait3A_257 : memref<1x320x128xf32, #tpu.memory_space<hbm>> -> memref<320x128xf32, #tpu.memory_space<hbm>>
        %dma_wait3A_259 = arith.constant 0 : i32
        %dma_wait3A_260 = tpu.memref_slice %arg24[%mul3A_248, %dma_wait3A_259] : memref<5008x128xf32, #tpu.memory_space<vmem_shared>> -> memref<320x128xf32, #tpu.memory_space<vmem_shared>>
        tpu.wait_dma2 semaphore(%run_scoped3A : memref<!tpu.dma_semaphore, #tpu.memory_space<semaphore_mem>>) src(%dma_wait3A_260 : memref<320x128xf32, #tpu.memory_space<vmem_shared>>) dst(%dma_wait3A_258 : memref<320x128xf32, #tpu.memory_space<hbm>>)
        tpu.yield
      }) : () -> ()
    } else {
    }
    %eq3A_239 = arith.constant 15 : i32
    %eq3A_240 = arith.cmpi eq, %arg1, %eq3A_239 : i32
    %convert_element_type3A_241 = arith.extui %eq3A_240 : i1 to i32
    %cond3A_242 = arith.constant 0 : i32
    %cond3A_243 = arith.cmpi ne, %convert_element_type3A_241, %cond3A_242 : i32
    scf.if %cond3A_243 {
      "tpu.region"() ({
        %run_scoped3A = tpu.sem_alloc : memref<!tpu.dma_semaphore, #tpu.memory_space<semaphore_mem>>
        %dma_start3A_247 = arith.constant 4800 : i32
        %dma_start3A_248 = arith.constant 0 : i32
        %dma_start3A_249 = tpu.memref_slice %arg6[%arg0, %dma_start3A_247, %dma_start3A_248] : memref<2x5008x128xf32, #tpu.memory_space<hbm>> -> memref<1x208x128xf32, #tpu.memory_space<hbm>>
        %dma_start3A_250 = tpu.memref_squeeze %dma_start3A_249 : memref<1x208x128xf32, #tpu.memory_space<hbm>> -> memref<208x128xf32, #tpu.memory_space<hbm>>
        %dma_start3A_251 = arith.constant 4800 : i32
        %dma_start3A_252 = arith.constant 0 : i32
        %dma_start3A_253 = tpu.memref_slice %arg24[%dma_start3A_251, %dma_start3A_252] : memref<5008x128xf32, #tpu.memory_space<vmem_shared>> -> memref<208x128xf32, #tpu.memory_space<vmem_shared>>
        tpu.enqueue_dma source(%dma_start3A_253 : memref<208x128xf32, #tpu.memory_space<vmem_shared>>) target(%dma_start3A_250 : memref<208x128xf32, #tpu.memory_space<hbm>>) target_semaphore(%run_scoped3A : memref<!tpu.dma_semaphore, #tpu.memory_space<semaphore_mem>>)
        %dma_wait3A_254 = arith.constant 4800 : i32
        %dma_wait3A_255 = arith.constant 0 : i32
        %dma_wait3A_256 = tpu.memref_slice %arg6[%arg0, %dma_wait3A_254, %dma_wait3A_255] : memref<2x5008x128xf32, #tpu.memory_space<hbm>> -> memref<1x208x128xf32, #tpu.memory_space<hbm>>
        %dma_wait3A_257 = tpu.memref_squeeze %dma_wait3A_256 : memref<1x208x128xf32, #tpu.memory_space<hbm>> -> memref<208x128xf32, #tpu.memory_space<hbm>>
        %dma_wait3A_258 = arith.constant 4800 : i32
        %dma_wait3A_259 = arith.constant 0 : i32
        %dma_wait3A_260 = tpu.memref_slice %arg24[%dma_wait3A_258, %dma_wait3A_259] : memref<5008x128xf32, #tpu.memory_space<vmem_shared>> -> memref<208x128xf32, #tpu.memory_space<vmem_shared>>
        tpu.wait_dma2 semaphore(%run_scoped3A : memref<!tpu.dma_semaphore, #tpu.memory_space<semaphore_mem>>) src(%dma_wait3A_260 : memref<208x128xf32, #tpu.memory_space<vmem_shared>>) dst(%dma_wait3A_257 : memref<208x128xf32, #tpu.memory_space<hbm>>)
        tpu.yield
      }) : () -> ()
    } else {
    }
    %mul3A_244 = arith.constant 2 : i32
    %mul3A_245 = arith.muli %arg1, %mul3A_244 : i32
    %add3A_246 = arith.addi %mul3A_245, %arg0 : i32
    "tpu.region"() ({
      %run_scoped3A = tpu.sem_alloc : memref<!tpu.dma_semaphore, #tpu.memory_space<semaphore_mem>>
      %dma_start3A_247 = arith.constant 0 : i32
      %dma_start3A_248 = arith.constant 0 : i32
      %dma_start3A_249 = tpu.memref_slice %arg7[%add3A_246, %dma_start3A_247, %dma_start3A_248] : memref<32x80x128xf32, #tpu.memory_space<hbm>> -> memref<1x80x128xf32, #tpu.memory_space<hbm>>
      %dma_start3A_250 = tpu.memref_squeeze %dma_start3A_249 : memref<1x80x128xf32, #tpu.memory_space<hbm>> -> memref<80x128xf32, #tpu.memory_space<hbm>>
      %dma_start3A_251 = arith.constant 0 : i32
      %dma_start3A_252 = arith.constant 0 : i32
      %dma_start3A_253 = tpu.memref_slice %arg7[%add3A_246, %dma_start3A_251, %dma_start3A_252] : memref<32x80x128xf32, #tpu.memory_space<hbm>> -> memref<1x80x128xf32, #tpu.memory_space<hbm>>
      %dma_start3A_254 = tpu.memref_squeeze %dma_start3A_253 : memref<1x80x128xf32, #tpu.memory_space<hbm>> -> memref<80x128xf32, #tpu.memory_space<hbm>>
      tpu.enqueue_dma source(%arg21 : memref<80x128xf32, #tpu.memory_space<vmem>>) target(%dma_start3A_254 : memref<80x128xf32, #tpu.memory_space<hbm>>) target_semaphore(%run_scoped3A : memref<!tpu.dma_semaphore, #tpu.memory_space<semaphore_mem>>)
      %dma_wait3A_255 = arith.constant 0 : i32
      %dma_wait3A_256 = arith.constant 0 : i32
      %dma_wait3A_257 = tpu.memref_slice %arg7[%add3A_246, %dma_wait3A_255, %dma_wait3A_256] : memref<32x80x128xf32, #tpu.memory_space<hbm>> -> memref<1x80x128xf32, #tpu.memory_space<hbm>>
      %dma_wait3A_258 = tpu.memref_squeeze %dma_wait3A_257 : memref<1x80x128xf32, #tpu.memory_space<hbm>> -> memref<80x128xf32, #tpu.memory_space<hbm>>
      %dma_wait3A_259 = arith.constant 0 : i32
      %dma_wait3A_260 = arith.constant 0 : i32
      %dma_wait3A_261 = tpu.memref_slice %arg7[%add3A_246, %dma_wait3A_259, %dma_wait3A_260] : memref<32x80x128xf32, #tpu.memory_space<hbm>> -> memref<1x80x128xf32, #tpu.memory_space<hbm>>
      %dma_wait3A_262 = tpu.memref_squeeze %dma_wait3A_261 : memref<1x80x128xf32, #tpu.memory_space<hbm>> -> memref<80x128xf32, #tpu.memory_space<hbm>>
      tpu.wait_dma2 semaphore(%run_scoped3A : memref<!tpu.dma_semaphore, #tpu.memory_space<semaphore_mem>>) src(%arg21 : memref<80x128xf32, #tpu.memory_space<vmem>>) dst(%dma_wait3A_262 : memref<80x128xf32, #tpu.memory_space<hbm>>)
      tpu.yield
    }) : () -> ()
    return
  }
}

module attributes {stable_mosaic.version = 14 : i64} {
  func.func @_dense_body(%arg0: i32, %arg1: memref<2000x128xf32, #tpu.memory_space<vmem>>, %arg2: memref<128x128xf32, #tpu.memory_space<vmem>>, %arg3: memref<1x128xf32, #tpu.memory_space<vmem>>, %arg4: memref<1x128xf32, #tpu.memory_space<vmem>>, %arg5: memref<2000x128xf32, #tpu.memory_space<vmem>>, %arg6: memref<2000x1xf32, #tpu.memory_space<vmem>>, %arg7: memref<2000x1xf32, #tpu.memory_space<vmem>>) attributes {dimension_semantics = [#tpu.dimension_semantics<arbitrary>], iteration_bounds = array<i64: 5>, scalar_prefetch = 0 : i64, scratch_operands = 0 : i64, tpu.core_type = #tpu.core_type<tc>, window_params = [{transform_indices = @transform_0, window_bounds = array<i64: 2000, 128>}, {pipeline_mode = #tpu.pipeline_mode<synchronous>, transform_indices = @transform_1, window_bounds = array<i64: 128, 128>}, {pipeline_mode = #tpu.pipeline_mode<synchronous>, transform_indices = @transform_2, window_bounds = array<i64: 1, 128>}, {pipeline_mode = #tpu.pipeline_mode<synchronous>, transform_indices = @transform_3, window_bounds = array<i64: 1, 128>}, {transform_indices = @transform_4, window_bounds = array<i64: 2000, 128>}, {transform_indices = @transform_5, window_bounds = array<i64: 2000, 1>}, {transform_indices = @transform_6, window_bounds = array<i64: 2000, 1>}]} {
    %get3A = arith.constant 0 : index
    %get3A_0 = arith.constant 0 : index
    %get3A_1 = vector.load %arg1[%get3A, %get3A_0] : memref<2000x128xf32, #tpu.memory_space<vmem>>, vector<2000x128xf32>
    %get3A_2 = arith.constant 0 : index
    %get3A_3 = arith.constant 0 : index
    %get3A_4 = vector.load %arg2[%get3A_2, %get3A_3] : memref<128x128xf32, #tpu.memory_space<vmem>>, vector<128x128xf32>
    %dot_general3A = arith.constant dense<0.000000e+00> : vector<2000x128xf32>
    %dot_general3A_5 = tpu.matmul %get3A_1, %get3A_4, %dot_general3A {dimension_numbers = #tpu.dot_dimension_numbers<[1], [0], [0], [1], [0, 0, 1, 1], [], []>, transpose_lhs_hint = false} : vector<2000x128xf32>, vector<128x128xf32>, vector<2000x128xf32> -> vector<2000x128xf32>
    %swap3A = arith.constant 0 : index
    %swap3A_6 = arith.constant 0 : index
    %swap3A_7 = vector.load %arg5[%swap3A, %swap3A_6] : memref<2000x128xf32, #tpu.memory_space<vmem>>, vector<2000x128xf32>
    tpu.vector_store %arg5[%swap3A, %swap3A_6], %dot_general3A_5 {strides = array<i32>} : memref<2000x128xf32, #tpu.memory_space<vmem>>, vector<2000x128xf32>,
    %get3A_8 = arith.constant 0 : index
    %get3A_9 = arith.constant 0 : index
    %get3A_10 = vector.load %arg3[%get3A_8, %get3A_9] : memref<1x128xf32, #tpu.memory_space<vmem>>, vector<1x128xf32>
    %mul3A = vector.broadcast %get3A_10 : vector<1x128xf32> to vector<2000x128xf32>
    %mul3A_11 = arith.mulf %dot_general3A_5, %mul3A : vector<2000x128xf32>
    %reduce_sum3A = arith.constant dense<0.000000e+00> : vector<2000xf32>
    %reduce_sum3A_12 = vector.multi_reduction <add>, %mul3A_11, %reduce_sum3A [1] : vector<2000x128xf32> to vector<2000xf32>
    %broadcast_in_dim3A = vector.shape_cast %reduce_sum3A_12 : vector<2000xf32> to vector<2000x1xf32>
    %swap3A_13 = arith.constant 0 : index
    %swap3A_14 = arith.constant 0 : index
    %swap3A_15 = vector.load %arg6[%swap3A_13, %swap3A_14] : memref<2000x1xf32, #tpu.memory_space<vmem>>, vector<2000x1xf32>
    tpu.vector_store %arg6[%swap3A_13, %swap3A_14], %broadcast_in_dim3A {strides = array<i32>} : memref<2000x1xf32, #tpu.memory_space<vmem>>, vector<2000x1xf32>,
    %get3A_16 = arith.constant 0 : index
    %get3A_17 = arith.constant 0 : index
    %get3A_18 = vector.load %arg4[%get3A_16, %get3A_17] : memref<1x128xf32, #tpu.memory_space<vmem>>, vector<1x128xf32>
    %mul3A_19 = vector.broadcast %get3A_18 : vector<1x128xf32> to vector<2000x128xf32>
    %mul3A_20 = arith.mulf %dot_general3A_5, %mul3A_19 : vector<2000x128xf32>
    %reduce_sum3A_21 = arith.constant dense<0.000000e+00> : vector<2000xf32>
    %reduce_sum3A_22 = vector.multi_reduction <add>, %mul3A_20, %reduce_sum3A_21 [1] : vector<2000x128xf32> to vector<2000xf32>
    %broadcast_in_dim3A_23 = vector.shape_cast %reduce_sum3A_22 : vector<2000xf32> to vector<2000x1xf32>
    %swap3A_24 = arith.constant 0 : index
    %swap3A_25 = arith.constant 0 : index
    %swap3A_26 = vector.load %arg7[%swap3A_24, %swap3A_25] : memref<2000x1xf32, #tpu.memory_space<vmem>>, vector<2000x1xf32>
    tpu.vector_store %arg7[%swap3A_24, %swap3A_25], %broadcast_in_dim3A_23 {strides = array<i32>} : memref<2000x1xf32, #tpu.memory_space<vmem>>, vector<2000x1xf32>,
    return
  }
  func.func @transform_0(%arg0: i32) -> (i32, i32) {
    %c0_i32 = arith.constant 0 : i32
    %c0_i32_0 = arith.constant 0 : i32
    return %arg0, %c0_i32 : i32, i32
  }
  func.func @transform_1(%arg0: i32) -> (i32, i32) {
    %c0_i32 = arith.constant 0 : i32
    %c0_i32_0 = arith.constant 0 : i32
    %c0_i32_1 = arith.constant 0 : i32
    return %c0_i32, %c0_i32_0 : i32, i32
  }
  func.func @transform_2(%arg0: i32) -> (i32, i32) {
    %c0_i32 = arith.constant 0 : i32
    %c0_i32_0 = arith.constant 0 : i32
    %c0_i32_1 = arith.constant 0 : i32
    return %c0_i32, %c0_i32_0 : i32, i32
  }
  func.func @transform_3(%arg0: i32) -> (i32, i32) {
    %c0_i32 = arith.constant 0 : i32
    %c0_i32_0 = arith.constant 0 : i32
    %c0_i32_1 = arith.constant 0 : i32
    return %c0_i32, %c0_i32_0 : i32, i32
  }
  func.func @transform_4(%arg0: i32) -> (i32, i32) {
    %c0_i32 = arith.constant 0 : i32
    %c0_i32_0 = arith.constant 0 : i32
    return %arg0, %c0_i32 : i32, i32
  }
  func.func @transform_5(%arg0: i32) -> (i32, i32) {
    %c0_i32 = arith.constant 0 : i32
    %c0_i32_0 = arith.constant 0 : i32
    return %arg0, %c0_i32 : i32, i32
  }
  func.func @transform_6(%arg0: i32) -> (i32, i32) {
    %c0_i32 = arith.constant 0 : i32
    %c0_i32_0 = arith.constant 0 : i32
    return %arg0, %c0_i32 : i32, i32
  }
}

module attributes {stable_mosaic.version = 14 : i64} {
  func.func @_densum_body(%arg0: i32, %arg1: memref<32x80x128xf32, #tpu.memory_space<vmem>>, %arg2: memref<80x128xf32, #tpu.memory_space<vmem>>) attributes {dimension_semantics = [#tpu.dimension_semantics<arbitrary>], iteration_bounds = array<i64: 1>, scalar_prefetch = 0 : i64, scratch_operands = 0 : i64, tpu.core_type = #tpu.core_type<tc>, window_params = [{pipeline_mode = #tpu.pipeline_mode<synchronous>, transform_indices = @transform_0, window_bounds = array<i64: 32, 80, 128>}, {pipeline_mode = #tpu.pipeline_mode<synchronous>, transform_indices = @transform_1, window_bounds = array<i64: 80, 128>}]} {
    %get3A = arith.constant 0 : index
    %get3A_0 = arith.constant 0 : index
    %get3A_1 = arith.constant 0 : index
    %get3A_2 = vector.load %arg1[%get3A, %get3A_0, %get3A_1] : memref<32x80x128xf32, #tpu.memory_space<vmem>>, vector<32x80x128xf32>
    %reduce_sum3A = arith.constant dense<0.000000e+00> : vector<80x128xf32>
    %reduce_sum3A_3 = vector.multi_reduction <add>, %get3A_2, %reduce_sum3A [0] : vector<32x80x128xf32> to vector<80x128xf32>
    %swap3A = arith.constant 0 : index
    %swap3A_4 = arith.constant 0 : index
    %swap3A_5 = vector.load %arg2[%swap3A, %swap3A_4] : memref<80x128xf32, #tpu.memory_space<vmem>>, vector<80x128xf32>
    tpu.vector_store %arg2[%swap3A, %swap3A_4], %reduce_sum3A_3 {strides = array<i32>} : memref<80x128xf32, #tpu.memory_space<vmem>>, vector<80x128xf32>,
    return
  }
  func.func @transform_0(%arg0: i32) -> (i32, i32, i32) {
    %c0_i32 = arith.constant 0 : i32
    %c0_i32_0 = arith.constant 0 : i32
    %c0_i32_1 = arith.constant 0 : i32
    %c0_i32_2 = arith.constant 0 : i32
    return %c0_i32, %c0_i32_0, %c0_i32_1 : i32, i32, i32
  }
  func.func @transform_1(%arg0: i32) -> (i32, i32) {
    %c0_i32 = arith.constant 0 : i32
    %c0_i32_0 = arith.constant 0 : i32
    %c0_i32_1 = arith.constant 0 : i32
    return %c0_i32, %c0_i32_0 : i32, i32
  }
}

module attributes {stable_mosaic.version = 14 : i64} {
  func.func @_head_body(%arg0: i32, %arg1: memref<2000x128xf32, #tpu.memory_space<vmem>>, %arg2: memref<2000x1xf32, #tpu.memory_space<vmem>>, %arg3: memref<2000x128xf32, #tpu.memory_space<vmem>>, %arg4: memref<2000x1xf32, #tpu.memory_space<vmem>>, %arg5: memref<2000x1xf32, #tpu.memory_space<vmem>>, %arg6: memref<1x128xf32, #tpu.memory_space<vmem>>, %arg7: memref<128x2xf32, #tpu.memory_space<vmem>>, %arg8: memref<1x2xf32, #tpu.memory_space<vmem>>, %arg9: memref<2000x2xf32, #tpu.memory_space<vmem>>) attributes {dimension_semantics = [#tpu.dimension_semantics<arbitrary>], iteration_bounds = array<i64: 5>, scalar_prefetch = 0 : i64, scratch_operands = 0 : i64, tpu.core_type = #tpu.core_type<tc>, window_params = [{transform_indices = @transform_0, window_bounds = array<i64: 2000, 128>}, {transform_indices = @transform_1, window_bounds = array<i64: 2000, 1>}, {transform_indices = @transform_2, window_bounds = array<i64: 2000, 128>}, {transform_indices = @transform_3, window_bounds = array<i64: 2000, 1>}, {transform_indices = @transform_4, window_bounds = array<i64: 2000, 1>}, {pipeline_mode = #tpu.pipeline_mode<synchronous>, transform_indices = @transform_5, window_bounds = array<i64: 1, 128>}, {pipeline_mode = #tpu.pipeline_mode<synchronous>, transform_indices = @transform_6, window_bounds = array<i64: 128, 2>}, {pipeline_mode = #tpu.pipeline_mode<synchronous>, transform_indices = @transform_7, window_bounds = array<i64: 1, 2>}, {transform_indices = @transform_8, window_bounds = array<i64: 2000, 2>}]} {
    %get3A = arith.constant 0 : index
    %get3A_0 = arith.constant 0 : index
    %get3A_1 = vector.load %arg4[%get3A, %get3A_0] : memref<2000x1xf32, #tpu.memory_space<vmem>>, vector<2000x1xf32>
    %get3A_2 = arith.constant 0 : index
    %get3A_3 = arith.constant 0 : index
    %get3A_4 = vector.load %arg5[%get3A_2, %get3A_3] : memref<2000x1xf32, #tpu.memory_space<vmem>>, vector<2000x1xf32>
    %add3A = arith.addf %get3A_1, %get3A_4 : vector<2000x1xf32>
    %max3A = arith.constant 0.000000e+00 : f32
    %max3A_5 = vector.broadcast %max3A : f32 to vector<2000x1xf32>
    %max3A_6 = arith.maximumf %add3A, %max3A_5 : vector<2000x1xf32>
    %min3A = arith.constant 0.000000e+00 : f32
    %min3A_7 = vector.broadcast %min3A : f32 to vector<2000x1xf32>
    %min3A_8 = arith.minimumf %add3A, %min3A_7 : vector<2000x1xf32>
    %mul3A = arith.constant 2.000000e-01 : f32
    %mul3A_9 = vector.broadcast %mul3A : f32 to vector<2000x1xf32>
    %mul3A_10 = arith.mulf %mul3A_9, %min3A_8 : vector<2000x1xf32>
    %add3A_11 = arith.addf %max3A_6, %mul3A_10 : vector<2000x1xf32>
    %exp3A = math.exp %add3A_11 : vector<2000x1xf32>
    %get3A_12 = arith.constant 0 : index
    %get3A_13 = arith.constant 0 : index
    %get3A_14 = vector.load %arg1[%get3A_12, %get3A_13] : memref<2000x128xf32, #tpu.memory_space<vmem>>, vector<2000x128xf32>
    %get3A_15 = arith.constant 0 : index
    %get3A_16 = arith.constant 0 : index
    %get3A_17 = vector.load %arg3[%get3A_15, %get3A_16] : memref<2000x128xf32, #tpu.memory_space<vmem>>, vector<2000x128xf32>
    %mul3A_18 = vector.broadcast %exp3A : vector<2000x1xf32> to vector<2000x128xf32>
    %mul3A_19 = arith.mulf %mul3A_18, %get3A_17 : vector<2000x128xf32>
    %add3A_20 = arith.addf %get3A_14, %mul3A_19 : vector<2000x128xf32>
    %get3A_21 = arith.constant 0 : index
    %get3A_22 = arith.constant 0 : index
    %get3A_23 = vector.load %arg2[%get3A_21, %get3A_22] : memref<2000x1xf32, #tpu.memory_space<vmem>>, vector<2000x1xf32>
    %add3A_24 = arith.addf %get3A_23, %exp3A : vector<2000x1xf32>
    %add3A_25 = arith.constant 1.000000e-16 : f32
    %add3A_26 = vector.broadcast %add3A_25 : f32 to vector<2000x1xf32>
    %add3A_27 = arith.addf %add3A_24, %add3A_26 : vector<2000x1xf32>
    %div3A = vector.broadcast %add3A_27 : vector<2000x1xf32> to vector<2000x128xf32>
    %div3A_28 = arith.divf %add3A_20, %div3A : vector<2000x128xf32>
    %get3A_29 = arith.constant 0 : index
    %get3A_30 = arith.constant 0 : index
    %get3A_31 = vector.load %arg6[%get3A_29, %get3A_30] : memref<1x128xf32, #tpu.memory_space<vmem>>, vector<1x128xf32>
    %add3A_32 = vector.broadcast %get3A_31 : vector<1x128xf32> to vector<2000x128xf32>
    %add3A_33 = arith.addf %div3A_28, %add3A_32 : vector<2000x128xf32>
    %get3A_34 = arith.constant 0 : index
    %get3A_35 = arith.constant 0 : index
    %get3A_36 = vector.load %arg7[%get3A_34, %get3A_35] : memref<128x2xf32, #tpu.memory_space<vmem>>, vector<128x2xf32>
    %dot_general3A = arith.constant dense<0.000000e+00> : vector<2000x2xf32>
    %dot_general3A_37 = tpu.matmul %add3A_33, %get3A_36, %dot_general3A {dimension_numbers = #tpu.dot_dimension_numbers<[1], [0], [0], [1], [0, 0, 1, 1], [], []>, transpose_lhs_hint = false} : vector<2000x128xf32>, vector<128x2xf32>, vector<2000x2xf32> -> vector<2000x2xf32>
    %get3A_38 = arith.constant 0 : index
    %get3A_39 = arith.constant 0 : index
    %get3A_40 = vector.load %arg8[%get3A_38, %get3A_39] : memref<1x2xf32, #tpu.memory_space<vmem>>, vector<1x2xf32>
    %add3A_41 = vector.broadcast %get3A_40 : vector<1x2xf32> to vector<2000x2xf32>
    %add3A_42 = arith.addf %dot_general3A_37, %add3A_41 : vector<2000x2xf32>
    %reduce_max3A = arith.constant dense<0xFF800000> : vector<2000xf32>
    %reduce_max3A_43 = vector.multi_reduction <maximumf>, %add3A_42, %reduce_max3A [1] : vector<2000x2xf32> to vector<2000xf32>
    %broadcast_in_dim3A = vector.shape_cast %reduce_max3A_43 : vector<2000xf32> to vector<2000x1xf32>
    %sub3A = vector.broadcast %broadcast_in_dim3A : vector<2000x1xf32> to vector<2000x2xf32>
    %sub3A_44 = arith.subf %add3A_42, %sub3A : vector<2000x2xf32>
    %exp3A_45 = math.exp %sub3A_44 : vector<2000x2xf32>
    %reduce_sum3A = arith.constant dense<0.000000e+00> : vector<2000xf32>
    %reduce_sum3A_46 = vector.multi_reduction <add>, %exp3A_45, %reduce_sum3A [1] : vector<2000x2xf32> to vector<2000xf32>
    %broadcast_in_dim3A_47 = vector.shape_cast %reduce_sum3A_46 : vector<2000xf32> to vector<2000x1xf32>
    %log3A = math.log %broadcast_in_dim3A_47 : vector<2000x1xf32>
    %add3A_48 = arith.addf %broadcast_in_dim3A, %log3A : vector<2000x1xf32>
    %sub3A_49 = vector.broadcast %add3A_48 : vector<2000x1xf32> to vector<2000x2xf32>
    %sub3A_50 = arith.subf %add3A_42, %sub3A_49 : vector<2000x2xf32>
    %swap3A = arith.constant 0 : index
    %swap3A_51 = arith.constant 0 : index
    %swap3A_52 = vector.load %arg9[%swap3A, %swap3A_51] : memref<2000x2xf32, #tpu.memory_space<vmem>>, vector<2000x2xf32>
    tpu.vector_store %arg9[%swap3A, %swap3A_51], %sub3A_50 {strides = array<i32>} : memref<2000x2xf32, #tpu.memory_space<vmem>>, vector<2000x2xf32>,
    return
  }
  func.func @transform_0(%arg0: i32) -> (i32, i32) {
    %c0_i32 = arith.constant 0 : i32
    %c0_i32_0 = arith.constant 0 : i32
    return %arg0, %c0_i32 : i32, i32
  }
  func.func @transform_1(%arg0: i32) -> (i32, i32) {
    %c0_i32 = arith.constant 0 : i32
    %c0_i32_0 = arith.constant 0 : i32
    return %arg0, %c0_i32 : i32, i32
  }
  func.func @transform_2(%arg0: i32) -> (i32, i32) {
    %c0_i32 = arith.constant 0 : i32
    %c0_i32_0 = arith.constant 0 : i32
    return %arg0, %c0_i32 : i32, i32
  }
  func.func @transform_3(%arg0: i32) -> (i32, i32) {
    %c0_i32 = arith.constant 0 : i32
    %c0_i32_0 = arith.constant 0 : i32
    return %arg0, %c0_i32 : i32, i32
  }
  func.func @transform_4(%arg0: i32) -> (i32, i32) {
    %c0_i32 = arith.constant 0 : i32
    %c0_i32_0 = arith.constant 0 : i32
    return %arg0, %c0_i32 : i32, i32
  }
  func.func @transform_5(%arg0: i32) -> (i32, i32) {
    %c0_i32 = arith.constant 0 : i32
    %c0_i32_0 = arith.constant 0 : i32
    %c0_i32_1 = arith.constant 0 : i32
    return %c0_i32, %c0_i32_0 : i32, i32
  }
  func.func @transform_6(%arg0: i32) -> (i32, i32) {
    %c0_i32 = arith.constant 0 : i32
    %c0_i32_0 = arith.constant 0 : i32
    %c0_i32_1 = arith.constant 0 : i32
    return %c0_i32, %c0_i32_0 : i32, i32
  }
  func.func @transform_7(%arg0: i32) -> (i32, i32) {
    %c0_i32 = arith.constant 0 : i32
    %c0_i32_0 = arith.constant 0 : i32
    %c0_i32_1 = arith.constant 0 : i32
    return %c0_i32, %c0_i32_0 : i32, i32
  }
  func.func @transform_8(%arg0: i32) -> (i32, i32) {
    %c0_i32 = arith.constant 0 : i32
    %c0_i32_0 = arith.constant 0 : i32
    return %arg0, %c0_i32 : i32, i32
  }
}

</mosaic_0001>

<sc_bundles>
// kernel: kernel.6.cloned.1.call-start
scs
__scs_entry_jumppad:
0x0: {  	(pc) =	sbr.rel $0x88, $3  }
0x1: {  	(tag) =	ssettag $0x0;
	lr =	simm.s32 $0x1  }
0x2: {  	[smem:$0x3F99] =	sst lr;
	_ =	strace $0xD0000000  }
0x3: {  	_ = 	snop  }
0x4: {  	_ = 	snop  }
0x5: {  	_ = 	snop  }
0x6: {  	_ = 	snop  }
0x7: {  	_ = 	snop  }
__scs_overlays_trampoline_lowered:
0x8: {  	[smem:$0x3FA8] =	sst s0  }
0x9: {  	[smem:$0x3FA9] =	sst s1  }
0xa: {  	[smem:$0x3FAA] =	sst s2  }
0xb: {  	[smem:$0x3FAB] =	sst s3  }
0xc: {  	[smem:$0x3FAC] =	sst s4  }
0xd: {  	[smem:$0x3FAD] =	sst s5  }
0xe: {  	[smem:$0x3FAE] =	sst s6  }
0xf: {  	[smem:$0x3FAF] =	sst s7  }
0x10: {  	[smem:$0x3FB0] =	sst s8  }
0x11: {  	[smem:$0x3FB1] =	sst s9;
	s0 =	simm.s32 @!p0 $0x0  }
0x12: {  	s1 =	sld [smem:$0x3F97];
	s0 =	simm.s32 @p0 $0x1  }
0x13: {  	[smem:$0x3FB2] =	sst s0;
	s0 =	simm.s32 @!p1 $0x0  }
0x14: {  	s2 =	sld [smem:$0x3F96];
	s0 =	simm.s32 @p1 $0x1  }
0x15: {  	[smem:$0x3FB3] =	sst s0;
	s0 =	simm.s32 @!p2 $0x0  }
0x16: {  	s3 =	sld [smem:$0x3FDB];
	s0 =	simm.s32 @p2 $0x1  }
0x17: {  	s4 =	simm.s32 $0x1BF5;
	[smem:$0x3FB5] =	sst s0  }
0x18: {  	s0 =	sld [smem:$0x3F98];
	_ =	swait.ge [sflag:s4], $0x0  }
0x19: {  	s7 =	sld [smem:$0x3F99]  }
0x1a: {  	s8 =	sadd.s32 $0xFFFFE003, lr  }
0x1b: {  	s9 =	sadd.s32 $0xFFFFFEF7, lr;
	s5 =	simm.s32 $0xFFFFFFFF;
	p2 =	slt.u32 s8, $0xFFFFF086  }
0x1c: {  	p1 =	slt.u32 s9, $0xF7A;
	s5 =	simm.s32 @!p2 $0x0  }
0x1d: {  	s5 =	simm.s32 @p1 $0x1;
	p0 =	seq.s32 s7, s2  }
0x1e: {  	s7 =	smul.u32 @!p0 $0xF7A, s2;
	p2 =	seq.s32 @!p0 s5, $0x0  }
0x1f: {  	s9 =	smul.u32 $0xF7A, s1;
	s8 =	simm.s32 @!p0 $0x1BF5;
	p2 =	por !p2, p0  }
0x20: {  	[sflag:s8] =	ssyncset.s32 @!p0 $0xFFFFF086;
	s6 =	sadd.s32 @!p0 s3, s7;
	s7 =	simm.s32 @!p0 $0x108  }
0x21: {  	s3 =	sadd.s32 s3, s9;
	s6 =	sadd.s32 @!p0 $0x88, s6;
	s7 =	simm.s32 @p2 $0x1082  }
0x22: {  	[simem:s7], [sflag:s8] =	dma.local @!p0 [hbm:s6], $0xF7A  }
0x23: {  	s9 =	sor.u32 $0xD0000000, s2;
	s6 =	simm.s32 $0x108;
	_ =	swait.ge @!p0 [sflag:s8], $0x0  }
0x24: {  	s3 =	sadd.s32 $0x88, s3;
	s6 =	simm.s32 @!p1 $0x1082;
	[sflag:s4] =	ssyncset.s32 $0xFFFFF086  }
0x25: {  	[simem:s6], [sflag:s4] =	dma.local [hbm:s3], $0xF7A  }
0x26: {  	[smem:$0x3F99] =	sst s1;
	(tag) =	ssettag s2;
	_ =	strace s9  }
0x27: {  	s1 =	sld [smem:$0x3FA9]  }
0x28: {  	s2 =	sld [smem:$0x3FAA]  }
0x29: {  	s4 =	sld [smem:$0x3FAC]  }
0x2a: {  	p0 =	seq.s32 s5, $0x0;
	s5 =	sld [smem:$0x3FAD]  }
0x2b: {  	s6 =	sld [smem:$0x3FAE]  }
0x2c: {  	s7 =	sld [smem:$0x3FAF]  }
0x2d: {  	s3 =	simm.s32 $0x108;
	s8 =	sld [smem:$0x3FB0]  }
0x2e: {  	s3 =	simm.s32 @!p0 $0x1082;
	s9 =	sld [smem:$0x3FB1]  }
0x2f: {  	lr =	sadd.s32 s0, s3;
	s0 =	sld [smem:$0x3FA8]  }
0x30: {  	s3 =	sld [smem:$0x3FAB]  }
0x31: {  	[smem:$0x3FB4] =	sst s10  }
0x32: {  	s10 =	sld [smem:$0x3FB2];
	_ =	sdelay $0x3  }
0x33: {  	p0 =	seq.s32 s10, $0x1;
	s10 =	sld [smem:$0x3FB4];
	_ =	sdelay $0x3  }
0x34: {  	[smem:$0x3FB4] =	sst s10  }
0x35: {  	s10 =	sld [smem:$0x3FB3];
	_ =	sdelay $0x3  }
0x36: {  	p1 =	seq.s32 s10, $0x1;
	s10 =	sld [smem:$0x3FB4];
	_ =	sdelay $0x3  }
0x37: {  	[smem:$0x3FB4] =	sst s10  }
0x38: {  	s10 =	sld [smem:$0x3FB5]  }
0x39: {  	_ = 	snop;
	(pc) =	sbr.ind lr, $3  }
0x3a: {  	_ = 	snop  }
0x3b: {  	_ = 	snop  }
0x3c: {  	p2 =	seq.s32 s10, $0x1;
	s10 =	sld [smem:$0x3FB4]  }
0x3d: {  	_ =	shalt  }
0x3e: {  	_ =	shalt  }
0x3f: {  	_ =	shalt  }
0x40: {  	_ =	shalt  }
0x41: {  	_ =	shalt  }
0x42: {  	_ =	shalt  }
0x43: {  	_ =	shalt  }
0x44: {  	_ =	shalt  }
0x45: {  	_ =	shalt  }
0x46: {  	_ =	shalt  }
0x47: {  	_ =	shalt  }
0x48: {  	_ =	shalt  }
0x49: {  	_ =	shalt  }
0x4a: {  	_ =	shalt  }
0x4b: {  	_ =	shalt  }
0x4c: {  	_ =	shalt  }
0x4d: {  	_ =	shalt  }
0x4e: {  	_ =	shalt  }
0x4f: {  	_ =	shalt  }
0x50: {  	_ =	shalt  }
0x51: {  	_ =	shalt  }
0x52: {  	_ =	shalt  }
0x53: {  	_ =	shalt  }
0x54: {  	_ =	shalt  }
0x55: {  	_ =	shalt  }
0x56: {  	_ =	shalt  }
0x57: {  	_ =	shalt  }
0x58: {  	_ =	shalt  }
0x59: {  	_ =	shalt  }
0x5a: {  	_ =	shalt  }
0x5b: {  	_ =	shalt  }
0x5c: {  	_ =	shalt  }
0x5d: {  	_ =	shalt  }
0x5e: {  	_ =	shalt  }
0x5f: {  	_ =	shalt  }
0x60: {  	_ =	shalt  }
0x61: {  	_ =	shalt  }
0x62: {  	_ =	shalt  }
0x63: {  	_ =	shalt  }
0x64: {  	_ =	shalt  }
0x65: {  	_ =	shalt  }
0x66: {  	_ =	shalt  }
0x67: {  	_ =	shalt  }
0x68: {  	_ =	shalt  }
0x69: {  	_ =	shalt  }
0x6a: {  	_ =	shalt  }
0x6b: {  	_ =	shalt  }
0x6c: {  	_ =	shalt  }
0x6d: {  	_ =	shalt  }
0x6e: {  	_ =	shalt  }
0x6f: {  	_ =	shalt  }
0x70: {  	_ =	shalt  }
0x71: {  	_ =	shalt  }
0x72: {  	_ =	shalt  }
0x73: {  	_ =	shalt  }
0x74: {  	_ =	shalt  }
0x75: {  	_ =	shalt  }
0x76: {  	_ =	shalt  }
0x77: {  	_ =	shalt  }
0x78: {  	_ =	shalt  }
0x79: {  	_ =	shalt  }
0x7a: {  	_ =	shalt  }
0x7b: {  	_ =	shalt  }
0x7c: {  	_ =	shalt  }
0x7d: {  	_ =	shalt  }
0x7e: {  	_ =	shalt  }
0x7f: {  	_ =	shalt  }
0x80: {  	_ =	shalt  }
0x81: {  	_ =	shalt  }
0x82: {  	_ =	shalt  }
0x83: {  	_ =	shalt  }
0x84: {  	_ =	shalt  }
0x85: {  	_ =	shalt  }
0x86: {  	_ =	shalt  }
0x87: {  	_ =	shalt  }
.Lfunc_end0:
.L_simem_size_0:
called_computation_lowered:
.L_overlay_start_0:
0x88: {  	s2 =	sld [smem:$0x3FD9]  }
0x89: {  	s3 =	sld [smem:$0x3FFE];
	_ =	sdelay $0x1  }
0x8a: {  	s1 =	srdreg.scid  }
0x8b: {  	s0 =	sand.u32 $0x1, s1  }
0x8c: {  	s17 =	sshll.u32 s0, $0xA;
	s2 =	sadd.s32 s3, s2  }
0x8d: {  	s2 =	sadd.s32 s2, s17  }
0x8e: {  	[smem:$0x3FC0] =	sst s2  }
0x8f: {  	_ = 	snop  }
0x90: {  	s2 =	sld [smem:$0x3FD0];
	(tm) =	ssettm $0x1  }
0x91: {  	s18 =	sld [smem:$0x3FFB];
	_ =	sdelay $0x3  }
0x92: {  	_ =	strace s18  }
0x93: {  	s3 =	sld [smem:$0x3FFC];
	_ =	sdelay $0x3  }
0x94: {  	_ =	strace s3  }
0x95: {  	s3 =	sld [smem:$0x3FFD];
	_ =	sdelay $0x3  }
0x96: {  	_ =	strace s3  }
0x97: {  	_ =	strace $0x8FFFFFFF  }
0x98: {  	s19 =	sld [smem:$0x3FDB];
	_ =	sdelay $0x1  }
0x99: {  	s4 =	simm.s32 $_scs_section_size  }
0x9a: {  	s5 =	simm.s32 $_size__tile_overlayer_lowered;
	s6 =	simm.s32 $_tile_overlayer_lowered  }
0x9b: {  	s22 =	simm.s32 $0x1BFF;
	s21 =	sshll.u32 s6, $0x1;
	s3 =	sadd.s32 s4, s19  }
0x9c: {  	s7 =	simm.s32 $0x0;
	s20 =	sshll.u32 s5, $0x1;
	s5 =	sadd.s32 s21, s3  }
0x9d: {  	[timem:s7], [sflag:s22] =	dma.local [hbm:s5], s20  }
0x9e: {  	_ =	swait.ge [sflag:s22], s20  }
0x9f: {  	s4 =	ssub.s32 $0x0, s20;
	[sflag:s22] =	ssyncset.done $0x0  }
0xa0: {  	[sflag:s22] =	ssyncadd.s32 s4;
	_ =	sdelay $0x1  }
0xa1: {  	s23 =	simm.s32 $0x1B8B  }
0xa2: {  	_ =	swait.ge [sflag:s23], $0x1  }
0xa3: {  	[sflag:s23] =	ssyncset.done $0x0  }
0xa4: {  	s25 =	simm.s32 $0x1B8E;
	s24 =	sld [smem:$0x3FFE];
	[sflag:s23] =	ssyncadd.s32 $0xFFFFFFFF  }
0xa5: {  	s26 =	simm.s32 $execute0_lowered;
	[smem:$0x3FD2] =	sst s25  }
0xa6: {  	s5 =	sshll.u32 s26, $0x1;
	_ =	strace $0x80000046;
	[dreg:$0x1] =	wrdreg $0xFFFFFFFF  }
0xa7: {  	s28 =	simm.s32 $_size_execute0_lowered;
	s3 =	sadd.s32 s3, s5;
	[dreg:$0x0] =	wrdreg $0x0  }
0xa8: {  	s5 =	sshll.u32 s28, $0x1;
	[dreg:$0x2] =	wrdreg s3  }
0xa9: {  	[dreg:$0x3] =	wrdreg s5  }
0xaa: {  	[dreg:$0x4] =	wrdreg $0xC0  }
0xab: {  	_ =	task [dreg:s7], $0x5FFFF  }
0xac: {  	[dreg:$0x1] =	wrdreg $0xFFFFFFFF  }
0xad: {  	[dreg:$0x0] =	wrdreg $0x60  }
0xae: {  	[dreg:$0x2] =	wrdreg s24  }
0xaf: {  	[dreg:$0x3] =	wrdreg s2  }
0xb0: {  	[dreg:$0x4] =	wrdreg $0x163800  }
0xb1: {  	[dreg:$0x5] =	wrdreg $0x9  }
0xb2: {  	_ =	task.clear_ibuf [dreg:s7], $0x6FFFF;
	_ =	strace $0x90000046  }
0xb3: {  	s29 =	simm.s32 $0x9;
	_ =	strace $0x80000048  }
0xb4: {  	_ =	swait.ge [sflag:s29], $0x1  }
0xb5: {  	[sflag:s29] =	ssyncadd.s32 $0xFFFFFFFF  }
0xb6: {  	_ =	strace $0x90000048  }
0xb7: {  	_ =	sfence  }
0xb8: {  	s30 =	sld [smem:$0x0];
	_ =	sdelay $0x2  }
0xb9: {  	s31 =	sshll.u32 s1, $0xD;
	s1 =	sshrl.u32 s1, $0x2  }
0xba: {  	s3 =	sand.u32 $0x4000, s31;
	s1 =	sadd.s32 s1, s30  }
0xbb: {  	s0 =	sor.u32 s3, s0;
	s1 =	sshll.u32 s1, $0x11  }
0xbc: {  	s0 =	sor.u32 s1, s0  }
0xbd: {  	s0 =	sadd.s32 $0x8F2B, s0  }
0xbe: {  	[sflag:s0] =	ssyncadd.remote.s32 $0x1  }
0xbf: {  	_ =	sfence.sel $0xFFFF  }
0xc0: {  	[dreg:$0x0] =	wrdreg $0xFFFFFFFF;
	(pc) =	sbr.abs _section_cstart, $3  }
0xc1: {  	[dreg:$0x1] =	wrdreg $0xFFFFFFFF  }
0xc2: {  	_ =	task.clear_ibuf [dreg:s7], $0x2FFFF;
	_ =	strace $0x9FFFFFFF  }
0xc3: {  	(tm) =	ssettm $0x7FFFFFFF  }
tec
execute0_lowered:
.L_overlay_start_1:
0x0: {  	(tag) =	ssettag $0x1  }
0x1: {  	s0 =	rddreg [dreg:$0x0]  }
0x2: {  	s3 =	rddreg [dreg:$0x2]  }
0x3: {  	s4 =	simm.s32 $0x0;
	s1 =	srdreg.scid;
	s16 =	stileid.u32  }
0x4: {  	s18 =	simm.s32 $0x2780;
	s20 =	simm.s32 $0x9B00;
	s21 =	simm.s32 $0x5000  }
0x5: {  	s28 =	simm.s32 $0x1;
	s29 =	simm.s32 $0x4;
	s30 =	simm.s32 $0x5080  }
0x6: {  	[smem:$0x7FF] =	sst s4;
	s1 =	sand.u32 $0x1, s1;
	s2 =	sshll.u32 s16, $0x1  }
0x7: {  	s5 =	sadd.s32 $0x1800, s0;
	s6 =	sadd.s32 $0x76E00, s0;
	s9 =	smul.u32 $0x28000, s16  }
0x8: {  	s7 =	sadd.s32 $0x77400, s0;
	s22 =	sadd.s32 $0x81200, s0;
	s10 =	smul.u32 $0x4E60, s16  }
0x9: {  	s11 =	sadd.s32 $0x96000, s3;
	s26 =	smul.u32 $0xA000, s16;
	p0 =	seq.s32 s16, $0xF  }
0xa: {  	_ =	strace $0x80000047;
	s2 =	sor.u32 s1, s2;
	s24 =	smul.u32 $0x1390, s1  }
0xb: {  	[dreg:$0x4] =	wrdreg s6;
	s8 =	ssub.s32 $0x2, s1;
	s1 =	smul.u32 $0x9C800, s1  }
0xc: {  	[dreg:$0x6] =	wrdreg s11;
	s2 =	smul.u32 $0x500, s2;
	s23 =	sshrl.u32 s8, $0x1  }
0xd: {  	s9 =	sshrl.u32 s9, $0x2;
	s25 =	sshrl.u32 s10, $0x3;
	s13 =	sadd.s32 $0x4E60, s10  }
0xe: {  	v1 =	vlaneseq.u32;
	s14 =	sor.u32 $0x10, s10;
	s15 =	sadd.s32 $0x20, s10;
	s11 =	sadd.s32 $0x30, s10  }
0xf: {  	s12 =	sadd.s32 $0x60, s10;
	v3 =	vmov s10;
	v2 =	vor.u32 s10, v1;
	s10 =	simm.s32 $0x3;
	s17 =	sadd.s32 s9, s3  }
0x10: {  	s9 =	sadd.s32 s7, s25;
	v0 =	vmov s24;
	v4 =	vmov s14;
	v5 =	vor.u32 s14, v1;
	s14 =	simm.s32 $0x6;
	s24 =	simm.s32 $0x30  }
0x11: {  	s25 =	simm.s32 $0x16300;
	s0 =	sadd.s32 s2, s0;
	s2 =	ssub.s32 s8, s23  }
0x12: {  	[dreg:$0x7] =	wrdreg s9;
	s9 =	sadd.s32 s26, s1;
	s1 =	sshrl.u32 s1, $0x3  }
0x13: {  	s23 =	simm.s32 $0x5200;
	s8 =	simm.s32 $0x0;
	[dreg:$0x5] =	wrdreg s17  }
.Ltmp0:
0x14: {  	vm0 =	vlt.u32 v2, s13;
	v2 =	vmov s13;
	vm3 =	vlt.u32 v3, $0x4E200;
	s9 =	sshrl.u32 s9, $0x3;
	s0 =	sadd.s32 $0xA8400, s0;
	(pc) =	sbr.rel .LBB2_1-.Ltmp0, $4  }
0x15: {  	v3 =	vimm.f32 $0.0e+00;
	vm1 =	vlt.u32 v5, s13;
	v5 =	vor.u32 s15, v1;
	s1 =	sadd.s32 s22, s1;
	s31 =	smax.u32 s2, $0x1;
	[dreg:$0xa] =	wrdreg s0  }
0x16: {  	vm4 =	vlt.u32 v4, $0x4E200;
	vm2 =	vlt.u32 v5, s13;
	v5 =	vmov s15;
	s2 =	simm.s32 $0x8300;
	s6 =	sadd.s32 s22, s9;
	[dreg:$0xb] =	wrdreg s31  }
0x17: {  	vm0 =	vmand vm3, vm0;
	v4 =	vimm.s32 $0xFFFFFFFF;
	s13 =	simm.s32 $0x5;
	s1 =	sadd.s32 $0x12C00, s1;
	vm5 =	vlt.u32 v5, $0x4E200;
	[dreg:$0x8] =	wrdreg s6  }
0x18: {  	vm1 =	vmand vm4, vm1;
	s0 =	simm.s32 $0x5280;
	v5 =	vimm.s32 $0x0;
	[dreg:$0x9] =	wrdreg s1;
	vm2 =	vmand vm5, vm2;
	s6 =	simm.s32 $0x2  }
.LBB2_15:
0x19: {  	_ =	swait.ge [sflag:s13], $0x1800  }
0x1a: {  	[sflag:s13] =	ssyncset.done $0x0  }
0x1b: {  	[sflag:s13] =	ssyncadd.s32 $0xFFFFE800  }
0x1c: {  	[bflag:$0x0] =	sbarrier.arrive $0xFFFF  }
0x1d: {  	s1 =	rddreg [dreg:$0x6]  }
0x1e: {  	s8 =	simm.s32 @p0 $0x1FC6;
	s9 =	rddreg [dreg:$0x9];
	s1 =	sshrl.u32 @p0 s1, $0x3  }
0x1f: {  	[hbm:s9], [sflag:s8] =	dma.local @p0 [spmem:s1], $0xD00  }
0x20: {  	s1 =	simm.s32 @p0 $0x6  }
0x21: {  	_ =	swait.ge @p0 [sflag:s1], $0xD00  }
0x22: {  	s8 =	stileid.u32;
	s17 =	rddreg [dreg:$0x5]  }
0x23: {  	s8 =	sshll.u32 @!p0 s8, $0x6;
	[sflag:s1] =	ssyncset.done @p0 $0x0;
	s9 =	rddreg [dreg:$0x8]  }
0x24: {  	[sflag:s1] =	ssyncadd.s32 @p0 $0xFFFFF300;
	s1 =	sor.u32 @!p0 $0x1C06, s8;
	s8 =	sshrl.u32 @!p0 s17, $0x3  }
0x25: {  	[hbm:s9], [sflag:s1] =	dma.local @!p0 [spmem:s8], $0x1400  }
0x26: {  	s1 =	simm.s32 @!p0 $0x6  }
0x27: {  	_ =	swait.ge @!p0 [sflag:s1], $0x1400  }
0x28: {  	[sflag:s1] =	ssyncset.done @!p0 $0x0  }
0x29: {  	s14 =	simm.s32 $0x6;
	s22 =	rddreg [dreg:$0xa];
	[sflag:s1] =	ssyncadd.s32 @!p0 $0xFFFFEC00  }
0x2a: {  	[hbm4b:s22+s4] =	stream.linear.scatter [tilespmem:s20], [sflag:$0x6], $0x2800, $0x38;
	v63 =	vld [tilespmem:$0x0]  }
0x2b: {  	_ =	swait.ge [sflag:s14], $0x2800  }
0x2c: {  	s26 =	rddreg [dreg:$0xc]  }
0x2d: {  	s31 =	rddreg [dreg:$0xb];
	s8 =	sadd.s32 $0x1, s26  }
0x2e: {  	p1 =	sne.s32 s8, s31  }
.Ltmp1:
0x2f: {  	_ = 	snop;
	(pc) =	sbr.rel @!p1 .LBB2_16-.Ltmp1, $3  }
0x30: {  	_ =	sdelay $0x1  }
0x31: {  	[sflag:s14] =	ssyncset.done $0x0  }
0x32: {  	[sflag:s14] =	ssyncadd.s32 $0xFFFFD800  }
.LBB2_1:
0x33: {  	[dreg:$0xc] =	wrdreg s8  }
0x34: {  	s1 =	rddreg [dreg:$0x1]  }
0x35: {  	[tilespmem:s4], [sflag:$0x6] =	stream.linear.gather [hbm4b:s1+s4], $0x2780, $0x38;
	v63 =	vld [tilespmem:$0x0]  }
0x36: {  	_ =	swait.ge [sflag:s14], $0x2780  }
0x37: {  	[sflag:s14] =	ssyncset.done $0x0  }
0x38: {  	s31 =	rddreg [dreg:$0x4];
	[sflag:s14] =	ssyncadd.s32 $0xFFFFD880  }
0x39: {  	[tilespmem:s18], [sflag:$0x6] =	stream.linear.gather [hbm4b:s31+s4], $0x2780, $0x38;
	v63 =	vld [tilespmem:$0x0]  }
0x3a: {  	_ =	swait.ge [sflag:s14], $0x2780  }
0x3b: {  	[sflag:s14] =	ssyncset.done $0x0  }
0x3c: {  	s8 =	simm.s32 $0x0;
	s9 =	simm.s32 $0x200;
	[sflag:s14] =	ssyncadd.s32 $0xFFFFD880  }
.LBB2_2:
0x3d: {  	p1 =	sne.s32 s9, $0x9E00;
	[tilespmem:s8+$0x9B70] =	vst v3  }
0x3e: {  	[tilespmem:s8+$0x9B00] =	vst v3  }
0x3f: {  	[tilespmem:s8+$0x9B10] =	vst v3  }
.Ltmp2:
0x40: {  	[tilespmem:s8+$0x9B20] =	vst v3;
	(pc) =	sbr.rel @p1 .LBB2_2-.Ltmp2, $4  }
0x41: {  	[tilespmem:s8+$0x9B30] =	vst v3  }
0x42: {  	[tilespmem:s8+$0x9B40] =	vst v3  }
0x43: {  	[tilespmem:s8+$0x9B50] =	vst v3  }
0x44: {  	[tilespmem:s8+$0x9B60] =	vst v3;
	s8 =	sshra.s32 s9, $0x2;
	s9 =	sadd.s32 $0x200, s9  }
0x45: {  	[tilespmem:s8+$0x9B70] =	vst v3  }
0x46: {  	[tilespmem:s8+$0x9B00] =	vst v3  }
0x47: {  	[tilespmem:s8+$0x9B10] =	vst v3  }
0x48: {  	[tilespmem:s8+$0x9B20] =	vst v3  }
0x49: {  	[tilespmem:s8+$0x9B30] =	vst v3  }
0x4a: {  	[tilespmem:s8+$0x9B40] =	vst v3  }
0x4b: {  	[tilespmem:s8+$0x9B50] =	vst v3  }
0x4c: {  	[tilespmem:s8+$0x9B60] =	vst v3;
	s8 =	simm.s32 $0x0;
	s9 =	simm.s32 $0x200  }
.LBB2_4:
0x4d: {  	p1 =	sne.s32 s9, $0x27E00;
	[tilespmem:s8+$0xC370] =	vst v3  }
0x4e: {  	[tilespmem:s8+$0xC300] =	vst v3  }
0x4f: {  	[tilespmem:s8+$0xC310] =	vst v3  }
.Ltmp3:
0x50: {  	[tilespmem:s8+$0xC320] =	vst v3;
	(pc) =	sbr.rel @p1 .LBB2_4-.Ltmp3, $4  }
0x51: {  	[tilespmem:s8+$0xC330] =	vst v3  }
0x52: {  	[tilespmem:s8+$0xC340] =	vst v3  }
0x53: {  	[tilespmem:s8+$0xC350] =	vst v3  }
0x54: {  	[tilespmem:s8+$0xC360] =	vst v3;
	s8 =	sshra.s32 s9, $0x2;
	s9 =	sadd.s32 $0x200, s9  }
0x55: {  	[tilespmem:s8+$0xC370] =	vst v3  }
0x56: {  	[tilespmem:s8+$0xC300] =	vst v3  }
0x57: {  	[tilespmem:s8+$0xC310] =	vst v3  }
0x58: {  	[tilespmem:s8+$0xC320] =	vst v3  }
0x59: {  	[tilespmem:s8+$0xC330] =	vst v3  }
0x5a: {  	[tilespmem:s8+$0xC340] =	vst v3  }
0x5b: {  	[tilespmem:s8+$0xC350] =	vst v3  }
0x5c: {  	[tilespmem:s8+$0xC360] =	vst v3;
	s8 =	simm.s32 @p0 $0xC300;
	s1 =	rddreg [dreg:$0x6]  }
0x5d: {  	[spmem:s1] =	stream.linear.scatter @p0 [tilespmem:s8], [sflag:$0x6], $0x6800, $0x38;
	v63 =	vld [tilespmem:$0x0]  }
0x5e: {  	s8 =	simm.s32 @p0 $0x6  }
0x5f: {  	_ =	swait.ge @p0 [sflag:s8], $0x6800  }
0x60: {  	[sflag:s8] =	ssyncset.done @p0 $0x0  }
0x61: {  	[sflag:s8] =	ssyncadd.s32 @p0 $0xFFFF9800;
	s8 =	simm.s32 @!p0 $0xC300  }
0x62: {  	[spmem:s17] =	stream.linear.scatter @!p0 [tilespmem:s8], [sflag:$0x6], $0xA000, $0x38;
	v63 =	vld [tilespmem:$0x0]  }
0x63: {  	s8 =	simm.s32 @!p0 $0x6  }
0x64: {  	_ =	swait.ge @!p0 [sflag:s8], $0xA000  }
0x65: {  	[sflag:s8] =	ssyncset.done @!p0 $0x0  }
0x66: {  	[sflag:s8] =	ssyncadd.s32 @!p0 $0xFFFF6000  }
0x67: {  	[bflag:$0x0] =	sbarrier.arrive $0xFFFF  }
0x68: {  	s15 =	simm.s32 $0x0;
	s17 =	simm.s32 $0x4F00;
	s16 =	rddreg [dreg:$0x7]  }
0x69: {  	[tilespmem:s17], [sflag:$0x6] =	stream.linear.gather [hbm4b:s16+s15], $0x30, $0x38;
	v63 =	vld [tilespmem:$0x0]  }
0x6a: {  	_ =	swait.ge [sflag:s14], $0x30  }
0x6b: {  	[sflag:s14] =	ssyncset.done $0x0  }
0x6c: {  	[sflag:s14] =	ssyncadd.s32 $0xFFFFFFD0  }
0x6d: {  	v6 =	vld [tilespmem:$0x4F00];
	_ =	sdelay $0x3  }
0x6e: {  	[tilespmem:$0x5000] =	vst v4  }
0x6f: {  	[tilespmem:$0x5100] =	vst v4;
	v7 =	vshrl.u32 v6, $0xE  }
0x70: {  	[tilespmem:$0x5010] =	vst v4;
	v6 =	vand.u32 $0x3FFF, v6  }
0x71: {  	[tilespmem:$0x5110] =	vst v4  }
0x72: {  	[tilespmem:$0x5020] =	vst v4  }
0x73: {  	[tilespmem:$0x5120] =	vst v4  }
0x74: {  	v8 =	vld.idx.msk [tilespmem:v7+s15+$0x0], $0xffff  }
0x75: {  	v9 =	vld.idx.msk [tilespmem:v6+s18+$0x0], $0xffff;
	_ =	sdelay $0x4  }
0x76: {  	v8 =	vadd.f32 v9, v8;
	_ =	sdelay $0x1  }
0x77: {  	v9 =	vmin.f32 v8, $0.0e+00  }
0x78: {  	v9 =	vmul.f32 $2.000000030e-01, v9  }
0x79: {  	v8 =	vmax.f32 v8, $0.0e+00  }
0x7a: {  	v8 =	vadd.f32 v9, v8;
	_ =	sdelay $0x1  }
0x7b: {  	v8 =	vmul.f32 $1.442695020e+00, v8;
	_ =	sdelay $0x1  }
0x7c: {  	(erf) = vpow2.f32 v8;
	_ =	sdelay $0x1  }
0x7d: {  	v52 =	vsub.s32 v6, v0  }
0x7e: {  	vm3 =	vlt.u32 v52, $0x1390  }
0x7f: {  	vm3 =	vmand vm0, vm3;
	_ =	sdelay $0x4  }
0x80: {  	v53 =	vpop (erf)  }
0x81: {  	[tilespmem:v6+s20+$0x0] =	vst.idx.add.f32.msk vm3, v53  }
0x82: {  	s19 =	simm.s32 $0x5100;
	[tilespmem:s21+$0x0] =	vst.msk vm3, v7  }
0x83: {  	[tilespmem:s19+$0x0] =	vst.msk vm3, v52  }
0x84: {  	[tilespmem:s23+$0x0] =	vst.msk vm3, v53  }
0x85: {  	v6 =	vld [tilespmem:$0x4F10];
	_ =	sdelay $0x4  }
0x86: {  	v7 =	vshrl.u32 v6, $0xE  }
0x87: {  	v6 =	vand.u32 $0x3FFF, v6;
	_ =	sdelay $0x3  }
0x88: {  	v8 =	vld.idx.msk [tilespmem:v7+s15+$0x0], $0xffff  }
0x89: {  	v9 =	vld.idx.msk [tilespmem:v6+s18+$0x0], $0xffff  }
0x8a: {  	v10 =	vsel vm3, $0x1, v5  }
0x8b: {  	(xrf0) =	vadd.scan.msk.s32 $0xffff, v10;
	_ =	sdelay $0x2  }
0x8c: {  	v8 =	vadd.f32 v9, v8;
	_ =	sdelay $0x1  }
0x8d: {  	v9 =	vmin.f32 v8, $0.0e+00  }
0x8e: {  	v10, _, _ =	vpop (xrf0);
	v9 =	vmul.f32 $2.000000030e-01, v9  }
0x8f: {  	(v2sf) =	vpush v10, $0xF;
	v8 =	vmax.f32 v8, $0.0e+00  }
0x90: {  	v8 =	vadd.f32 v9, v8;
	_ =	sdelay $0x1  }
0x91: {  	v8 =	vmul.f32 $1.442695020e+00, v8;
	_ =	sdelay $0x1  }
0x92: {  	(erf) = vpow2.f32 v8;
	_ =	sdelay $0x1  }
0x93: {  	v54 =	vsub.s32 v6, v0  }
0x94: {  	vm3 =	vlt.u32 v54, $0x1390  }
0x95: {  	vm3 =	vmand vm1, vm3;
	_ =	sdelay $0x4  }
0x96: {  	v55 =	vpop (erf)  }
0x97: {  	s22 =	spop (v2sf);
	[tilespmem:v6+s20+$0x0] =	vst.idx.add.f32.msk vm3, v55  }
0x98: {  	[tilespmem:s22+$0x5000] =	vst.msk vm3, v7  }
0x99: {  	[tilespmem:s22+$0x5100] =	vst.msk vm3, v54  }
0x9a: {  	[tilespmem:s22+$0x5200] =	vst.msk vm3, v55  }
0x9b: {  	v6 =	vld [tilespmem:$0x4F20];
	_ =	sdelay $0x4  }
0x9c: {  	v7 =	vshrl.u32 v6, $0xE  }
0x9d: {  	v6 =	vand.u32 $0x3FFF, v6;
	_ =	sdelay $0x3  }
0x9e: {  	v8 =	vld.idx.msk [tilespmem:v7+s15+$0x0], $0xffff  }
0x9f: {  	v56 =	vsel vm3, $0x1, v5;
	v57 =	vld.idx.msk [tilespmem:v6+s18+$0x0], $0xffff  }
0xa0: {  	(xrf0) =	vadd.scan.msk.s32 $0xffff, v56;
	v58 =	vsub.s32 v6, v0  }
0xa1: {  	vm3 =	vlt.u32 v58, $0x1390  }
0xa2: {  	vm3 =	vmand vm2, vm3  }
0xa3: {  	v11 =	vsel vm3, $0x1, v5  }
0xa4: {  	(xrf0) =	vadd.scan.msk.s32 $0xffff, v11;
	v8 =	vadd.f32 v57, v8;
	_ =	sdelay $0x1  }
0xa5: {  	v59, _, _ =	vpop (xrf0);
	v60 =	vmin.f32 v8, $0.0e+00  }
0xa6: {  	(v2sf) =	vpush v59, $0xF;
	v61 =	vmul.f32 $2.000000030e-01, v60  }
0xa7: {  	v8 =	vmax.f32 v8, $0.0e+00  }
0xa8: {  	v8 =	vadd.f32 v61, v8  }
0xa9: {  	v62, _, _ =	vpop (xrf0)  }
0xaa: {  	(v2sf) =	vpush v62, $0xF;
	v8 =	vmul.f32 $1.442695020e+00, v8;
	_ =	sdelay $0x1  }
0xab: {  	(erf) = vpow2.f32 v8;
	_ =	sdelay $0x8  }
0xac: {  	s9 =	spop (v2sf);
	v8 =	vpop (erf)  }
0xad: {  	s8 =	sadd.s32 s22, s9;
	[tilespmem:v6+s20+$0x0] =	vst.idx.add.f32.msk vm3, v8  }
.Ltmp4:
0xae: {  	[tilespmem:s8+$0x5000] =	vst.msk vm3, v7;
	(pc) =	sbr.rel .LBB2_6-.Ltmp4, $4  }
0xaf: {  	[tilespmem:s8+$0x5100] =	vst.msk vm3, v58  }
0xb0: {  	s26 =	spop (v2sf);
	[tilespmem:s8+$0x5200] =	vst.msk vm3, v8;
	(ifvalue) =	ssetifvalue $0xFFFFFFFF  }
0xb1: {  	s31 =	simm.s32 $0x5300;
	s8 =	sadd.s32 s8, s26;
	(ifvalue) =	ssetifvalue $0xFFFFFFFF  }
0xb2: {  	[tilespmem:s31], [sflag:$0x1] =	stream.indirect.gather [hbm4b:s5+s24], $0x80, s21, s24, $0x40b8;
	v63 =	vld [tilespmem:$0x0]  }
.LBB2_13:
0xb3: {  	v18 =	vmul.f32 v18, v12;
	v21 =	vld [tilespmem:s14+$0xE0];
	[tilespmem:s9+$0x1D0] =	vst v20  }
0xb4: {  	v17 =	vmul.f32 v17, v11;
	[tilespmem:s9+$0x160] =	vst v19;
	v50 =	vld [tilespmem:s14+$0x1E0]  }
0xb5: {  	v16 =	vmul.f32 v16, v10;
	v51 =	vld [tilespmem:s14+$0x170];
	[tilespmem:s9+$0xFFFFFE60] =	vst v18  }
0xb6: {  	v15 =	vmul.f32 v15, v9;
	[tilespmem:s9+$0xFFFFFEE0] =	vst v17;
	v52 =	vld [tilespmem:s14+$0xFFFFFE70]  }
0xb7: {  	v14 =	vmul.f32 v14, v8;
	[tilespmem:s9+$0xFFFFFF60] =	vst v16;
	v17 =	vld [tilespmem:s14+$0xFFFFFEF0]  }
0xb8: {  	[tilespmem:s9+$0xFFFFFFE0] =	vst v15;
	v16 =	vld [tilespmem:s14+$0xFFFFFF70];
	v53 =	vmul.f32 v21, v7  }
0xb9: {  	[tilespmem:s9+$0x60] =	vst v14;
	v54 =	vld [tilespmem:s14+$0xFFFFFFF0];
	v55 =	vmul.f32 v50, v6  }
0xba: {  	v56 =	vld [tilespmem:s14+$0x70];
	v13 =	vmul.f32 v51, v13;
	[tilespmem:s9+$0xE0] =	vst v53  }
0xbb: {  	v57 =	vmul.f32 v52, v12;
	v15 =	vld [tilespmem:s14+$0xF0];
	[tilespmem:s9+$0x1E0] =	vst v55  }
0xbc: {  	v58 =	vmul.f32 v17, v11;
	[tilespmem:s9+$0x170] =	vst v13;
	v59 =	vld [tilespmem:s14+$0x1F0]  }
0xbd: {  	v60 =	vmul.f32 v16, v10;
	[tilespmem:s9+$0xFFFFFE70] =	vst v57  }
0xbe: {  	v61 =	vmul.f32 v54, v9;
	[tilespmem:s9+$0xFFFFFEF0] =	vst v58  }
0xbf: {  	v62 =	vmul.f32 v56, v8;
	[tilespmem:s9+$0xFFFFFF70] =	vst v60  }
0xc0: {  	[tilespmem:s9+$0xFFFFFFF0] =	vst v61;
	v7 =	vmul.f32 v15, v7  }
0xc1: {  	[tilespmem:s9+$0x70] =	vst v62;
	v6 =	vmul.f32 v59, v6  }
0xc2: {  	[tilespmem:s9+$0xF0] =	vst v7  }
0xc3: {  	[tilespmem:s9+$0x1F0] =	vst v6  }
.LBB2_14:
0xc4: {  	v6 =	vld [tilespmem:$0x5180]  }
0xc5: {  	v7 =	vld [tilespmem:$0x5190]  }
0xc6: {  	v8 =	vld [tilespmem:$0x51A0];
	s15 =	sadd.s32 $0x1, s15  }
0xc7: {  	p1 =	seq.s32 s15, $0xD1  }
.Ltmp5:
0xc8: {  	_ = 	snop;
	(pc) =	sbr.rel @p1 .LBB2_15-.Ltmp5, $4  }
0xc9: {  	[tilespmem:$0x16300] =	vst v6  }
0xca: {  	[tilespmem:$0x16310] =	vst v7  }
0xcb: {  	[tilespmem:$0x16320] =	vst v8;
	(ifvalue) =	ssetifvalue $0xFFFFFFFF  }
0xcc: {  	[spmem:s3] =	stream.indirect.scatter.add.f32 [tilespmem:s2], [sflag:$0x5], $0x80, s25, s24, $0x40b8;
	v63 =	vld [tilespmem:$0x0]  }
.LBB2_6:
0xcd: {  	s17 =	smul.u32 $0x60, s15;
	_ =	sdelay $0x1  }
0xce: {  	s9 =	sadd.s32 s17, s11  }
0xcf: {  	s14 =	sshrl.u32 s9, $0x3  }
0xd0: {  	s1 =	simm.s32 $0x4F80;
	s14 =	sadd.s32 s7, s14  }
0xd1: {  	[tilespmem:s1], [sflag:$0x4] =	stream.linear.gather [hbm4b:s14+s4], $0x30, $0x38;
	v63 =	vld [tilespmem:$0x0]  }
0xd2: {  	_ =	swait.ge [sflag:s28], $0x1800  }
0xd3: {  	[sflag:s28] =	ssyncset.done $0x0  }
0xd4: {  	[sflag:s28] =	ssyncadd.s32 $0xFFFFE800  }
0xd5: {  	_ =	swait.ge [sflag:s29], $0x30  }
0xd6: {  	[sflag:s29] =	ssyncset.done $0x0  }
0xd7: {  	[sflag:s29] =	ssyncadd.s32 $0xFFFFFFD0  }
0xd8: {  	v6 =	vld [tilespmem:$0x4F80];
	_ =	sdelay $0x3  }
0xd9: {  	[tilespmem:$0x5080] =	vst v4  }
0xda: {  	[tilespmem:$0x5180] =	vst v4;
	v7 =	vshrl.u32 v6, $0xE  }
0xdb: {  	[tilespmem:$0x5090] =	vst v4;
	v6 =	vand.u32 $0x3FFF, v6  }
0xdc: {  	[tilespmem:$0x5190] =	vst v4  }
0xdd: {  	[tilespmem:$0x50A0] =	vst v4  }
0xde: {  	[tilespmem:$0x51A0] =	vst v4  }
0xdf: {  	v8 =	vld.idx.msk [tilespmem:v7+s4+$0x0], $0xffff  }
0xe0: {  	v9 =	vld.idx.msk [tilespmem:v6+s18+$0x0], $0xffff;
	_ =	sdelay $0x4  }
0xe1: {  	v8 =	vadd.f32 v9, v8;
	_ =	sdelay $0x1  }
0xe2: {  	v9 =	vmin.f32 v8, $0.0e+00  }
0xe3: {  	v9 =	vmul.f32 $2.000000030e-01, v9  }
0xe4: {  	v8 =	vmax.f32 v8, $0.0e+00  }
0xe5: {  	v8 =	vadd.f32 v9, v8;
	_ =	sdelay $0x1  }
0xe6: {  	v8 =	vmul.f32 $1.442695020e+00, v8;
	_ =	sdelay $0x1  }
0xe7: {  	(erf) = vpow2.f32 v8  }
0xe8: {  	v47 =	vmov s9;
	v48 =	vor.u32 s9, v1  }
0xe9: {  	vm3 =	vlt.u32 v47, $0x4E200;
	vm4 =	vlt.u32 v48, v2;
	v10 =	vsub.s32 v6, v0  }
0xea: {  	vm3 =	vmand vm3, vm4;
	vm5 =	vlt.u32 v10, $0x1390  }
0xeb: {  	vm3 =	vmand vm3, vm5;
	_ =	sdelay $0x4  }
0xec: {  	v49 =	vpop (erf)  }
0xed: {  	[tilespmem:v6+s20+$0x0] =	vst.idx.add.f32.msk vm3, v49  }
0xee: {  	s16 =	simm.s32 $0x5180;
	[tilespmem:s30+$0x0] =	vst.msk vm3, v7  }
0xef: {  	[tilespmem:s16+$0x0] =	vst.msk vm3, v10  }
0xf0: {  	[tilespmem:s0+$0x0] =	vst.msk vm3, v49  }
0xf1: {  	v6 =	vld [tilespmem:$0x4F90];
	_ =	sdelay $0x4  }
0xf2: {  	v7 =	vshrl.u32 v6, $0xE  }
0xf3: {  	v6 =	vand.u32 $0x3FFF, v6;
	_ =	sdelay $0x3  }
0xf4: {  	v8 =	vld.idx.msk [tilespmem:v7+s4+$0x0], $0xffff  }
0xf5: {  	v50 =	vld.idx.msk [tilespmem:v6+s18+$0x0], $0xffff  }
0xf6: {  	v51 =	vsel vm3, $0x1, v5  }
0xf7: {  	(xrf0) =	vadd.scan.msk.s32 $0xffff, v51;
	_ =	sdelay $0x2  }
0xf8: {  	v8 =	vadd.f32 v50, v8;
	_ =	sdelay $0x1  }
0xf9: {  	v9 =	vmin.f32 v8, $0.0e+00  }
0xfa: {  	v10, _, _ =	vpop (xrf0);
	v9 =	vmul.f32 $2.000000030e-01, v9  }
0xfb: {  	(v2sf) =	vpush v10, $0xF;
	v8 =	vmax.f32 v8, $0.0e+00  }
0xfc: {  	v8 =	vadd.f32 v9, v8;
	_ =	sdelay $0x1  }
0xfd: {  	v8 =	vmul.f32 $1.442695020e+00, v8;
	_ =	sdelay $0x1  }
0xfe: {  	s19 =	sadd.s32 $0x10, s9;
	(erf) = vpow2.f32 v8  }
0xff: {  	v52 =	vmov s19;
	v53 =	vor.u32 s19, v1  }
0x100: {  	vm12 =	vlt.u32 v53, v2;
	vm3 =	vlt.u32 v52, $0x4E200;
	v54 =	vsub.s32 v6, v0  }
0x101: {  	vm3 =	vmand vm3, vm12;
	vm13 =	vlt.u32 v54, $0x1390  }
0x102: {  	vm3 =	vmand vm3, vm13;
	_ =	sdelay $0x4  }
0x103: {  	v55 =	vpop (erf)  }
0x104: {  	s22 =	spop (v2sf);
	[tilespmem:v6+s20+$0x0] =	vst.idx.add.f32.msk vm3, v55  }
0x105: {  	[tilespmem:s22+$0x5080] =	vst.msk vm3, v7  }
0x106: {  	[tilespmem:s22+$0x5180] =	vst.msk vm3, v54  }
0x107: {  	[tilespmem:s22+$0x5280] =	vst.msk vm3, v55  }
0x108: {  	v6 =	vld [tilespmem:$0x4FA0];
	_ =	sdelay $0x4  }
0x109: {  	v7 =	vshrl.u32 v6, $0xE  }
0x10a: {  	v6 =	vand.u32 $0x3FFF, v6;
	_ =	sdelay $0x3  }
0x10b: {  	s9 =	sadd.s32 $0x20, s9;
	v8 =	vld.idx.msk [tilespmem:v7+s4+$0x0], $0xffff  }
0x10c: {  	v11 =	vmov s9;
	v12 =	vor.u32 s9, v1;
	v56 =	vsel vm3, $0x1, v5;
	v10 =	vld.idx.msk [tilespmem:v6+s18+$0x0], $0xffff  }
0x10d: {  	vm14 =	vlt.u32 v12, v2;
	(xrf0) =	vadd.scan.msk.s32 $0xffff, v56;
	vm3 =	vlt.u32 v11, $0x4E200;
	v57 =	vsub.s32 v6, v0  }
0x10e: {  	vm3 =	vmand vm3, vm14;
	vm15 =	vlt.u32 v57, $0x1390  }
0x10f: {  	vm3 =	vmand vm3, vm15  }
0x110: {  	v58 =	vsel vm3, $0x1, v5  }
0x111: {  	(xrf0) =	vadd.scan.msk.s32 $0xffff, v58;
	v8 =	vadd.f32 v10, v8;
	_ =	sdelay $0x1  }
0x112: {  	v59, _, _ =	vpop (xrf0);
	v60 =	vmin.f32 v8, $0.0e+00  }
0x113: {  	(v2sf) =	vpush v59, $0xF;
	v61 =	vmul.f32 $2.000000030e-01, v60  }
0x114: {  	v8 =	vmax.f32 v8, $0.0e+00  }
0x115: {  	v8 =	vadd.f32 v61, v8  }
0x116: {  	v62, _, _ =	vpop (xrf0)  }
0x117: {  	(v2sf) =	vpush v62, $0xF;
	v8 =	vmul.f32 $1.442695020e+00, v8;
	_ =	sdelay $0x1  }
0x118: {  	(erf) = vpow2.f32 v8;
	_ =	sdelay $0x8  }
0x119: {  	s26 =	spop (v2sf);
	v8 =	vpop (erf)  }
0x11a: {  	s16 =	sadd.s32 s22, s26;
	[tilespmem:v6+s20+$0x0] =	vst.idx.add.f32.msk vm3, v8  }
0x11b: {  	[tilespmem:s16+$0x5080] =	vst.msk vm3, v7  }
0x11c: {  	s31 =	simm.s32 $0x6B00;
	p1 =	seq.s32 s15, $0x0;
	s8 =	sadd.s32 $0x7, s8;
	[tilespmem:s16+$0x5180] =	vst.msk vm3, v57  }
0x11d: {  	p2 =	slt.s32 s8, $0x8;
	s9 =	spop (v2sf);
	[tilespmem:s16+$0x5280] =	vst.msk vm3, v8;
	(ifvalue) =	ssetifvalue $0xFFFFFFFF  }
.Ltmp6:
0x11e: {  	s14 =	simm.s32 @!p1 $0x5;
	(ifvalue) =	ssetifvalue $0xFFFFFFFF;
	(pc) =	sbr.rel @p2 .LBB2_10-.Ltmp6, $4  }
0x11f: {  	[tilespmem:s31], [sflag:$0x2] =	stream.indirect.gather [hbm4b:s5+s24], $0x80, s30, s24, $0x40b8;
	v63 =	vld [tilespmem:$0x0]  }
0x120: {  	_ =	swait.ge @!p1 [sflag:s14], $0x1800  }
0x121: {  	[sflag:s14] =	ssyncset.done @!p1 $0x0  }
0x122: {  	[sflag:s14] =	ssyncadd.s32 @!p1 $0xFFFFE800  }
0x123: {  	s31 =	simm.s32 $0x0  }
0x124: {  	s1 =	simm.s32 $0x1;
	s19 =	simm.s32 $0x2;
	v6 =	vmov s31  }
0x125: {  	s31 =	simm.s32 $0x7;
	v8 =	vmov s1;
	v9 =	vmov s19;
	v6 =	vand.u32 $0xFFFFFFF8, v6  }
0x126: {  	s19 =	simm.s32 $0x3;
	v7 =	vmov s31;
	v9 =	vand.u32 $0xFFFFFFFA, v9;
	v10 =	vbroadcast v6, $0x0  }
0x127: {  	s22 =	simm.s32 $0x4;
	v6 =	vand.u32 $0xFFFFFFF9, v8;
	v8 =	vmov s19;
	v9 =	vbroadcast v9, $0x0  }
0x128: {  	s19 =	simm.s32 $0x5;
	v11 =	vbroadcast v6, $0x0;
	v6 =	vmov s22;
	v8 =	vand.u32 $0xFFFFFFFB, v8  }
0x129: {  	v12 =	vmov s19;
	v6 =	vand.u32 $0xFFFFFFFC, v6;
	v8 =	vbroadcast v8, $0x0  }
0x12a: {  	s14 =	simm.s32 $0x5500;
	s22 =	simm.s32 $0x6;
	v12 =	vand.u32 $0xFFFFFFFD, v12;
	v13 =	vbroadcast v6, $0x0  }
0x12b: {  	v16 =	vld [tilespmem:s14+$0xFFFFFE80];
	v6 =	vmov s22;
	v14 =	vbroadcast v12, $0x0  }
0x12c: {  	v15 =	vand.u32 $0xFFFFFFFE, v6;
	v6 =	vld.idx.msk [tilespmem:v7+s23+$0x0], $0xffff  }
0x12d: {  	v15 =	vbroadcast v15, $0x0;
	v12 =	vld.idx.msk [tilespmem:v10+s23+$0x0], $0xffff  }
0x12e: {  	v10 =	vld.idx.msk [tilespmem:v9+s23+$0x0], $0xffff  }
0x12f: {  	v9 =	vld.idx.msk [tilespmem:v8+s23+$0x0], $0xffff  }
0x130: {  	v8 =	vld.idx.msk [tilespmem:v13+s23+$0x0], $0xffff  }
0x131: {  	v7 =	vld.idx.msk [tilespmem:v14+s23+$0x0], $0xffff  }
0x132: {  	v14 =	vld [tilespmem:s14+$0x100]  }
0x133: {  	v13 =	vld.idx.msk [tilespmem:v15+s23+$0x0], $0xffff  }
0x134: {  	v15 =	vld [tilespmem:s14+$0xFFFFFE00]  }
0x135: {  	v11 =	vld.idx.msk [tilespmem:v11+s23+$0x0], $0xffff  }
0x136: {  	v17 =	vld [tilespmem:s14+$0xFFFFFF00]  }
0x137: {  	v18 =	vld [tilespmem:s14+$0xFFFFFF80]  }
0x138: {  	v19 =	vld [tilespmem:s14+$0x0];
	v14 =	vmul.f32 v14, v13  }
0x139: {  	s26 =	sand.u32 $0xFFFFFFF8, s8;
	s8 =	simm.s32 $0x8500;
	v20 =	vld [tilespmem:s14+$0x80];
	v15 =	vmul.f32 v15, v12  }
0x13a: {  	v16 =	vmul.f32 v16, v11;
	[tilespmem:s8+$0x100] =	vst v14;
	v14 =	vld [tilespmem:s14+$0x180]  }
0x13b: {  	[tilespmem:s8+$0xFFFFFE00] =	vst v15;
	v15 =	vmul.f32 v17, v10;
	v17 =	vld [tilespmem:s14+$0x110]  }
0x13c: {  	[tilespmem:s8+$0xFFFFFE80] =	vst v16;
	v16 =	vmul.f32 v18, v9;
	v21 =	vld [tilespmem:s14+$0xFFFFFE10]  }
0x13d: {  	v18 =	vld [tilespmem:s14+$0xFFFFFE90];
	[tilespmem:s8+$0xFFFFFF00] =	vst v15;
	v15 =	vmul.f32 v19, v8  }
0x13e: {  	[tilespmem:s8+$0xFFFFFF80] =	vst v16;
	v16 =	vmul.f32 v20, v7;
	v19 =	vld [tilespmem:s14+$0xFFFFFF10]  }
0x13f: {  	v20 =	vld [tilespmem:s14+$0xFFFFFF90];
	[tilespmem:s8+$0x0] =	vst v15;
	v14 =	vmul.f32 v14, v6  }
0x140: {  	[tilespmem:s8+$0x80] =	vst v16;
	v15 =	vld [tilespmem:s14+$0x10];
	v16 =	vmul.f32 v17, v13  }
0x141: {  	v17 =	vmul.f32 v21, v12;
	v21 =	vld [tilespmem:s14+$0x90];
	[tilespmem:s8+$0x180] =	vst v14  }
0x142: {  	v14 =	vmul.f32 v18, v11;
	[tilespmem:s8+$0x110] =	vst v16;
	v16 =	vld [tilespmem:s14+$0x190]  }
0x143: {  	[tilespmem:s8+$0xFFFFFE10] =	vst v17;
	v17 =	vmul.f32 v19, v10;
	v18 =	vld [tilespmem:s14+$0x120]  }
0x144: {  	v19 =	vld [tilespmem:s14+$0xFFFFFE20];
	[tilespmem:s8+$0xFFFFFE90] =	vst v14;
	v14 =	vmul.f32 v20, v9  }
0x145: {  	v20 =	vld [tilespmem:s14+$0xFFFFFEA0];
	[tilespmem:s8+$0xFFFFFF10] =	vst v17;
	v15 =	vmul.f32 v15, v8  }
0x146: {  	v17 =	vld [tilespmem:s14+$0xFFFFFF20];
	[tilespmem:s8+$0xFFFFFF90] =	vst v14;
	v14 =	vmul.f32 v21, v7  }
0x147: {  	v21 =	vld [tilespmem:s14+$0xFFFFFFA0];
	[tilespmem:s8+$0x10] =	vst v15;
	v15 =	vmul.f32 v16, v6  }
0x148: {  	v16 =	vld [tilespmem:s14+$0x20];
	[tilespmem:s8+$0x90] =	vst v14;
	v14 =	vmul.f32 v18, v13  }
0x149: {  	v18 =	vmul.f32 v19, v12;
	v19 =	vld [tilespmem:s14+$0xA0];
	[tilespmem:s8+$0x190] =	vst v15  }
0x14a: {  	v15 =	vmul.f32 v20, v11;
	[tilespmem:s8+$0x120] =	vst v14;
	v14 =	vld [tilespmem:s14+$0x1A0]  }
0x14b: {  	[tilespmem:s8+$0xFFFFFE20] =	vst v18;
	v17 =	vmul.f32 v17, v10;
	v18 =	vld [tilespmem:s14+$0x130]  }
0x14c: {  	v20 =	vld [tilespmem:s14+$0xFFFFFE30];
	[tilespmem:s8+$0xFFFFFEA0] =	vst v15;
	v15 =	vmul.f32 v21, v9  }
0x14d: {  	v21 =	vld [tilespmem:s14+$0xFFFFFEB0];
	[tilespmem:s8+$0xFFFFFF20] =	vst v17;
	v16 =	vmul.f32 v16, v8  }
0x14e: {  	v17 =	vld [tilespmem:s14+$0xFFFFFF30];
	[tilespmem:s8+$0xFFFFFFA0] =	vst v15;
	v15 =	vmul.f32 v19, v7  }
0x14f: {  	v19 =	vld [tilespmem:s14+$0xFFFFFFB0];
	[tilespmem:s8+$0x20] =	vst v16;
	v14 =	vmul.f32 v14, v6  }
0x150: {  	v16 =	vld [tilespmem:s14+$0x30];
	[tilespmem:s8+$0xA0] =	vst v15;
	v15 =	vmul.f32 v18, v13  }
0x151: {  	v18 =	vmul.f32 v20, v12;
	v20 =	vld [tilespmem:s14+$0xB0];
	[tilespmem:s8+$0x1A0] =	vst v14  }
0x152: {  	v14 =	vmul.f32 v21, v11;
	[tilespmem:s8+$0x130] =	vst v15;
	v15 =	vld [tilespmem:s14+$0x1B0]  }
0x153: {  	[tilespmem:s8+$0xFFFFFE30] =	vst v18;
	v17 =	vmul.f32 v17, v10;
	v18 =	vld [tilespmem:s14+$0x140]  }
0x154: {  	v21 =	vld [tilespmem:s14+$0xFFFFFE40];
	[tilespmem:s8+$0xFFFFFEB0] =	vst v14;
	v14 =	vmul.f32 v19, v9  }
0x155: {  	v19 =	vld [tilespmem:s14+$0xFFFFFEC0];
	[tilespmem:s8+$0xFFFFFF30] =	vst v17;
	v16 =	vmul.f32 v16, v8  }
0x156: {  	v17 =	vld [tilespmem:s14+$0xFFFFFF40];
	[tilespmem:s8+$0xFFFFFFB0] =	vst v14;
	v14 =	vmul.f32 v20, v7  }
0x157: {  	v20 =	vld [tilespmem:s14+$0xFFFFFFC0];
	[tilespmem:s8+$0x30] =	vst v16;
	v15 =	vmul.f32 v15, v6  }
0x158: {  	v16 =	vld [tilespmem:s14+$0x40];
	[tilespmem:s8+$0xB0] =	vst v14;
	v14 =	vmul.f32 v18, v13  }
0x159: {  	v18 =	vmul.f32 v21, v12;
	v21 =	vld [tilespmem:s14+$0xC0];
	[tilespmem:s8+$0x1B0] =	vst v15  }
0x15a: {  	v15 =	vmul.f32 v19, v11;
	[tilespmem:s8+$0x140] =	vst v14;
	v14 =	vld [tilespmem:s14+$0x1C0]  }
0x15b: {  	[tilespmem:s8+$0xFFFFFE40] =	vst v18;
	v17 =	vmul.f32 v17, v10;
	v18 =	vld [tilespmem:s14+$0x150]  }
0x15c: {  	v19 =	vld [tilespmem:s14+$0xFFFFFE50];
	[tilespmem:s8+$0xFFFFFEC0] =	vst v15;
	v15 =	vmul.f32 v20, v9  }
0x15d: {  	v20 =	vld [tilespmem:s14+$0xFFFFFED0];
	[tilespmem:s8+$0xFFFFFF40] =	vst v17;
	v16 =	vmul.f32 v16, v8  }
0x15e: {  	v17 =	vld [tilespmem:s14+$0xFFFFFF50];
	[tilespmem:s8+$0xFFFFFFC0] =	vst v15;
	v15 =	vmul.f32 v21, v7  }
0x15f: {  	v21 =	vld [tilespmem:s14+$0xFFFFFFD0];
	[tilespmem:s8+$0x40] =	vst v16;
	v14 =	vmul.f32 v14, v6  }
0x160: {  	v16 =	vld [tilespmem:s14+$0x50];
	[tilespmem:s8+$0xC0] =	vst v15;
	v15 =	vmul.f32 v18, v13  }
0x161: {  	v18 =	vmul.f32 v19, v12;
	v19 =	vld [tilespmem:s14+$0xD0];
	[tilespmem:s8+$0x1C0] =	vst v14  }
0x162: {  	v14 =	vmul.f32 v20, v11;
	[tilespmem:s8+$0x150] =	vst v15;
	v20 =	vld [tilespmem:s14+$0x1D0]  }
0x163: {  	p1 =	sgt.s32 s26, $0x8;
	[tilespmem:s8+$0xFFFFFE50] =	vst v18;
	v15 =	vmul.f32 v17, v10;
	v22 =	vld [tilespmem:s14+$0x160]  }
.Ltmp7:
0x164: {  	v18 =	vld [tilespmem:s14+$0xFFFFFE60];
	[tilespmem:s8+$0xFFFFFED0] =	vst v14;
	v14 =	vmul.f32 v21, v9;
	(pc) =	sbr.rel @!p1 .LBB2_9-.Ltmp7, $4  }
0x165: {  	v17 =	vld [tilespmem:s14+$0xFFFFFEE0];
	[tilespmem:s8+$0xFFFFFF50] =	vst v15;
	v21 =	vmul.f32 v16, v8  }
0x166: {  	v16 =	vld [tilespmem:s14+$0xFFFFFF60];
	[tilespmem:s8+$0xFFFFFFD0] =	vst v14;
	v19 =	vmul.f32 v19, v7  }
0x167: {  	v15 =	vld [tilespmem:s14+$0xFFFFFFE0];
	[tilespmem:s8+$0x50] =	vst v21;
	v20 =	vmul.f32 v20, v6  }
0x168: {  	s31 =	simm.s32 $0x8;
	v14 =	vld [tilespmem:s14+$0x60];
	[tilespmem:s8+$0xD0] =	vst v19;
	v19 =	vmul.f32 v22, v13  }
.LBB2_8:
0x169: {  	v21 =	vmov s31;
	s1 =	sadd.s32 $0x7, s31;
	v18 =	vmul.f32 v18, v12;
	v22 =	vld [tilespmem:s14+$0xE0];
	[tilespmem:s8+$0x1D0] =	vst v20  }
0x16a: {  	s19 =	sadd.s32 $0x1, s31;
	s22 =	sadd.s32 $0x2, s31;
	v20 =	vand.u32 $0xFFFFFFF8, v21;
	v21 =	vmov s1;
	v17 =	vmul.f32 v17, v11;
	[tilespmem:s8+$0x160] =	vst v19;
	v19 =	vld [tilespmem:s14+$0x1E0]  }
0x16b: {  	v23 =	vmov s19;
	v24 =	vmov s22;
	s1 =	sadd.s32 $0x3, s31;
	s19 =	sadd.s32 $0x4, s31;
	[tilespmem:s8+$0xFFFFFE60] =	vst v18;
	v16 =	vmul.f32 v16, v10;
	v18 =	vld [tilespmem:s14+$0x170]  }
0x16c: {  	v25 =	vmov s1;
	v26 =	vmov s19;
	s1 =	sadd.s32 $0x5, s31;
	v27 =	vld [tilespmem:s14+$0xFFFFFE70];
	[tilespmem:s8+$0xFFFFFEE0] =	vst v17;
	v15 =	vmul.f32 v15, v9  }
0x16d: {  	v17 =	vbroadcast v20, $0x0;
	v20 =	vmov s1;
	v28 =	vld [tilespmem:s14+$0xFFFFFEF0];
	[tilespmem:s8+$0xFFFFFF60] =	vst v16;
	v14 =	vmul.f32 v14, v8  }
0x16e: {  	v16 =	vand.u32 $0xFFFFFFF9, v23;
	v23 =	vand.u32 $0xFFFFFFFA, v24;
	v24 =	vld [tilespmem:s14+$0xFFFFFF70];
	[tilespmem:s8+$0xFFFFFFE0] =	vst v15;
	v15 =	vmul.f32 v22, v7  }
0x16f: {  	v16 =	vbroadcast v16, $0x0;
	v22 =	vand.u32 $0xFFFFFFFB, v25;
	v25 =	vld [tilespmem:s14+$0xFFFFFFF0];
	[tilespmem:s8+$0x60] =	vst v14;
	v14 =	vmul.f32 v19, v6  }
0x170: {  	v19 =	vbroadcast v23, $0x0;
	v23 =	vand.u32 $0xFFFFFFFC, v26;
	v26 =	vld [tilespmem:s14+$0x70];
	[tilespmem:s8+$0xE0] =	vst v15;
	v13 =	vmul.f32 v18, v13  }
0x171: {  	s1 =	sadd.s32 $0x6, s31;
	s31 =	sadd.s32 $0x8, s31;
	v15 =	vbroadcast v22, $0x0;
	v18 =	vand.u32 $0xFFFFFFFD, v20;
	v12 =	vmul.f32 v27, v12;
	v20 =	vld [tilespmem:s14+$0xF0];
	[tilespmem:s8+$0x1E0] =	vst v14  }
0x172: {  	p1 =	slt.s32 s31, s26;
	v22 =	vmov s1;
	v14 =	vbroadcast v23, $0x0;
	v11 =	vmul.f32 v28, v11;
	[tilespmem:s8+$0x170] =	vst v13;
	v13 =	vld [tilespmem:s14+$0x1F0]  }
0x173: {  	v18 =	vbroadcast v18, $0x0;
	v22 =	vand.u32 $0xFFFFFFFE, v22;
	v21 =	vld.idx.msk [tilespmem:v21+s23+$0x0], $0xffff;
	[tilespmem:s8+$0xFFFFFE70] =	vst v12;
	v10 =	vmul.f32 v24, v10  }
0x174: {  	v12 =	vld.idx.msk [tilespmem:v17+s23+$0x0], $0xffff;
	v17 =	vbroadcast v22, $0x0;
	[tilespmem:s8+$0xFFFFFEF0] =	vst v11;
	v9 =	vmul.f32 v25, v9  }
0x175: {  	v11 =	vld.idx.msk [tilespmem:v16+s23+$0x0], $0xffff;
	[tilespmem:s8+$0xFFFFFF70] =	vst v10;
	v8 =	vmul.f32 v26, v8  }
0x176: {  	v10 =	vld.idx.msk [tilespmem:v19+s23+$0x0], $0xffff;
	[tilespmem:s8+$0xFFFFFFF0] =	vst v9;
	v7 =	vmul.f32 v20, v7  }
0x177: {  	v9 =	vld.idx.msk [tilespmem:v15+s23+$0x0], $0xffff;
	[tilespmem:s8+$0x70] =	vst v8;
	v13 =	vmul.f32 v13, v6  }
0x178: {  	v8 =	vld.idx.msk [tilespmem:v14+s23+$0x0], $0xffff;
	[tilespmem:s8+$0xF0] =	vst v7  }
0x179: {  	v6 =	vmov v21;
	v7 =	vld.idx.msk [tilespmem:v18+s23+$0x0], $0xffff;
	[tilespmem:s8+$0x1F0] =	vst v13  }
0x17a: {  	s14 =	sadd.s32 $0x400, s14;
	v13 =	vld.idx.msk [tilespmem:v17+s23+$0x0], $0xffff  }
0x17b: {  	v14 =	vld [tilespmem:s14+$0x100]  }
0x17c: {  	v15 =	vld [tilespmem:s14+$0xFFFFFE00]  }
0x17d: {  	v16 =	vld [tilespmem:s14+$0xFFFFFE80]  }
0x17e: {  	v17 =	vld [tilespmem:s14+$0xFFFFFF00]  }
0x17f: {  	v18 =	vld [tilespmem:s14+$0xFFFFFF80]  }
0x180: {  	v19 =	vld [tilespmem:s14+$0x0];
	v14 =	vmul.f32 v14, v13  }
0x181: {  	s8 =	sadd.s32 $0x400, s8;
	v15 =	vmul.f32 v15, v12;
	v20 =	vld [tilespmem:s14+$0x80]  }
0x182: {  	v16 =	vmul.f32 v16, v11;
	[tilespmem:s8+$0x100] =	vst v14;
	v14 =	vld [tilespmem:s14+$0x180]  }
0x183: {  	[tilespmem:s8+$0xFFFFFE00] =	vst v15;
	v15 =	vmul.f32 v17, v10;
	v17 =	vld [tilespmem:s14+$0x110]  }
0x184: {  	v21 =	vld [tilespmem:s14+$0xFFFFFE10];
	[tilespmem:s8+$0xFFFFFE80] =	vst v16;
	v16 =	vmul.f32 v18, v9  }
0x185: {  	v18 =	vld [tilespmem:s14+$0xFFFFFE90];
	[tilespmem:s8+$0xFFFFFF00] =	vst v15;
	v15 =	vmul.f32 v19, v8  }
0x186: {  	v19 =	vld [tilespmem:s14+$0xFFFFFF10];
	[tilespmem:s8+$0xFFFFFF80] =	vst v16;
	v16 =	vmul.f32 v20, v7  }
0x187: {  	v20 =	vld [tilespmem:s14+$0xFFFFFF90];
	[tilespmem:s8+$0x0] =	vst v15;
	v14 =	vmul.f32 v14, v6  }
0x188: {  	v15 =	vld [tilespmem:s14+$0x10];
	[tilespmem:s8+$0x80] =	vst v16;
	v16 =	vmul.f32 v17, v13  }
0x189: {  	v17 =	vmul.f32 v21, v12;
	v21 =	vld [tilespmem:s14+$0x90];
	[tilespmem:s8+$0x180] =	vst v14  }
0x18a: {  	v14 =	vmul.f32 v18, v11;
	[tilespmem:s8+$0x110] =	vst v16;
	v16 =	vld [tilespmem:s14+$0x190]  }
0x18b: {  	[tilespmem:s8+$0xFFFFFE10] =	vst v17;
	v17 =	vmul.f32 v19, v10;
	v18 =	vld [tilespmem:s14+$0x120]  }
0x18c: {  	v19 =	vld [tilespmem:s14+$0xFFFFFE20];
	[tilespmem:s8+$0xFFFFFE90] =	vst v14;
	v14 =	vmul.f32 v20, v9  }
0x18d: {  	v20 =	vld [tilespmem:s14+$0xFFFFFEA0];
	[tilespmem:s8+$0xFFFFFF10] =	vst v17;
	v15 =	vmul.f32 v15, v8  }
0x18e: {  	v17 =	vld [tilespmem:s14+$0xFFFFFF20];
	[tilespmem:s8+$0xFFFFFF90] =	vst v14;
	v14 =	vmul.f32 v21, v7  }
0x18f: {  	v21 =	vld [tilespmem:s14+$0xFFFFFFA0];
	[tilespmem:s8+$0x10] =	vst v15;
	v15 =	vmul.f32 v16, v6  }
0x190: {  	v16 =	vld [tilespmem:s14+$0x20];
	[tilespmem:s8+$0x90] =	vst v14;
	v14 =	vmul.f32 v18, v13  }
0x191: {  	v18 =	vmul.f32 v19, v12;
	v19 =	vld [tilespmem:s14+$0xA0];
	[tilespmem:s8+$0x190] =	vst v15  }
0x192: {  	v15 =	vmul.f32 v20, v11;
	[tilespmem:s8+$0x120] =	vst v14;
	v14 =	vld [tilespmem:s14+$0x1A0]  }
0x193: {  	[tilespmem:s8+$0xFFFFFE20] =	vst v18;
	v17 =	vmul.f32 v17, v10;
	v18 =	vld [tilespmem:s14+$0x130]  }
0x194: {  	v20 =	vld [tilespmem:s14+$0xFFFFFE30];
	[tilespmem:s8+$0xFFFFFEA0] =	vst v15;
	v15 =	vmul.f32 v21, v9  }
0x195: {  	v21 =	vld [tilespmem:s14+$0xFFFFFEB0];
	[tilespmem:s8+$0xFFFFFF20] =	vst v17;
	v16 =	vmul.f32 v16, v8  }
0x196: {  	v17 =	vld [tilespmem:s14+$0xFFFFFF30];
	[tilespmem:s8+$0xFFFFFFA0] =	vst v15;
	v15 =	vmul.f32 v19, v7  }
0x197: {  	v19 =	vld [tilespmem:s14+$0xFFFFFFB0];
	[tilespmem:s8+$0x20] =	vst v16;
	v14 =	vmul.f32 v14, v6  }
0x198: {  	v16 =	vld [tilespmem:s14+$0x30];
	[tilespmem:s8+$0xA0] =	vst v15;
	v15 =	vmul.f32 v18, v13  }
0x199: {  	v18 =	vmul.f32 v20, v12;
	v20 =	vld [tilespmem:s14+$0xB0];
	[tilespmem:s8+$0x1A0] =	vst v14  }
0x19a: {  	v14 =	vmul.f32 v21, v11;
	[tilespmem:s8+$0x130] =	vst v15;
	v15 =	vld [tilespmem:s14+$0x1B0]  }
0x19b: {  	[tilespmem:s8+$0xFFFFFE30] =	vst v18;
	v17 =	vmul.f32 v17, v10;
	v18 =	vld [tilespmem:s14+$0x140]  }
0x19c: {  	v21 =	vld [tilespmem:s14+$0xFFFFFE40];
	[tilespmem:s8+$0xFFFFFEB0] =	vst v14;
	v14 =	vmul.f32 v19, v9  }
0x19d: {  	v19 =	vld [tilespmem:s14+$0xFFFFFEC0];
	[tilespmem:s8+$0xFFFFFF30] =	vst v17;
	v16 =	vmul.f32 v16, v8  }
0x19e: {  	v17 =	vld [tilespmem:s14+$0xFFFFFF40];
	[tilespmem:s8+$0xFFFFFFB0] =	vst v14;
	v14 =	vmul.f32 v20, v7  }
0x19f: {  	v20 =	vld [tilespmem:s14+$0xFFFFFFC0];
	[tilespmem:s8+$0x30] =	vst v16;
	v15 =	vmul.f32 v15, v6  }
0x1a0: {  	v16 =	vld [tilespmem:s14+$0x40];
	[tilespmem:s8+$0xB0] =	vst v14;
	v14 =	vmul.f32 v18, v13  }
0x1a1: {  	v18 =	vmul.f32 v21, v12;
	v21 =	vld [tilespmem:s14+$0xC0];
	[tilespmem:s8+$0x1B0] =	vst v15  }
0x1a2: {  	v15 =	vmul.f32 v19, v11;
	[tilespmem:s8+$0x140] =	vst v14;
	v14 =	vld [tilespmem:s14+$0x1C0]  }
0x1a3: {  	[tilespmem:s8+$0xFFFFFE40] =	vst v18;
	v17 =	vmul.f32 v17, v10;
	v18 =	vld [tilespmem:s14+$0x150]  }
0x1a4: {  	v19 =	vld [tilespmem:s14+$0xFFFFFE50];
	[tilespmem:s8+$0xFFFFFEC0] =	vst v15;
	v15 =	vmul.f32 v20, v9  }
0x1a5: {  	v20 =	vld [tilespmem:s14+$0xFFFFFED0];
	[tilespmem:s8+$0xFFFFFF40] =	vst v17;
	v16 =	vmul.f32 v16, v8  }
0x1a6: {  	v17 =	vld [tilespmem:s14+$0xFFFFFF50];
	[tilespmem:s8+$0xFFFFFFC0] =	vst v15;
	v15 =	vmul.f32 v21, v7  }
0x1a7: {  	v21 =	vld [tilespmem:s14+$0xFFFFFFD0];
	[tilespmem:s8+$0x40] =	vst v16;
	v14 =	vmul.f32 v14, v6  }
0x1a8: {  	v16 =	vld [tilespmem:s14+$0x50];
	[tilespmem:s8+$0xC0] =	vst v15;
	v15 =	vmul.f32 v18, v13  }
0x1a9: {  	v18 =	vmul.f32 v19, v12;
	v19 =	vld [tilespmem:s14+$0xD0];
	[tilespmem:s8+$0x1C0] =	vst v14  }
0x1aa: {  	v14 =	vmul.f32 v20, v11;
	[tilespmem:s8+$0x150] =	vst v15;
	v20 =	vld [tilespmem:s14+$0x1D0]  }
0x1ab: {  	[tilespmem:s8+$0xFFFFFE50] =	vst v18;
	v15 =	vmul.f32 v17, v10;
	v22 =	vld [tilespmem:s14+$0x160]  }
.Ltmp8:
0x1ac: {  	v18 =	vld [tilespmem:s14+$0xFFFFFE60];
	[tilespmem:s8+$0xFFFFFED0] =	vst v14;
	v14 =	vmul.f32 v21, v9;
	(pc) =	sbr.rel @p1 .LBB2_8-.Ltmp8, $4  }
0x1ad: {  	v17 =	vld [tilespmem:s14+$0xFFFFFEE0];
	[tilespmem:s8+$0xFFFFFF50] =	vst v15;
	v21 =	vmul.f32 v16, v8  }
0x1ae: {  	v16 =	vld [tilespmem:s14+$0xFFFFFF60];
	[tilespmem:s8+$0xFFFFFFD0] =	vst v14;
	v19 =	vmul.f32 v19, v7  }
0x1af: {  	v15 =	vld [tilespmem:s14+$0xFFFFFFE0];
	[tilespmem:s8+$0x50] =	vst v21;
	v20 =	vmul.f32 v20, v6  }
0x1b0: {  	v14 =	vld [tilespmem:s14+$0x60];
	[tilespmem:s8+$0xD0] =	vst v19;
	v19 =	vmul.f32 v22, v13  }
.LBB2_9:
0x1b1: {  	v18 =	vmul.f32 v18, v12;
	v21 =	vld [tilespmem:s14+$0xE0];
	[tilespmem:s8+$0x1D0] =	vst v20  }
0x1b2: {  	v17 =	vmul.f32 v17, v11;
	[tilespmem:s8+$0x160] =	vst v19;
	v50 =	vld [tilespmem:s14+$0x1E0]  }
0x1b3: {  	[tilespmem:s8+$0xFFFFFE60] =	vst v18;
	v16 =	vmul.f32 v16, v10;
	v51 =	vld [tilespmem:s14+$0x170]  }
0x1b4: {  	v52 =	vld [tilespmem:s14+$0xFFFFFE70];
	[tilespmem:s8+$0xFFFFFEE0] =	vst v17;
	v15 =	vmul.f32 v15, v9  }
0x1b5: {  	v17 =	vld [tilespmem:s14+$0xFFFFFEF0];
	[tilespmem:s8+$0xFFFFFF60] =	vst v16;
	v14 =	vmul.f32 v14, v8  }
0x1b6: {  	v16 =	vld [tilespmem:s14+$0xFFFFFF70];
	[tilespmem:s8+$0xFFFFFFE0] =	vst v15;
	v53 =	vmul.f32 v21, v7  }
0x1b7: {  	v54 =	vld [tilespmem:s14+$0xFFFFFFF0];
	[tilespmem:s8+$0x60] =	vst v14;
	v55 =	vmul.f32 v50, v6  }
0x1b8: {  	v56 =	vld [tilespmem:s14+$0x70];
	[tilespmem:s8+$0xE0] =	vst v53;
	v13 =	vmul.f32 v51, v13  }
0x1b9: {  	v57 =	vmul.f32 v52, v12;
	v15 =	vld [tilespmem:s14+$0xF0];
	[tilespmem:s8+$0x1E0] =	vst v55  }
0x1ba: {  	v58 =	vmul.f32 v17, v11;
	[tilespmem:s8+$0x170] =	vst v13;
	v59 =	vld [tilespmem:s14+$0x1F0]  }
0x1bb: {  	[tilespmem:s8+$0xFFFFFE70] =	vst v57;
	v60 =	vmul.f32 v16, v10  }
0x1bc: {  	[tilespmem:s8+$0xFFFFFEF0] =	vst v58;
	v61 =	vmul.f32 v54, v9  }
0x1bd: {  	[tilespmem:s8+$0xFFFFFF70] =	vst v60;
	v62 =	vmul.f32 v56, v8  }
0x1be: {  	[tilespmem:s8+$0xFFFFFFF0] =	vst v61;
	v7 =	vmul.f32 v15, v7  }
0x1bf: {  	[tilespmem:s8+$0x70] =	vst v62;
	v6 =	vmul.f32 v59, v6  }
0x1c0: {  	[tilespmem:s8+$0xF0] =	vst v7  }
0x1c1: {  	[tilespmem:s8+$0x1F0] =	vst v6  }
.LBB2_10:
0x1c2: {  	v6 =	vld [tilespmem:$0x5100]  }
0x1c3: {  	v7 =	vld [tilespmem:$0x5110]  }
0x1c4: {  	v8 =	vld [tilespmem:$0x5120];
	_ =	sdelay $0x2  }
0x1c5: {  	[tilespmem:$0x16300] =	vst v6  }
0x1c6: {  	s8 =	sadd.s32 s17, s12;
	[tilespmem:$0x16310] =	vst v7  }
0x1c7: {  	s14 =	sshrl.u32 s8, $0x3;
	[tilespmem:$0x16320] =	vst v8;
	(ifvalue) =	ssetifvalue $0xFFFFFFFF  }
0x1c8: {  	[spmem:s3] =	stream.indirect.scatter.add.f32 [tilespmem:s2], [sflag:$0x5], $0x80, s25, s24, $0x40b8;
	v63 =	vld [tilespmem:$0x0]  }
0x1c9: {  	s1 =	simm.s32 $0x4F00;
	s14 =	sadd.s32 s7, s14  }
0x1ca: {  	[tilespmem:s1], [sflag:$0x3] =	stream.linear.gather [hbm4b:s14+s4], $0x30, $0x38;
	v63 =	vld [tilespmem:$0x0]  }
0x1cb: {  	_ =	swait.ge [sflag:s6], $0x1800  }
0x1cc: {  	[sflag:s6] =	ssyncset.done $0x0  }
0x1cd: {  	[sflag:s6] =	ssyncadd.s32 $0xFFFFE800  }
0x1ce: {  	_ =	swait.ge [sflag:s10], $0x30  }
0x1cf: {  	[sflag:s10] =	ssyncset.done $0x0  }
0x1d0: {  	[sflag:s10] =	ssyncadd.s32 $0xFFFFFFD0  }
0x1d1: {  	v6 =	vld [tilespmem:$0x4F00];
	_ =	sdelay $0x3  }
0x1d2: {  	[tilespmem:$0x5000] =	vst v4  }
0x1d3: {  	[tilespmem:$0x5100] =	vst v4;
	v7 =	vshrl.u32 v6, $0xE  }
0x1d4: {  	[tilespmem:$0x5010] =	vst v4;
	v6 =	vand.u32 $0x3FFF, v6  }
0x1d5: {  	[tilespmem:$0x5110] =	vst v4  }
0x1d6: {  	[tilespmem:$0x5020] =	vst v4  }
0x1d7: {  	[tilespmem:$0x5120] =	vst v4  }
0x1d8: {  	v46 =	vld.idx.msk [tilespmem:v7+s4+$0x0], $0xffff  }
0x1d9: {  	v9 =	vld.idx.msk [tilespmem:v6+s18+$0x0], $0xffff;
	_ =	sdelay $0x4  }
0x1da: {  	v8 =	vadd.f32 v9, v46;
	_ =	sdelay $0x1  }
0x1db: {  	v9 =	vmin.f32 v8, $0.0e+00  }
0x1dc: {  	v9 =	vmul.f32 $2.000000030e-01, v9  }
0x1dd: {  	v8 =	vmax.f32 v8, $0.0e+00  }
0x1de: {  	v8 =	vadd.f32 v9, v8;
	_ =	sdelay $0x1  }
0x1df: {  	v8 =	vmul.f32 $1.442695020e+00, v8;
	_ =	sdelay $0x1  }
0x1e0: {  	(erf) = vpow2.f32 v8  }
0x1e1: {  	v47 =	vmov s8;
	v48 =	vor.u32 s8, v1  }
0x1e2: {  	vm3 =	vlt.u32 v47, $0x4E200;
	vm4 =	vlt.u32 v48, v2;
	v10 =	vsub.s32 v6, v0  }
0x1e3: {  	vm3 =	vmand vm3, vm4;
	vm5 =	vlt.u32 v10, $0x1390  }
0x1e4: {  	vm3 =	vmand vm3, vm5;
	_ =	sdelay $0x4  }
0x1e5: {  	v49 =	vpop (erf)  }
0x1e6: {  	[tilespmem:v6+s20+$0x0] =	vst.idx.add.f32.msk vm3, v49  }
0x1e7: {  	s31 =	simm.s32 $0x5100;
	[tilespmem:s21+$0x0] =	vst.msk vm3, v7  }
0x1e8: {  	[tilespmem:s31+$0x0] =	vst.msk vm3, v10  }
0x1e9: {  	[tilespmem:s23+$0x0] =	vst.msk vm3, v49  }
0x1ea: {  	v6 =	vld [tilespmem:$0x4F10];
	_ =	sdelay $0x4  }
0x1eb: {  	v7 =	vshrl.u32 v6, $0xE  }
0x1ec: {  	v6 =	vand.u32 $0x3FFF, v6;
	_ =	sdelay $0x3  }
0x1ed: {  	v8 =	vld.idx.msk [tilespmem:v7+s4+$0x0], $0xffff  }
0x1ee: {  	v50 =	vld.idx.msk [tilespmem:v6+s18+$0x0], $0xffff  }
0x1ef: {  	v51 =	vsel vm3, $0x1, v5  }
0x1f0: {  	(xrf0) =	vadd.scan.msk.s32 $0xffff, v51;
	_ =	sdelay $0x2  }
0x1f1: {  	v8 =	vadd.f32 v50, v8;
	_ =	sdelay $0x1  }
0x1f2: {  	v9 =	vmin.f32 v8, $0.0e+00  }
0x1f3: {  	v10, _, _ =	vpop (xrf0);
	v9 =	vmul.f32 $2.000000030e-01, v9  }
0x1f4: {  	(v2sf) =	vpush v10, $0xF;
	v8 =	vmax.f32 v8, $0.0e+00  }
0x1f5: {  	v8 =	vadd.f32 v9, v8;
	_ =	sdelay $0x1  }
0x1f6: {  	v8 =	vmul.f32 $1.442695020e+00, v8;
	_ =	sdelay $0x1  }
0x1f7: {  	s1 =	sor.u32 $0x10, s8;
	(erf) = vpow2.f32 v8  }
0x1f8: {  	v52 =	vmov s1;
	v53 =	vor.u32 s1, v1  }
0x1f9: {  	vm12 =	vlt.u32 v53, v2;
	vm3 =	vlt.u32 v52, $0x4E200;
	v54 =	vsub.s32 v6, v0  }
0x1fa: {  	vm3 =	vmand vm3, vm12;
	vm13 =	vlt.u32 v54, $0x1390  }
0x1fb: {  	vm3 =	vmand vm3, vm13;
	_ =	sdelay $0x4  }
0x1fc: {  	v55 =	vpop (erf)  }
0x1fd: {  	s17 =	spop (v2sf);
	[tilespmem:v6+s20+$0x0] =	vst.idx.add.f32.msk vm3, v55  }
0x1fe: {  	[tilespmem:s17+$0x5000] =	vst.msk vm3, v7  }
0x1ff: {  	[tilespmem:s17+$0x5100] =	vst.msk vm3, v54  }
0x200: {  	[tilespmem:s17+$0x5200] =	vst.msk vm3, v55  }
0x201: {  	v6 =	vld [tilespmem:$0x4F20];
	_ =	sdelay $0x4  }
0x202: {  	v7 =	vshrl.u32 v6, $0xE  }
0x203: {  	v6 =	vand.u32 $0x3FFF, v6;
	_ =	sdelay $0x3  }
0x204: {  	s8 =	sadd.s32 $0x20, s8;
	v8 =	vld.idx.msk [tilespmem:v7+s4+$0x0], $0xffff  }
0x205: {  	v11 =	vmov s8;
	v12 =	vor.u32 s8, v1;
	v56 =	vsel vm3, $0x1, v5;
	v10 =	vld.idx.msk [tilespmem:v6+s18+$0x0], $0xffff  }
0x206: {  	vm14 =	vlt.u32 v12, v2;
	(xrf0) =	vadd.scan.msk.s32 $0xffff, v56;
	vm3 =	vlt.u32 v11, $0x4E200;
	v57 =	vsub.s32 v6, v0  }
0x207: {  	vm3 =	vmand vm3, vm14;
	vm15 =	vlt.u32 v57, $0x1390  }
0x208: {  	vm3 =	vmand vm3, vm15  }
0x209: {  	v58 =	vsel vm3, $0x1, v5  }
0x20a: {  	(xrf0) =	vadd.scan.msk.s32 $0xffff, v58;
	v8 =	vadd.f32 v10, v8;
	_ =	sdelay $0x1  }
0x20b: {  	v59, _, _ =	vpop (xrf0);
	v60 =	vmin.f32 v8, $0.0e+00  }
0x20c: {  	(v2sf) =	vpush v59, $0xF;
	v61 =	vmul.f32 $2.000000030e-01, v60  }
0x20d: {  	v8 =	vmax.f32 v8, $0.0e+00  }
0x20e: {  	v8 =	vadd.f32 v61, v8  }
0x20f: {  	v62, _, _ =	vpop (xrf0)  }
0x210: {  	(v2sf) =	vpush v62, $0xF;
	v8 =	vmul.f32 $1.442695020e+00, v8;
	_ =	sdelay $0x1  }
0x211: {  	(erf) = vpow2.f32 v8;
	_ =	sdelay $0x8  }
0x212: {  	s19 =	spop (v2sf);
	v8 =	vpop (erf)  }
0x213: {  	s8 =	sadd.s32 s17, s19;
	[tilespmem:v6+s20+$0x0] =	vst.idx.add.f32.msk vm3, v8  }
0x214: {  	[tilespmem:s8+$0x5000] =	vst.msk vm3, v7  }
0x215: {  	p1 =	seq.s32 s15, $0xD0;
	[tilespmem:s8+$0x5100] =	vst.msk vm3, v57  }
0x216: {  	s26 =	simm.s32 @!p1 $0x5000;
	s22 =	spop (v2sf);
	[tilespmem:s8+$0x5200] =	vst.msk vm3, v8;
	(ifvalue) =	ssetifvalue @!p1 $0xFFFFFFFF  }
0x217: {  	s31 =	simm.s32 @!p1 $0x5300;
	s17 =	simm.s32 @!p1 $0x30;
	(ifvalue) =	ssetifvalue @!p1 $0xFFFFFFFF  }
0x218: {  	[tilespmem:s31], [sflag:$0x1] =	stream.indirect.gather @!p1 [hbm4b:s5+s17], $0x80, s26, s17, $0x40b8;
	v63 =	vld [tilespmem:$0x0]  }
0x219: {  	s31 =	sadd.s32 s9, s16  }
0x21a: {  	s9 =	sadd.s32 $0x7, s31  }
0x21b: {  	p1 =	slt.s32 s9, $0x8  }
.Ltmp9:
0x21c: {  	_ = 	snop;
	(pc) =	sbr.rel @p1 .LBB2_14-.Ltmp9, $4  }
0x21d: {  	_ = 	snop  }
0x21e: {  	_ =	swait.ge [sflag:s13], $0x1800  }
0x21f: {  	[sflag:s13] =	ssyncset.done $0x0  }
0x220: {  	s8 =	sadd.s32 s8, s22;
	[sflag:s13] =	ssyncadd.s32 $0xFFFFE800  }
0x221: {  	s17 =	simm.s32 $0x0;
	s1 =	simm.s32 $0x7;
	s31 =	simm.s32 $0x1  }
0x222: {  	s19 =	simm.s32 $0x2;
	s26 =	simm.s32 $0x5;
	v6 =	vmov s17;
	v7 =	vmov s1;
	v8 =	vmov s31  }
0x223: {  	v9 =	vmov s19;
	v12 =	vmov s26;
	v6 =	vand.u32 $0xFFFFFFF8, v6  }
0x224: {  	s19 =	simm.s32 $0x3;
	v9 =	vand.u32 $0xFFFFFFFA, v9;
	v12 =	vand.u32 $0xFFFFFFFD, v12;
	v10 =	vbroadcast v6, $0x0  }
0x225: {  	s22 =	simm.s32 $0x4;
	v6 =	vand.u32 $0xFFFFFFF9, v8;
	v8 =	vmov s19;
	v9 =	vbroadcast v9, $0x0  }
0x226: {  	v14 =	vbroadcast v12, $0x0;
	v11 =	vbroadcast v6, $0x0;
	v6 =	vmov s22  }
0x227: {  	s14 =	simm.s32 $0x6D00;
	s31 =	simm.s32 $0x6;
	v8 =	vand.u32 $0xFFFFFFFB, v8;
	v6 =	vand.u32 $0xFFFFFFFC, v6  }
0x228: {  	v16 =	vld [tilespmem:s14+$0xFFFFFE80];
	v8 =	vbroadcast v8, $0x0;
	v13 =	vbroadcast v6, $0x0;
	v6 =	vmov s31  }
0x229: {  	v15 =	vand.u32 $0xFFFFFFFE, v6;
	v6 =	vld.idx.msk [tilespmem:v7+s0+$0x0], $0xffff  }
0x22a: {  	v15 =	vbroadcast v15, $0x0;
	v12 =	vld.idx.msk [tilespmem:v10+s0+$0x0], $0xffff  }
0x22b: {  	v10 =	vld.idx.msk [tilespmem:v9+s0+$0x0], $0xffff  }
0x22c: {  	v7 =	vld.idx.msk [tilespmem:v14+s0+$0x0], $0xffff  }
0x22d: {  	v14 =	vld [tilespmem:s14+$0x100]  }
0x22e: {  	v9 =	vld.idx.msk [tilespmem:v8+s0+$0x0], $0xffff  }
0x22f: {  	v8 =	vld.idx.msk [tilespmem:v13+s0+$0x0], $0xffff  }
0x230: {  	v13 =	vld.idx.msk [tilespmem:v15+s0+$0x0], $0xffff  }
0x231: {  	v15 =	vld [tilespmem:s14+$0xFFFFFE00]  }
0x232: {  	v11 =	vld.idx.msk [tilespmem:v11+s0+$0x0], $0xffff  }
0x233: {  	v17 =	vld [tilespmem:s14+$0xFFFFFF00]  }
0x234: {  	v18 =	vld [tilespmem:s14+$0xFFFFFF80]  }
0x235: {  	v19 =	vld [tilespmem:s14+$0x0];
	v14 =	vmul.f32 v14, v13  }
0x236: {  	s16 =	sand.u32 $0xFFFFFFF8, s9;
	s9 =	simm.s32 $0x8500;
	v20 =	vld [tilespmem:s14+$0x80];
	v15 =	vmul.f32 v15, v12  }
0x237: {  	v16 =	vmul.f32 v16, v11;
	[tilespmem:s9+$0x100] =	vst v14;
	v14 =	vld [tilespmem:s14+$0x180]  }
0x238: {  	[tilespmem:s9+$0xFFFFFE00] =	vst v15;
	v15 =	vmul.f32 v17, v10;
	v17 =	vld [tilespmem:s14+$0x110]  }
0x239: {  	[tilespmem:s9+$0xFFFFFE80] =	vst v16;
	v16 =	vmul.f32 v18, v9;
	v21 =	vld [tilespmem:s14+$0xFFFFFE10]  }
0x23a: {  	v18 =	vld [tilespmem:s14+$0xFFFFFE90];
	[tilespmem:s9+$0xFFFFFF00] =	vst v15;
	v15 =	vmul.f32 v19, v8  }
0x23b: {  	[tilespmem:s9+$0xFFFFFF80] =	vst v16;
	v16 =	vmul.f32 v20, v7;
	v19 =	vld [tilespmem:s14+$0xFFFFFF10]  }
0x23c: {  	v20 =	vld [tilespmem:s14+$0xFFFFFF90];
	[tilespmem:s9+$0x0] =	vst v15;
	v14 =	vmul.f32 v14, v6  }
0x23d: {  	[tilespmem:s9+$0x80] =	vst v16;
	v15 =	vld [tilespmem:s14+$0x10];
	v16 =	vmul.f32 v17, v13  }
0x23e: {  	v17 =	vmul.f32 v21, v12;
	v21 =	vld [tilespmem:s14+$0x90];
	[tilespmem:s9+$0x180] =	vst v14  }
0x23f: {  	v14 =	vmul.f32 v18, v11;
	[tilespmem:s9+$0x110] =	vst v16;
	v16 =	vld [tilespmem:s14+$0x190]  }
0x240: {  	[tilespmem:s9+$0xFFFFFE10] =	vst v17;
	v17 =	vmul.f32 v19, v10;
	v18 =	vld [tilespmem:s14+$0x120]  }
0x241: {  	v19 =	vld [tilespmem:s14+$0xFFFFFE20];
	[tilespmem:s9+$0xFFFFFE90] =	vst v14;
	v14 =	vmul.f32 v20, v9  }
0x242: {  	v20 =	vld [tilespmem:s14+$0xFFFFFEA0];
	[tilespmem:s9+$0xFFFFFF10] =	vst v17;
	v15 =	vmul.f32 v15, v8  }
0x243: {  	v17 =	vld [tilespmem:s14+$0xFFFFFF20];
	[tilespmem:s9+$0xFFFFFF90] =	vst v14;
	v14 =	vmul.f32 v21, v7  }
0x244: {  	v21 =	vld [tilespmem:s14+$0xFFFFFFA0];
	[tilespmem:s9+$0x10] =	vst v15;
	v15 =	vmul.f32 v16, v6  }
0x245: {  	v16 =	vld [tilespmem:s14+$0x20];
	[tilespmem:s9+$0x90] =	vst v14;
	v14 =	vmul.f32 v18, v13  }
0x246: {  	v18 =	vmul.f32 v19, v12;
	v19 =	vld [tilespmem:s14+$0xA0];
	[tilespmem:s9+$0x190] =	vst v15  }
0x247: {  	v15 =	vmul.f32 v20, v11;
	[tilespmem:s9+$0x120] =	vst v14;
	v14 =	vld [tilespmem:s14+$0x1A0]  }
0x248: {  	[tilespmem:s9+$0xFFFFFE20] =	vst v18;
	v17 =	vmul.f32 v17, v10;
	v18 =	vld [tilespmem:s14+$0x130]  }
0x249: {  	v20 =	vld [tilespmem:s14+$0xFFFFFE30];
	[tilespmem:s9+$0xFFFFFEA0] =	vst v15;
	v15 =	vmul.f32 v21, v9  }
0x24a: {  	v21 =	vld [tilespmem:s14+$0xFFFFFEB0];
	[tilespmem:s9+$0xFFFFFF20] =	vst v17;
	v16 =	vmul.f32 v16, v8  }
0x24b: {  	v17 =	vld [tilespmem:s14+$0xFFFFFF30];
	[tilespmem:s9+$0xFFFFFFA0] =	vst v15;
	v15 =	vmul.f32 v19, v7  }
0x24c: {  	v19 =	vld [tilespmem:s14+$0xFFFFFFB0];
	[tilespmem:s9+$0x20] =	vst v16;
	v14 =	vmul.f32 v14, v6  }
0x24d: {  	v16 =	vld [tilespmem:s14+$0x30];
	[tilespmem:s9+$0xA0] =	vst v15;
	v15 =	vmul.f32 v18, v13  }
0x24e: {  	v18 =	vmul.f32 v20, v12;
	v20 =	vld [tilespmem:s14+$0xB0];
	[tilespmem:s9+$0x1A0] =	vst v14  }
0x24f: {  	v14 =	vmul.f32 v21, v11;
	[tilespmem:s9+$0x130] =	vst v15;
	v15 =	vld [tilespmem:s14+$0x1B0]  }
0x250: {  	[tilespmem:s9+$0xFFFFFE30] =	vst v18;
	v17 =	vmul.f32 v17, v10;
	v18 =	vld [tilespmem:s14+$0x140]  }
0x251: {  	v21 =	vld [tilespmem:s14+$0xFFFFFE40];
	[tilespmem:s9+$0xFFFFFEB0] =	vst v14;
	v14 =	vmul.f32 v19, v9  }
0x252: {  	v19 =	vld [tilespmem:s14+$0xFFFFFEC0];
	[tilespmem:s9+$0xFFFFFF30] =	vst v17;
	v16 =	vmul.f32 v16, v8  }
0x253: {  	v17 =	vld [tilespmem:s14+$0xFFFFFF40];
	[tilespmem:s9+$0xFFFFFFB0] =	vst v14;
	v14 =	vmul.f32 v20, v7  }
0x254: {  	v20 =	vld [tilespmem:s14+$0xFFFFFFC0];
	[tilespmem:s9+$0x30] =	vst v16;
	v15 =	vmul.f32 v15, v6  }
0x255: {  	v16 =	vld [tilespmem:s14+$0x40];
	[tilespmem:s9+$0xB0] =	vst v14;
	v14 =	vmul.f32 v18, v13  }
0x256: {  	v18 =	vmul.f32 v21, v12;
	v21 =	vld [tilespmem:s14+$0xC0];
	[tilespmem:s9+$0x1B0] =	vst v15  }
0x257: {  	v15 =	vmul.f32 v19, v11;
	[tilespmem:s9+$0x140] =	vst v14;
	v14 =	vld [tilespmem:s14+$0x1C0]  }
0x258: {  	[tilespmem:s9+$0xFFFFFE40] =	vst v18;
	v17 =	vmul.f32 v17, v10;
	v18 =	vld [tilespmem:s14+$0x150]  }
0x259: {  	v19 =	vld [tilespmem:s14+$0xFFFFFE50];
	[tilespmem:s9+$0xFFFFFEC0] =	vst v15;
	v15 =	vmul.f32 v20, v9  }
0x25a: {  	v20 =	vld [tilespmem:s14+$0xFFFFFED0];
	[tilespmem:s9+$0xFFFFFF40] =	vst v17;
	v16 =	vmul.f32 v16, v8  }
0x25b: {  	v17 =	vld [tilespmem:s14+$0xFFFFFF50];
	[tilespmem:s9+$0xFFFFFFC0] =	vst v15;
	v15 =	vmul.f32 v21, v7  }
0x25c: {  	v21 =	vld [tilespmem:s14+$0xFFFFFFD0];
	[tilespmem:s9+$0x40] =	vst v16;
	v14 =	vmul.f32 v14, v6  }
0x25d: {  	v16 =	vld [tilespmem:s14+$0x50];
	[tilespmem:s9+$0xC0] =	vst v15;
	v15 =	vmul.f32 v18, v13  }
0x25e: {  	v18 =	vmul.f32 v19, v12;
	v19 =	vld [tilespmem:s14+$0xD0];
	[tilespmem:s9+$0x1C0] =	vst v14  }
0x25f: {  	v14 =	vmul.f32 v20, v11;
	[tilespmem:s9+$0x150] =	vst v15;
	v20 =	vld [tilespmem:s14+$0x1D0]  }
0x260: {  	p1 =	sgt.s32 s16, $0x8;
	[tilespmem:s9+$0xFFFFFE50] =	vst v18;
	v15 =	vmul.f32 v17, v10;
	v22 =	vld [tilespmem:s14+$0x160]  }
.Ltmp10:
0x261: {  	v18 =	vld [tilespmem:s14+$0xFFFFFE60];
	[tilespmem:s9+$0xFFFFFED0] =	vst v14;
	v14 =	vmul.f32 v21, v9;
	(pc) =	sbr.rel @!p1 .LBB2_13-.Ltmp10, $4  }
0x262: {  	v17 =	vld [tilespmem:s14+$0xFFFFFEE0];
	[tilespmem:s9+$0xFFFFFF50] =	vst v15;
	v21 =	vmul.f32 v16, v8  }
0x263: {  	v16 =	vld [tilespmem:s14+$0xFFFFFF60];
	[tilespmem:s9+$0xFFFFFFD0] =	vst v14;
	v19 =	vmul.f32 v19, v7  }
0x264: {  	v15 =	vld [tilespmem:s14+$0xFFFFFFE0];
	[tilespmem:s9+$0x50] =	vst v21;
	v20 =	vmul.f32 v20, v6  }
0x265: {  	s17 =	simm.s32 $0x8;
	v14 =	vld [tilespmem:s14+$0x60];
	[tilespmem:s9+$0xD0] =	vst v19;
	v19 =	vmul.f32 v22, v13  }
.LBB2_12:
0x266: {  	v21 =	vmov s17;
	s1 =	sadd.s32 $0x7, s17;
	v18 =	vmul.f32 v18, v12;
	v22 =	vld [tilespmem:s14+$0xE0];
	[tilespmem:s9+$0x1D0] =	vst v20  }
0x267: {  	s19 =	sadd.s32 $0x1, s17;
	s22 =	sadd.s32 $0x2, s17;
	v17 =	vmul.f32 v17, v11;
	v20 =	vand.u32 $0xFFFFFFF8, v21;
	v21 =	vmov s1;
	[tilespmem:s9+$0x160] =	vst v19;
	v19 =	vld [tilespmem:s14+$0x1E0]  }
0x268: {  	v16 =	vmul.f32 v16, v10;
	v23 =	vmov s19;
	v24 =	vmov s22;
	s1 =	sadd.s32 $0x3, s17;
	s19 =	sadd.s32 $0x4, s17;
	[tilespmem:s9+$0xFFFFFE60] =	vst v18;
	v18 =	vld [tilespmem:s14+$0x170]  }
0x269: {  	v15 =	vmul.f32 v15, v9;
	v25 =	vmov s1;
	v26 =	vmov s19;
	s1 =	sadd.s32 $0x5, s17;
	v27 =	vld [tilespmem:s14+$0xFFFFFE70];
	[tilespmem:s9+$0xFFFFFEE0] =	vst v17  }
0x26a: {  	v14 =	vmul.f32 v14, v8;
	v17 =	vbroadcast v20, $0x0;
	v20 =	vmov s1;
	v28 =	vld [tilespmem:s14+$0xFFFFFEF0];
	[tilespmem:s9+$0xFFFFFF60] =	vst v16  }
0x26b: {  	v16 =	vand.u32 $0xFFFFFFF9, v23;
	v23 =	vand.u32 $0xFFFFFFFA, v24;
	v24 =	vld [tilespmem:s14+$0xFFFFFF70];
	[tilespmem:s9+$0xFFFFFFE0] =	vst v15;
	v15 =	vmul.f32 v22, v7  }
0x26c: {  	v16 =	vbroadcast v16, $0x0;
	v22 =	vand.u32 $0xFFFFFFFB, v25;
	v25 =	vld [tilespmem:s14+$0xFFFFFFF0];
	[tilespmem:s9+$0x60] =	vst v14;
	v14 =	vmul.f32 v19, v6  }
0x26d: {  	v19 =	vbroadcast v23, $0x0;
	v23 =	vand.u32 $0xFFFFFFFC, v26;
	v26 =	vld [tilespmem:s14+$0x70];
	[tilespmem:s9+$0xE0] =	vst v15;
	v13 =	vmul.f32 v18, v13  }
0x26e: {  	s1 =	sadd.s32 $0x6, s17;
	s17 =	sadd.s32 $0x8, s17;
	v15 =	vbroadcast v22, $0x0;
	v18 =	vand.u32 $0xFFFFFFFD, v20;
	v12 =	vmul.f32 v27, v12;
	v20 =	vld [tilespmem:s14+$0xF0];
	[tilespmem:s9+$0x1E0] =	vst v14  }
0x26f: {  	p1 =	slt.s32 s17, s16;
	v22 =	vmov s1;
	v14 =	vbroadcast v23, $0x0;
	v11 =	vmul.f32 v28, v11;
	[tilespmem:s9+$0x170] =	vst v13;
	v13 =	vld [tilespmem:s14+$0x1F0]  }
0x270: {  	v18 =	vbroadcast v18, $0x0;
	v22 =	vand.u32 $0xFFFFFFFE, v22;
	v21 =	vld.idx.msk [tilespmem:v21+s0+$0x0], $0xffff;
	[tilespmem:s9+$0xFFFFFE70] =	vst v12;
	v10 =	vmul.f32 v24, v10  }
0x271: {  	v12 =	vld.idx.msk [tilespmem:v17+s0+$0x0], $0xffff;
	v17 =	vbroadcast v22, $0x0;
	[tilespmem:s9+$0xFFFFFEF0] =	vst v11;
	v9 =	vmul.f32 v25, v9  }
0x272: {  	v11 =	vld.idx.msk [tilespmem:v16+s0+$0x0], $0xffff;
	[tilespmem:s9+$0xFFFFFF70] =	vst v10;
	v8 =	vmul.f32 v26, v8  }
0x273: {  	v10 =	vld.idx.msk [tilespmem:v19+s0+$0x0], $0xffff;
	[tilespmem:s9+$0xFFFFFFF0] =	vst v9;
	v7 =	vmul.f32 v20, v7  }
0x274: {  	v9 =	vld.idx.msk [tilespmem:v15+s0+$0x0], $0xffff;
	[tilespmem:s9+$0x70] =	vst v8;
	v13 =	vmul.f32 v13, v6  }
0x275: {  	v8 =	vld.idx.msk [tilespmem:v14+s0+$0x0], $0xffff;
	[tilespmem:s9+$0xF0] =	vst v7  }
0x276: {  	v6 =	vmov v21;
	v7 =	vld.idx.msk [tilespmem:v18+s0+$0x0], $0xffff;
	[tilespmem:s9+$0x1F0] =	vst v13  }
0x277: {  	s14 =	sadd.s32 $0x400, s14;
	v13 =	vld.idx.msk [tilespmem:v17+s0+$0x0], $0xffff  }
0x278: {  	v14 =	vld [tilespmem:s14+$0x100]  }
0x279: {  	v15 =	vld [tilespmem:s14+$0xFFFFFE00]  }
0x27a: {  	v16 =	vld [tilespmem:s14+$0xFFFFFE80]  }
0x27b: {  	v17 =	vld [tilespmem:s14+$0xFFFFFF00]  }
0x27c: {  	v18 =	vld [tilespmem:s14+$0xFFFFFF80]  }
0x27d: {  	v19 =	vld [tilespmem:s14+$0x0];
	v14 =	vmul.f32 v14, v13  }
0x27e: {  	s9 =	sadd.s32 $0x400, s9;
	v15 =	vmul.f32 v15, v12;
	v20 =	vld [tilespmem:s14+$0x80]  }
0x27f: {  	v16 =	vmul.f32 v16, v11;
	[tilespmem:s9+$0x100] =	vst v14;
	v14 =	vld [tilespmem:s14+$0x180]  }
0x280: {  	[tilespmem:s9+$0xFFFFFE00] =	vst v15;
	v15 =	vmul.f32 v17, v10;
	v17 =	vld [tilespmem:s14+$0x110]  }
0x281: {  	v21 =	vld [tilespmem:s14+$0xFFFFFE10];
	[tilespmem:s9+$0xFFFFFE80] =	vst v16;
	v16 =	vmul.f32 v18, v9  }
0x282: {  	v18 =	vld [tilespmem:s14+$0xFFFFFE90];
	[tilespmem:s9+$0xFFFFFF00] =	vst v15;
	v15 =	vmul.f32 v19, v8  }
0x283: {  	v19 =	vld [tilespmem:s14+$0xFFFFFF10];
	[tilespmem:s9+$0xFFFFFF80] =	vst v16;
	v16 =	vmul.f32 v20, v7  }
0x284: {  	v20 =	vld [tilespmem:s14+$0xFFFFFF90];
	[tilespmem:s9+$0x0] =	vst v15;
	v14 =	vmul.f32 v14, v6  }
0x285: {  	v15 =	vld [tilespmem:s14+$0x10];
	[tilespmem:s9+$0x80] =	vst v16;
	v16 =	vmul.f32 v17, v13  }
0x286: {  	v17 =	vmul.f32 v21, v12;
	v21 =	vld [tilespmem:s14+$0x90];
	[tilespmem:s9+$0x180] =	vst v14  }
0x287: {  	v14 =	vmul.f32 v18, v11;
	[tilespmem:s9+$0x110] =	vst v16;
	v16 =	vld [tilespmem:s14+$0x190]  }
0x288: {  	[tilespmem:s9+$0xFFFFFE10] =	vst v17;
	v17 =	vmul.f32 v19, v10;
	v18 =	vld [tilespmem:s14+$0x120]  }
0x289: {  	v19 =	vld [tilespmem:s14+$0xFFFFFE20];
	[tilespmem:s9+$0xFFFFFE90] =	vst v14;
	v14 =	vmul.f32 v20, v9  }
0x28a: {  	v20 =	vld [tilespmem:s14+$0xFFFFFEA0];
	[tilespmem:s9+$0xFFFFFF10] =	vst v17;
	v15 =	vmul.f32 v15, v8  }
0x28b: {  	v17 =	vld [tilespmem:s14+$0xFFFFFF20];
	[tilespmem:s9+$0xFFFFFF90] =	vst v14;
	v14 =	vmul.f32 v21, v7  }
0x28c: {  	v21 =	vld [tilespmem:s14+$0xFFFFFFA0];
	[tilespmem:s9+$0x10] =	vst v15;
	v15 =	vmul.f32 v16, v6  }
0x28d: {  	v16 =	vld [tilespmem:s14+$0x20];
	[tilespmem:s9+$0x90] =	vst v14;
	v14 =	vmul.f32 v18, v13  }
0x28e: {  	v18 =	vmul.f32 v19, v12;
	v19 =	vld [tilespmem:s14+$0xA0];
	[tilespmem:s9+$0x190] =	vst v15  }
0x28f: {  	v15 =	vmul.f32 v20, v11;
	[tilespmem:s9+$0x120] =	vst v14;
	v14 =	vld [tilespmem:s14+$0x1A0]  }
0x290: {  	[tilespmem:s9+$0xFFFFFE20] =	vst v18;
	v17 =	vmul.f32 v17, v10;
	v18 =	vld [tilespmem:s14+$0x130]  }
0x291: {  	v20 =	vld [tilespmem:s14+$0xFFFFFE30];
	[tilespmem:s9+$0xFFFFFEA0] =	vst v15;
	v15 =	vmul.f32 v21, v9  }
0x292: {  	v21 =	vld [tilespmem:s14+$0xFFFFFEB0];
	[tilespmem:s9+$0xFFFFFF20] =	vst v17;
	v16 =	vmul.f32 v16, v8  }
0x293: {  	v17 =	vld [tilespmem:s14+$0xFFFFFF30];
	[tilespmem:s9+$0xFFFFFFA0] =	vst v15;
	v15 =	vmul.f32 v19, v7  }
0x294: {  	v19 =	vld [tilespmem:s14+$0xFFFFFFB0];
	[tilespmem:s9+$0x20] =	vst v16;
	v14 =	vmul.f32 v14, v6  }
0x295: {  	v16 =	vld [tilespmem:s14+$0x30];
	[tilespmem:s9+$0xA0] =	vst v15;
	v15 =	vmul.f32 v18, v13  }
0x296: {  	v18 =	vmul.f32 v20, v12;
	v20 =	vld [tilespmem:s14+$0xB0];
	[tilespmem:s9+$0x1A0] =	vst v14  }
0x297: {  	v14 =	vmul.f32 v21, v11;
	[tilespmem:s9+$0x130] =	vst v15;
	v15 =	vld [tilespmem:s14+$0x1B0]  }
0x298: {  	[tilespmem:s9+$0xFFFFFE30] =	vst v18;
	v17 =	vmul.f32 v17, v10;
	v18 =	vld [tilespmem:s14+$0x140]  }
0x299: {  	v21 =	vld [tilespmem:s14+$0xFFFFFE40];
	[tilespmem:s9+$0xFFFFFEB0] =	vst v14;
	v14 =	vmul.f32 v19, v9  }
0x29a: {  	v19 =	vld [tilespmem:s14+$0xFFFFFEC0];
	[tilespmem:s9+$0xFFFFFF30] =	vst v17;
	v16 =	vmul.f32 v16, v8  }
0x29b: {  	v17 =	vld [tilespmem:s14+$0xFFFFFF40];
	[tilespmem:s9+$0xFFFFFFB0] =	vst v14;
	v14 =	vmul.f32 v20, v7  }
0x29c: {  	v20 =	vld [tilespmem:s14+$0xFFFFFFC0];
	[tilespmem:s9+$0x30] =	vst v16;
	v15 =	vmul.f32 v15, v6  }
0x29d: {  	v16 =	vld [tilespmem:s14+$0x40];
	[tilespmem:s9+$0xB0] =	vst v14;
	v14 =	vmul.f32 v18, v13  }
0x29e: {  	v18 =	vmul.f32 v21, v12;
	v21 =	vld [tilespmem:s14+$0xC0];
	[tilespmem:s9+$0x1B0] =	vst v15  }
0x29f: {  	v15 =	vmul.f32 v19, v11;
	[tilespmem:s9+$0x140] =	vst v14;
	v14 =	vld [tilespmem:s14+$0x1C0]  }
0x2a0: {  	[tilespmem:s9+$0xFFFFFE40] =	vst v18;
	v17 =	vmul.f32 v17, v10;
	v18 =	vld [tilespmem:s14+$0x150]  }
0x2a1: {  	v19 =	vld [tilespmem:s14+$0xFFFFFE50];
	[tilespmem:s9+$0xFFFFFEC0] =	vst v15;
	v15 =	vmul.f32 v20, v9  }
0x2a2: {  	v20 =	vld [tilespmem:s14+$0xFFFFFED0];
	[tilespmem:s9+$0xFFFFFF40] =	vst v17;
	v16 =	vmul.f32 v16, v8  }
0x2a3: {  	v17 =	vld [tilespmem:s14+$0xFFFFFF50];
	[tilespmem:s9+$0xFFFFFFC0] =	vst v15;
	v15 =	vmul.f32 v21, v7  }
0x2a4: {  	v21 =	vld [tilespmem:s14+$0xFFFFFFD0];
	[tilespmem:s9+$0x40] =	vst v16;
	v14 =	vmul.f32 v14, v6  }
0x2a5: {  	v16 =	vld [tilespmem:s14+$0x50];
	[tilespmem:s9+$0xC0] =	vst v15;
	v15 =	vmul.f32 v18, v13  }
0x2a6: {  	v18 =	vmul.f32 v19, v12;
	v19 =	vld [tilespmem:s14+$0xD0];
	[tilespmem:s9+$0x1C0] =	vst v14  }
0x2a7: {  	v14 =	vmul.f32 v20, v11;
	[tilespmem:s9+$0x150] =	vst v15;
	v20 =	vld [tilespmem:s14+$0x1D0]  }
0x2a8: {  	[tilespmem:s9+$0xFFFFFE50] =	vst v18;
	v15 =	vmul.f32 v17, v10;
	v22 =	vld [tilespmem:s14+$0x160]  }
.Ltmp11:
0x2a9: {  	v18 =	vld [tilespmem:s14+$0xFFFFFE60];
	[tilespmem:s9+$0xFFFFFED0] =	vst v14;
	v14 =	vmul.f32 v21, v9;
	(pc) =	sbr.rel @p1 .LBB2_12-.Ltmp11, $4  }
0x2aa: {  	v17 =	vld [tilespmem:s14+$0xFFFFFEE0];
	[tilespmem:s9+$0xFFFFFF50] =	vst v15;
	v21 =	vmul.f32 v16, v8  }
0x2ab: {  	v16 =	vld [tilespmem:s14+$0xFFFFFF60];
	[tilespmem:s9+$0xFFFFFFD0] =	vst v14;
	v19 =	vmul.f32 v19, v7  }
0x2ac: {  	v15 =	vld [tilespmem:s14+$0xFFFFFFE0];
	[tilespmem:s9+$0x50] =	vst v21;
	v20 =	vmul.f32 v20, v6  }
0x2ad: {  	v14 =	vld [tilespmem:s14+$0x60];
	[tilespmem:s9+$0xD0] =	vst v19;
	v19 =	vmul.f32 v22, v13  }
.Ltmp12:
0x2ae: {  	_ = 	snop;
	(pc) =	sbr.rel .LBB2_13-.Ltmp12, $1  }
0x2af: {  	_ =	sdelay $0x3  }
.LBB2_16:
0x2b0: {  	_ =	sfence.sel $0x180000  }
0x2b1: {  	[bflag:$0x0] =	sbarrier.arrive $0xFFFF  }
0x2b2: {  	_ =	strace $0x90000047  }
0x2b3: {  	s0 =	stileid.u32;
	[bflag:$0x2] =	sbarrier.arrive $0xFFFF  }
0x2b4: {  	p0 =	sne.s32 s0, $0x0;
	s0 =	rddreg [dreg:$0x3]  }
0x2b5: {  	s0 =	sadd.s32 @!p0 $0x100000, s0  }
0x2b6: {  	[sflag:s0] =	ssyncadd.tile.s32 @!p0 $0x1;
	_ =	shalt  }
.Lfunc_end2:
_tile_overlayer_lowered:
.L_overlay_start_2:
0x2b7: {  	(tag) =	ssettag $0x2  }
0x2b8: {  	s0 =	rddreg [dreg:$0x0];
	s2 =	stileid.u32  }
0x2b9: {  	s1 =	rddreg [dreg:$0x1];
	p0 =	sne.s32 s2, $0x0  }
0x2ba: {  	s3 =	rddreg [dreg:$0x2];
	[bflag:$0x3] =	sbarrier.arrive $0xFFFF;
	s2 =	simm.s32 @!p0 $0x1C06  }
0x2bb: {  	[timem:s3], [sflag:s2] =	dma.local @!p0 [hbm:s0], s1  }
0x2bc: {  	s0 =	simm.s32 @!p0 $0x6  }
0x2bd: {  	_ =	swait.ge @!p0 [sflag:s0], s1  }
0x2be: {  	s1 =	ssub.s32 @!p0 $0x0, s1;
	[sflag:s0] =	ssyncset.done @!p0 $0x0  }
0x2bf: {  	[sflag:s0] =	ssyncadd.s32 @!p0 s1  }
0x2c0: {  	[bflag:$0x3] =	sbarrier.arrive $0xFFFF  }
0x2c1: {  	_ =	shalt  }

</sc_bundles>
